<compile_context>
chip_gen: v7x
topology: tpu7x:2x2x1
jax: 0.10.2.dev20260603
libtpu: 0.0.44.dev20260713+nightly
codegen_flags: <defaults>
</compile_context>

<pallas_src>
import functools

import jax
import jax.numpy as jnp
from jax import lax
from jax.experimental import pallas as pl
from jax.experimental.pallas import tpu as pltpu
from jax.experimental.pallas import tpu_sc as plsc

_IN = 784
_OUT = 128
_K = 20
_B = 512
_NCH = _IN // 16
_U = 4

_NEG = -3.0e38


def _sort(v):
    return lax.sort(v, dimension=0, is_stable=False)


def _sc_body(x_hbm, w_hbm, b_hbm, out_hbm, x_v, w_v, b_v, o_v, *, rpw, opw):
    cid = lax.axis_index("c")
    sid = lax.axis_index("s")
    row0 = sid * rpw
    col0 = cid * opw

    pltpu.sync_copy(x_hbm.at[pl.ds(row0, rpw), :], x_v)
    pltpu.sync_copy(w_hbm.at[pl.ds(col0, opw), :], w_v)
    pltpu.sync_copy(b_hbm.at[pl.ds(col0, opw)], b_v)

    zero = jnp.zeros((16,), jnp.float32)
    neg = jnp.full((16,), _NEG, jnp.float32)
    pos = jnp.full((16,), -_NEG, jnp.float32)
    lanes = lax.iota(jnp.int32, 16)
    hi4 = lanes >= 12

    def pair_block(i, j0):
        init = (neg, pos, neg, pos, zero)

        def chunk(c, flat):
            states = [tuple(flat[u * 5:(u + 1) * 5]) for u in range(_U)]
            xc = x_v[i, pl.ds(c * 16, 16)]
            out = []
            for u in range(_U):
                r0t, n1t, r0b, n1b, acc = states[u]
                wc = w_v[j0 + u, pl.ds(c * 16, 16)]
                p = xc * wc
                acc = acc + p
                sp = _sort(p)
                sn = _sort(-p)
                ms = _sort(jnp.maximum(r0t, -sn))
                u1 = -n1t
                n1t = _sort(-jnp.maximum(ms, u1))
                r0t = _sort(jnp.minimum(ms, u1))
                ms2 = _sort(jnp.maximum(r0b, -sp))
                u1b = -n1b
                n1b = _sort(-jnp.maximum(ms2, u1b))
                r0b = _sort(jnp.minimum(ms2, u1b))
                out.extend((r0t, n1t, r0b, n1b, acc))
            return tuple(out)

        flat0 = tuple(v for _ in range(_U) for v in init)
        flat = lax.fori_loop(0, _NCH, chunk, flat0)
        res = []
        for u in range(_U):
            r0t, n1t, r0b, n1b, acc = flat[u * 5:(u + 1) * 5]
            top20 = -jnp.sum(n1t) + jnp.sum(jnp.where(hi4, r0t, 0.0))
            bot20n = -jnp.sum(n1b) + jnp.sum(jnp.where(hi4, r0b, 0.0))
            res.append(jnp.sum(acc) - top20 + bot20n)
        return res

    def jloop(jj, i):
        vals = []
        for blk in range(16 // _U):
            vals.extend(pair_block(i, jj * 16 + blk * _U))
        vec = zero
        for m, s in enumerate(vals):
            vec = jnp.where(lanes == m, s, vec)
        o_v[i, pl.ds(jj * 16, 16)] = vec + b_v[pl.ds(jj * 16, 16)]
        return i

    def iloop(i, carry):
        lax.fori_loop(0, opw // 16, jloop, i)
        return carry

    lax.fori_loop(0, rpw, iloop, 0)
    pltpu.sync_copy(o_v, out_hbm.at[cid, pl.ds(row0, rpw), :])


@jax.jit
def kernel(x, W, b):
    info = plsc.get_sparse_core_info()
    nc, ns = info.num_cores, info.num_subcores
    rpw = _B // ns
    opw = _OUT // nc
    mesh = plsc.VectorSubcoreMesh(core_axis_name="c", subcore_axis_name="s")
    f = functools.partial(
        pl.kernel,
        out_type=jax.ShapeDtypeStruct((nc, _B, opw), jnp.float32),
        mesh=mesh,
        compiler_params=pltpu.CompilerParams(needs_layout_passes=False),
        scratch_types=[
            pltpu.VMEM((rpw, _IN), jnp.float32),
            pltpu.VMEM((opw, _IN), jnp.float32),
            pltpu.VMEM((opw,), jnp.float32),
            pltpu.VMEM((rpw, opw), jnp.float32),
        ],
    )(functools.partial(_sc_body, rpw=rpw, opw=opw))
    halves = f(x, W, b)
    return jnp.concatenate([halves[i] for i in range(nc)], axis=1)

# --- scband reference (transcript-rebuilt; emitter-appended) ---
"""Pipeline reference for scband-fast-trunc-16045997818607 (READ-ONLY COPY).

The authoritative reference and input builder live on the scoring server;
editing this copy changes nothing except your own understanding.
"""

import jax, jax.numpy as jnp
import numpy as np

IN_FEATURES = 784
OUT_FEATURES = 128
K = 20
BATCH = 512

def setup_inputs(seed: int = 0) -> dict:
    key = jax.random.key(seed)
    k1, k2, k3 = jax.random.split(key, 3)
    k0 = float(np.sqrt(1.0 / IN_FEATURES))
    x = jax.random.normal(k1, (BATCH, IN_FEATURES), dtype=jnp.float32)
    # w = -1 * (-2*k0*rand(out,in) + k0)  (torch uniform[0,1))
    W = -1.0 * (-2.0 * k0 * jax.random.uniform(k2, (OUT_FEATURES, IN_FEATURES), dtype=jnp.float32) + k0)
    b = -1.0 * (-2.0 * k0 * jax.random.uniform(k3, (OUT_FEATURES,), dtype=jnp.float32) + k0)
    return {"x": x, "W": W, "b": b}

def reference(x, W, b):
    # x_vals = x.clone().detach()
    x_vals = jax.lax.stop_gradient(x)
    out = jnp.matmul(x, W.T)
    # temp: [B, out_features, in_features]
    temp = x_vals.reshape(-1, 1, IN_FEATURES) * W
    val_1, _ = jax.lax.top_k(temp, K)
    val_2, _ = jax.lax.top_k(-1.0 * temp, K)
    out = out - val_1.sum(axis=-1)
    out = out + val_2.sum(axis=-1)
    out = out + b
    return out

if __name__ == "__main__":
    import jax
    _d = setup_inputs()
    print(jax.jit(kernel)(*tuple(_d.values())))

</pallas_src>

<mosaic_0001>
#map = affine_map<(d0, d1) -> (0, 0)>
#map1 = affine_map<(d0, d1) -> (0)>
#map2 = affine_map<(d0, d1) -> (0, 0, 0)>
module attributes {stable_mosaic.version = 14 : i64} {
  func.func @_sc_body(%arg0: i32, %arg1: i32, %arg2: memref<512x784xf32, #tpu.memory_space<hbm>>, %arg3: memref<128x784xf32, #tpu.memory_space<hbm>>, %arg4: memref<128xf32, #tpu.memory_space<hbm>>, %arg5: memref<2x512x64xf32, #tpu.memory_space<hbm>>, %arg6: memref<32x784xf32, #tpu.memory_space<vmem>>, %arg7: memref<64x784xf32, #tpu.memory_space<vmem>>, %arg8: memref<64xf32, #tpu.memory_space<vmem>>, %arg9: memref<32x64xf32, #tpu.memory_space<vmem>>) attributes {dimension_semantics = [#tpu.dimension_semantics<core_parallel>, #tpu.dimension_semantics<subcore_parallel>], iteration_bounds = array<i64: 2, 16>, scalar_prefetch = 0 : i64, scratch_operands = 4 : i64, tpu.core_type = #tpu.core_type<sc_vector_subcore>, window_params = [{transform_indices = #map}, {transform_indices = #map}, {transform_indices = #map1}, {transform_indices = #map2}]} {
    %mul3A = arith.constant 32 : i32
    %mul3A_0 = arith.muli %arg1, %mul3A : i32
    %mul3A_1 = arith.constant 64 : i32
    %mul3A_2 = arith.muli %arg0, %mul3A_1 : i32
    "tpu.region"() ({
      %run_scoped3A = tpu.sem_alloc : memref<!tpu.dma_semaphore, #tpu.memory_space<semaphore_mem>>
      %dma_start3A = arith.constant 0 : i32
      %dma_start3A_15 = tpu.memref_slice %arg2[%mul3A_0, %dma_start3A] : memref<512x784xf32, #tpu.memory_space<hbm>> -> memref<32x784xf32, #tpu.memory_space<hbm>>
      %dma_start3A_16 = arith.constant 0 : i32
      %dma_start3A_17 = tpu.memref_slice %arg2[%mul3A_0, %dma_start3A_16] : memref<512x784xf32, #tpu.memory_space<hbm>> -> memref<32x784xf32, #tpu.memory_space<hbm>>
      tpu.enqueue_dma source(%dma_start3A_17 : memref<32x784xf32, #tpu.memory_space<hbm>>) target(%arg6 : memref<32x784xf32, #tpu.memory_space<vmem>>) target_semaphore(%run_scoped3A : memref<!tpu.dma_semaphore, #tpu.memory_space<semaphore_mem>>)
      %dma_wait3A = arith.constant 0 : i32
      %dma_wait3A_18 = tpu.memref_slice %arg2[%mul3A_0, %dma_wait3A] : memref<512x784xf32, #tpu.memory_space<hbm>> -> memref<32x784xf32, #tpu.memory_space<hbm>>
      %dma_wait3A_19 = arith.constant 0 : i32
      %dma_wait3A_20 = tpu.memref_slice %arg2[%mul3A_0, %dma_wait3A_19] : memref<512x784xf32, #tpu.memory_space<hbm>> -> memref<32x784xf32, #tpu.memory_space<hbm>>
      tpu.wait_dma2 semaphore(%run_scoped3A : memref<!tpu.dma_semaphore, #tpu.memory_space<semaphore_mem>>) src(%dma_wait3A_20 : memref<32x784xf32, #tpu.memory_space<hbm>>) dst(%arg6 : memref<32x784xf32, #tpu.memory_space<vmem>>)
      tpu.yield
    }) : () -> ()
    "tpu.region"() ({
      %run_scoped3A = tpu.sem_alloc : memref<!tpu.dma_semaphore, #tpu.memory_space<semaphore_mem>>
      %dma_start3A = arith.constant 0 : i32
      %dma_start3A_15 = tpu.memref_slice %arg3[%mul3A_2, %dma_start3A] : memref<128x784xf32, #tpu.memory_space<hbm>> -> memref<64x784xf32, #tpu.memory_space<hbm>>
      %dma_start3A_16 = arith.constant 0 : i32
      %dma_start3A_17 = tpu.memref_slice %arg3[%mul3A_2, %dma_start3A_16] : memref<128x784xf32, #tpu.memory_space<hbm>> -> memref<64x784xf32, #tpu.memory_space<hbm>>
      tpu.enqueue_dma source(%dma_start3A_17 : memref<64x784xf32, #tpu.memory_space<hbm>>) target(%arg7 : memref<64x784xf32, #tpu.memory_space<vmem>>) target_semaphore(%run_scoped3A : memref<!tpu.dma_semaphore, #tpu.memory_space<semaphore_mem>>)
      %dma_wait3A = arith.constant 0 : i32
      %dma_wait3A_18 = tpu.memref_slice %arg3[%mul3A_2, %dma_wait3A] : memref<128x784xf32, #tpu.memory_space<hbm>> -> memref<64x784xf32, #tpu.memory_space<hbm>>
      %dma_wait3A_19 = arith.constant 0 : i32
      %dma_wait3A_20 = tpu.memref_slice %arg3[%mul3A_2, %dma_wait3A_19] : memref<128x784xf32, #tpu.memory_space<hbm>> -> memref<64x784xf32, #tpu.memory_space<hbm>>
      tpu.wait_dma2 semaphore(%run_scoped3A : memref<!tpu.dma_semaphore, #tpu.memory_space<semaphore_mem>>) src(%dma_wait3A_20 : memref<64x784xf32, #tpu.memory_space<hbm>>) dst(%arg7 : memref<64x784xf32, #tpu.memory_space<vmem>>)
      tpu.yield
    }) : () -> ()
    "tpu.region"() ({
      %run_scoped3A = tpu.sem_alloc : memref<!tpu.dma_semaphore, #tpu.memory_space<semaphore_mem>>
      %dma_start3A = tpu.memref_slice %arg4[%mul3A_2] : memref<128xf32, #tpu.memory_space<hbm>> -> memref<64xf32, #tpu.memory_space<hbm>>
      %dma_start3A_15 = tpu.memref_slice %arg4[%mul3A_2] : memref<128xf32, #tpu.memory_space<hbm>> -> memref<64xf32, #tpu.memory_space<hbm>>
      tpu.enqueue_dma source(%dma_start3A_15 : memref<64xf32, #tpu.memory_space<hbm>>) target(%arg8 : memref<64xf32, #tpu.memory_space<vmem>>) target_semaphore(%run_scoped3A : memref<!tpu.dma_semaphore, #tpu.memory_space<semaphore_mem>>)
      %dma_wait3A = tpu.memref_slice %arg4[%mul3A_2] : memref<128xf32, #tpu.memory_space<hbm>> -> memref<64xf32, #tpu.memory_space<hbm>>
      %dma_wait3A_16 = tpu.memref_slice %arg4[%mul3A_2] : memref<128xf32, #tpu.memory_space<hbm>> -> memref<64xf32, #tpu.memory_space<hbm>>
      tpu.wait_dma2 semaphore(%run_scoped3A : memref<!tpu.dma_semaphore, #tpu.memory_space<semaphore_mem>>) src(%dma_wait3A_16 : memref<64xf32, #tpu.memory_space<hbm>>) dst(%arg8 : memref<64xf32, #tpu.memory_space<vmem>>)
      tpu.yield
    }) : () -> ()
    %broadcast_in_dim3A = arith.constant 0.000000e+00 : f32
    %broadcast_in_dim3A_3 = vector.broadcast %broadcast_in_dim3A : f32 to vector<16xf32>
    %broadcast_in_dim3A_4 = arith.constant -3.000000e+38 : f32
    %broadcast_in_dim3A_5 = vector.broadcast %broadcast_in_dim3A_4 : f32 to vector<16xf32>
    %broadcast_in_dim3A_6 = arith.constant 3.000000e+38 : f32
    %broadcast_in_dim3A_7 = vector.broadcast %broadcast_in_dim3A_6 : f32 to vector<16xf32>
    %iota3A = tpu.iota {dimensions = array<i32: 0>} : vector<16xi32>
    %ge3A = arith.constant 12 : i32
    %ge3A_8 = vector.broadcast %ge3A : i32 to vector<16xi32>
    %ge3A_9 = arith.cmpi sge, %iota3A, %ge3A_8 : vector<16xi32>
    %scan3A = arith.constant 0 : i32
    %scan3A_10 = arith.constant 0 : i32
    %scan3A_11 = arith.constant 32 : i32
    %scan3A_12 = arith.addi %scan3A_10, %scan3A_11 : i32
    %scan3A_13 = arith.constant 1 : i32
    scf.for %scan3A_15 = %scan3A_10 to %scan3A_12 step %scan3A_13  : i32 {
      %scan3A_16 = arith.constant 0 : i32
      %scan3A_17 = arith.constant 4 : i32
      %scan3A_18 = arith.addi %scan3A_16, %scan3A_17 : i32
      %scan3A_19 = arith.constant 1 : i32
      scf.for %scan3A_21 = %scan3A_16 to %scan3A_18 step %scan3A_19  : i32 {
        %mul3A_22 = arith.constant 16 : i32
        %mul3A_23 = arith.muli %scan3A_21, %mul3A_22 : i32
        %add3A = arith.constant 0 : i32
        %add3A_24 = arith.addi %mul3A_23, %add3A : i32
        %scan3A_25 = arith.constant 0 : i32
        %scan3A_26 = arith.constant 49 : i32
        %scan3A_27 = arith.addi %scan3A_25, %scan3A_26 : i32
        %scan3A_28 = arith.constant 1 : i32
        %scan3A_29:20 = scf.for %scan3A_687 = %scan3A_25 to %scan3A_27 step %scan3A_28 iter_args(%scan3A_688 = %broadcast_in_dim3A_5, %scan3A_689 = %broadcast_in_dim3A_7, %scan3A_690 = %broadcast_in_dim3A_5, %scan3A_691 = %broadcast_in_dim3A_7, %scan3A_692 = %broadcast_in_dim3A_3, %scan3A_693 = %broadcast_in_dim3A_5, %scan3A_694 = %broadcast_in_dim3A_7, %scan3A_695 = %broadcast_in_dim3A_5, %scan3A_696 = %broadcast_in_dim3A_7, %scan3A_697 = %broadcast_in_dim3A_3, %scan3A_698 = %broadcast_in_dim3A_5, %scan3A_699 = %broadcast_in_dim3A_7, %scan3A_700 = %broadcast_in_dim3A_5, %scan3A_701 = %broadcast_in_dim3A_7, %scan3A_702 = %broadcast_in_dim3A_3, %scan3A_703 = %broadcast_in_dim3A_5, %scan3A_704 = %broadcast_in_dim3A_7, %scan3A_705 = %broadcast_in_dim3A_5, %scan3A_706 = %broadcast_in_dim3A_7, %scan3A_707 = %broadcast_in_dim3A_3) -> (vector<16xf32>, vector<16xf32>, vector<16xf32>, vector<16xf32>, vector<16xf32>, vector<16xf32>, vector<16xf32>, vector<16xf32>, vector<16xf32>, vector<16xf32>, vector<16xf32>, vector<16xf32>, vector<16xf32>, vector<16xf32>, vector<16xf32>, vector<16xf32>, vector<16xf32>, vector<16xf32>, vector<16xf32>, vector<16xf32>)  : i32 {
          %mul3A_708 = arith.constant 16 : i32
          %mul3A_709 = arith.muli %scan3A_687, %mul3A_708 : i32
          %get3A_710 = arith.index_cast %scan3A_15 : i32 to index
          %get3A_711 = arith.index_cast %mul3A_709 : i32 to index
          %get3A_712 = tpu.vector_load %arg6[%get3A_710, %get3A_711] {strides = array<i32>} : memref<32x784xf32, #tpu.memory_space<vmem>>, vector<16xf32>,
          %add3A_713 = arith.constant 0 : i32
          %add3A_714 = arith.addi %add3A_24, %add3A_713 : i32
          %mul3A_715 = arith.constant 16 : i32
          %mul3A_716 = arith.muli %scan3A_687, %mul3A_715 : i32
          %get3A_717 = arith.index_cast %add3A_714 : i32 to index
          %get3A_718 = arith.index_cast %mul3A_716 : i32 to index
          %get3A_719 = tpu.vector_load %arg7[%get3A_717, %get3A_718] {strides = array<i32>} : memref<64x784xf32, #tpu.memory_space<vmem>>, vector<16xf32>,
          %mul3A_720 = arith.mulf %get3A_712, %get3A_719 : vector<16xf32>
          %add3A_721 = arith.addf %scan3A_692, %mul3A_720 : vector<16xf32>
          %sort3A = arith.constant dense<true> : vector<16xi1>
          %sort3A_722, %sort3A_723, %sort3A_724 = tpu.sort %mul3A_720, %mul3A_720 masked %sort3A : (vector<16xf32>, vector<16xf32>, vector<16xi1>) -> (vector<16xi1>, vector<16xf32>, vector<16xf32>)
          %neg3A_725 = arith.constant 0.000000e+00 : f32
          %neg3A_726 = vector.broadcast %neg3A_725 : f32 to vector<16xf32>
          %neg3A_727 = arith.subf %neg3A_726, %mul3A_720 : vector<16xf32>
          %sort3A_728 = arith.constant dense<true> : vector<16xi1>
          %sort3A_729, %sort3A_730, %sort3A_731 = tpu.sort %neg3A_727, %neg3A_727 masked %sort3A_728 : (vector<16xf32>, vector<16xf32>, vector<16xi1>) -> (vector<16xi1>, vector<16xf32>, vector<16xf32>)
          %neg3A_732 = arith.constant 0.000000e+00 : f32
          %neg3A_733 = vector.broadcast %neg3A_732 : f32 to vector<16xf32>
          %neg3A_734 = arith.subf %neg3A_733, %sort3A_730 : vector<16xf32>
          %max3A = arith.maximumf %scan3A_688, %neg3A_734 : vector<16xf32>
          %sort3A_735 = arith.constant dense<true> : vector<16xi1>
          %sort3A_736, %sort3A_737, %sort3A_738 = tpu.sort %max3A, %max3A masked %sort3A_735 : (vector<16xf32>, vector<16xf32>, vector<16xi1>) -> (vector<16xi1>, vector<16xf32>, vector<16xf32>)
          %neg3A_739 = arith.constant 0.000000e+00 : f32
          %neg3A_740 = vector.broadcast %neg3A_739 : f32 to vector<16xf32>
          %neg3A_741 = arith.subf %neg3A_740, %scan3A_689 : vector<16xf32>
          %max3A_742 = arith.maximumf %sort3A_737, %neg3A_741 : vector<16xf32>
          %neg3A_743 = arith.constant 0.000000e+00 : f32
          %neg3A_744 = vector.broadcast %neg3A_743 : f32 to vector<16xf32>
          %neg3A_745 = arith.subf %neg3A_744, %max3A_742 : vector<16xf32>
          %sort3A_746 = arith.constant dense<true> : vector<16xi1>
          %sort3A_747, %sort3A_748, %sort3A_749 = tpu.sort %neg3A_745, %neg3A_745 masked %sort3A_746 : (vector<16xf32>, vector<16xf32>, vector<16xi1>) -> (vector<16xi1>, vector<16xf32>, vector<16xf32>)
          %min3A = arith.minimumf %sort3A_737, %neg3A_741 : vector<16xf32>
          %sort3A_750 = arith.constant dense<true> : vector<16xi1>
          %sort3A_751, %sort3A_752, %sort3A_753 = tpu.sort %min3A, %min3A masked %sort3A_750 : (vector<16xf32>, vector<16xf32>, vector<16xi1>) -> (vector<16xi1>, vector<16xf32>, vector<16xf32>)
          %neg3A_754 = arith.constant 0.000000e+00 : f32
          %neg3A_755 = vector.broadcast %neg3A_754 : f32 to vector<16xf32>
          %neg3A_756 = arith.subf %neg3A_755, %sort3A_723 : vector<16xf32>
          %max3A_757 = arith.maximumf %scan3A_690, %neg3A_756 : vector<16xf32>
          %sort3A_758 = arith.constant dense<true> : vector<16xi1>
          %sort3A_759, %sort3A_760, %sort3A_761 = tpu.sort %max3A_757, %max3A_757 masked %sort3A_758 : (vector<16xf32>, vector<16xf32>, vector<16xi1>) -> (vector<16xi1>, vector<16xf32>, vector<16xf32>)
          %neg3A_762 = arith.constant 0.000000e+00 : f32
          %neg3A_763 = vector.broadcast %neg3A_762 : f32 to vector<16xf32>
          %neg3A_764 = arith.subf %neg3A_763, %scan3A_691 : vector<16xf32>
          %max3A_765 = arith.maximumf %sort3A_760, %neg3A_764 : vector<16xf32>
          %neg3A_766 = arith.constant 0.000000e+00 : f32
          %neg3A_767 = vector.broadcast %neg3A_766 : f32 to vector<16xf32>
          %neg3A_768 = arith.subf %neg3A_767, %max3A_765 : vector<16xf32>
          %sort3A_769 = arith.constant dense<true> : vector<16xi1>
          %sort3A_770, %sort3A_771, %sort3A_772 = tpu.sort %neg3A_768, %neg3A_768 masked %sort3A_769 : (vector<16xf32>, vector<16xf32>, vector<16xi1>) -> (vector<16xi1>, vector<16xf32>, vector<16xf32>)
          %min3A_773 = arith.minimumf %sort3A_760, %neg3A_764 : vector<16xf32>
          %sort3A_774 = arith.constant dense<true> : vector<16xi1>
          %sort3A_775, %sort3A_776, %sort3A_777 = tpu.sort %min3A_773, %min3A_773 masked %sort3A_774 : (vector<16xf32>, vector<16xf32>, vector<16xi1>) -> (vector<16xi1>, vector<16xf32>, vector<16xf32>)
          %add3A_778 = arith.constant 1 : i32
          %add3A_779 = arith.addi %add3A_24, %add3A_778 : i32
          %mul3A_780 = arith.constant 16 : i32
          %mul3A_781 = arith.muli %scan3A_687, %mul3A_780 : i32
          %get3A_782 = arith.index_cast %add3A_779 : i32 to index
          %get3A_783 = arith.index_cast %mul3A_781 : i32 to index
          %get3A_784 = tpu.vector_load %arg7[%get3A_782, %get3A_783] {strides = array<i32>} : memref<64x784xf32, #tpu.memory_space<vmem>>, vector<16xf32>,
          %mul3A_785 = arith.mulf %get3A_712, %get3A_784 : vector<16xf32>
          %add3A_786 = arith.addf %scan3A_697, %mul3A_785 : vector<16xf32>
          %sort3A_787 = arith.constant dense<true> : vector<16xi1>
          %sort3A_788, %sort3A_789, %sort3A_790 = tpu.sort %mul3A_785, %mul3A_785 masked %sort3A_787 : (vector<16xf32>, vector<16xf32>, vector<16xi1>) -> (vector<16xi1>, vector<16xf32>, vector<16xf32>)
          %neg3A_791 = arith.constant 0.000000e+00 : f32
          %neg3A_792 = vector.broadcast %neg3A_791 : f32 to vector<16xf32>
          %neg3A_793 = arith.subf %neg3A_792, %mul3A_785 : vector<16xf32>
          %sort3A_794 = arith.constant dense<true> : vector<16xi1>
          %sort3A_795, %sort3A_796, %sort3A_797 = tpu.sort %neg3A_793, %neg3A_793 masked %sort3A_794 : (vector<16xf32>, vector<16xf32>, vector<16xi1>) -> (vector<16xi1>, vector<16xf32>, vector<16xf32>)
          %neg3A_798 = arith.constant 0.000000e+00 : f32
          %neg3A_799 = vector.broadcast %neg3A_798 : f32 to vector<16xf32>
          %neg3A_800 = arith.subf %neg3A_799, %sort3A_796 : vector<16xf32>
          %max3A_801 = arith.maximumf %scan3A_693, %neg3A_800 : vector<16xf32>
          %sort3A_802 = arith.constant dense<true> : vector<16xi1>
          %sort3A_803, %sort3A_804, %sort3A_805 = tpu.sort %max3A_801, %max3A_801 masked %sort3A_802 : (vector<16xf32>, vector<16xf32>, vector<16xi1>) -> (vector<16xi1>, vector<16xf32>, vector<16xf32>)
          %neg3A_806 = arith.constant 0.000000e+00 : f32
          %neg3A_807 = vector.broadcast %neg3A_806 : f32 to vector<16xf32>
          %neg3A_808 = arith.subf %neg3A_807, %scan3A_694 : vector<16xf32>
          %max3A_809 = arith.maximumf %sort3A_804, %neg3A_808 : vector<16xf32>
          %neg3A_810 = arith.constant 0.000000e+00 : f32
          %neg3A_811 = vector.broadcast %neg3A_810 : f32 to vector<16xf32>
          %neg3A_812 = arith.subf %neg3A_811, %max3A_809 : vector<16xf32>
          %sort3A_813 = arith.constant dense<true> : vector<16xi1>
          %sort3A_814, %sort3A_815, %sort3A_816 = tpu.sort %neg3A_812, %neg3A_812 masked %sort3A_813 : (vector<16xf32>, vector<16xf32>, vector<16xi1>) -> (vector<16xi1>, vector<16xf32>, vector<16xf32>)
          %min3A_817 = arith.minimumf %sort3A_804, %neg3A_808 : vector<16xf32>
          %sort3A_818 = arith.constant dense<true> : vector<16xi1>
          %sort3A_819, %sort3A_820, %sort3A_821 = tpu.sort %min3A_817, %min3A_817 masked %sort3A_818 : (vector<16xf32>, vector<16xf32>, vector<16xi1>) -> (vector<16xi1>, vector<16xf32>, vector<16xf32>)
          %neg3A_822 = arith.constant 0.000000e+00 : f32
          %neg3A_823 = vector.broadcast %neg3A_822 : f32 to vector<16xf32>
          %neg3A_824 = arith.subf %neg3A_823, %sort3A_789 : vector<16xf32>
          %max3A_825 = arith.maximumf %scan3A_695, %neg3A_824 : vector<16xf32>
          %sort3A_826 = arith.constant dense<true> : vector<16xi1>
          %sort3A_827, %sort3A_828, %sort3A_829 = tpu.sort %max3A_825, %max3A_825 masked %sort3A_826 : (vector<16xf32>, vector<16xf32>, vector<16xi1>) -> (vector<16xi1>, vector<16xf32>, vector<16xf32>)
          %neg3A_830 = arith.constant 0.000000e+00 : f32
          %neg3A_831 = vector.broadcast %neg3A_830 : f32 to vector<16xf32>
          %neg3A_832 = arith.subf %neg3A_831, %scan3A_696 : vector<16xf32>
          %max3A_833 = arith.maximumf %sort3A_828, %neg3A_832 : vector<16xf32>
          %neg3A_834 = arith.constant 0.000000e+00 : f32
          %neg3A_835 = vector.broadcast %neg3A_834 : f32 to vector<16xf32>
          %neg3A_836 = arith.subf %neg3A_835, %max3A_833 : vector<16xf32>
          %sort3A_837 = arith.constant dense<true> : vector<16xi1>
          %sort3A_838, %sort3A_839, %sort3A_840 = tpu.sort %neg3A_836, %neg3A_836 masked %sort3A_837 : (vector<16xf32>, vector<16xf32>, vector<16xi1>) -> (vector<16xi1>, vector<16xf32>, vector<16xf32>)
          %min3A_841 = arith.minimumf %sort3A_828, %neg3A_832 : vector<16xf32>
          %sort3A_842 = arith.constant dense<true> : vector<16xi1>
          %sort3A_843, %sort3A_844, %sort3A_845 = tpu.sort %min3A_841, %min3A_841 masked %sort3A_842 : (vector<16xf32>, vector<16xf32>, vector<16xi1>) -> (vector<16xi1>, vector<16xf32>, vector<16xf32>)
          %add3A_846 = arith.constant 2 : i32
          %add3A_847 = arith.addi %add3A_24, %add3A_846 : i32
          %mul3A_848 = arith.constant 16 : i32
          %mul3A_849 = arith.muli %scan3A_687, %mul3A_848 : i32
          %get3A_850 = arith.index_cast %add3A_847 : i32 to index
          %get3A_851 = arith.index_cast %mul3A_849 : i32 to index
          %get3A_852 = tpu.vector_load %arg7[%get3A_850, %get3A_851] {strides = array<i32>} : memref<64x784xf32, #tpu.memory_space<vmem>>, vector<16xf32>,
          %mul3A_853 = arith.mulf %get3A_712, %get3A_852 : vector<16xf32>
          %add3A_854 = arith.addf %scan3A_702, %mul3A_853 : vector<16xf32>
          %sort3A_855 = arith.constant dense<true> : vector<16xi1>
          %sort3A_856, %sort3A_857, %sort3A_858 = tpu.sort %mul3A_853, %mul3A_853 masked %sort3A_855 : (vector<16xf32>, vector<16xf32>, vector<16xi1>) -> (vector<16xi1>, vector<16xf32>, vector<16xf32>)
          %neg3A_859 = arith.constant 0.000000e+00 : f32
          %neg3A_860 = vector.broadcast %neg3A_859 : f32 to vector<16xf32>
          %neg3A_861 = arith.subf %neg3A_860, %mul3A_853 : vector<16xf32>
          %sort3A_862 = arith.constant dense<true> : vector<16xi1>
          %sort3A_863, %sort3A_864, %sort3A_865 = tpu.sort %neg3A_861, %neg3A_861 masked %sort3A_862 : (vector<16xf32>, vector<16xf32>, vector<16xi1>) -> (vector<16xi1>, vector<16xf32>, vector<16xf32>)
          %neg3A_866 = arith.constant 0.000000e+00 : f32
          %neg3A_867 = vector.broadcast %neg3A_866 : f32 to vector<16xf32>
          %neg3A_868 = arith.subf %neg3A_867, %sort3A_864 : vector<16xf32>
          %max3A_869 = arith.maximumf %scan3A_698, %neg3A_868 : vector<16xf32>
          %sort3A_870 = arith.constant dense<true> : vector<16xi1>
          %sort3A_871, %sort3A_872, %sort3A_873 = tpu.sort %max3A_869, %max3A_869 masked %sort3A_870 : (vector<16xf32>, vector<16xf32>, vector<16xi1>) -> (vector<16xi1>, vector<16xf32>, vector<16xf32>)
          %neg3A_874 = arith.constant 0.000000e+00 : f32
          %neg3A_875 = vector.broadcast %neg3A_874 : f32 to vector<16xf32>
          %neg3A_876 = arith.subf %neg3A_875, %scan3A_699 : vector<16xf32>
          %max3A_877 = arith.maximumf %sort3A_872, %neg3A_876 : vector<16xf32>
          %neg3A_878 = arith.constant 0.000000e+00 : f32
          %neg3A_879 = vector.broadcast %neg3A_878 : f32 to vector<16xf32>
          %neg3A_880 = arith.subf %neg3A_879, %max3A_877 : vector<16xf32>
          %sort3A_881 = arith.constant dense<true> : vector<16xi1>
          %sort3A_882, %sort3A_883, %sort3A_884 = tpu.sort %neg3A_880, %neg3A_880 masked %sort3A_881 : (vector<16xf32>, vector<16xf32>, vector<16xi1>) -> (vector<16xi1>, vector<16xf32>, vector<16xf32>)
          %min3A_885 = arith.minimumf %sort3A_872, %neg3A_876 : vector<16xf32>
          %sort3A_886 = arith.constant dense<true> : vector<16xi1>
          %sort3A_887, %sort3A_888, %sort3A_889 = tpu.sort %min3A_885, %min3A_885 masked %sort3A_886 : (vector<16xf32>, vector<16xf32>, vector<16xi1>) -> (vector<16xi1>, vector<16xf32>, vector<16xf32>)
          %neg3A_890 = arith.constant 0.000000e+00 : f32
          %neg3A_891 = vector.broadcast %neg3A_890 : f32 to vector<16xf32>
          %neg3A_892 = arith.subf %neg3A_891, %sort3A_857 : vector<16xf32>
          %max3A_893 = arith.maximumf %scan3A_700, %neg3A_892 : vector<16xf32>
          %sort3A_894 = arith.constant dense<true> : vector<16xi1>
          %sort3A_895, %sort3A_896, %sort3A_897 = tpu.sort %max3A_893, %max3A_893 masked %sort3A_894 : (vector<16xf32>, vector<16xf32>, vector<16xi1>) -> (vector<16xi1>, vector<16xf32>, vector<16xf32>)
          %neg3A_898 = arith.constant 0.000000e+00 : f32
          %neg3A_899 = vector.broadcast %neg3A_898 : f32 to vector<16xf32>
          %neg3A_900 = arith.subf %neg3A_899, %scan3A_701 : vector<16xf32>
          %max3A_901 = arith.maximumf %sort3A_896, %neg3A_900 : vector<16xf32>
          %neg3A_902 = arith.constant 0.000000e+00 : f32
          %neg3A_903 = vector.broadcast %neg3A_902 : f32 to vector<16xf32>
          %neg3A_904 = arith.subf %neg3A_903, %max3A_901 : vector<16xf32>
          %sort3A_905 = arith.constant dense<true> : vector<16xi1>
          %sort3A_906, %sort3A_907, %sort3A_908 = tpu.sort %neg3A_904, %neg3A_904 masked %sort3A_905 : (vector<16xf32>, vector<16xf32>, vector<16xi1>) -> (vector<16xi1>, vector<16xf32>, vector<16xf32>)
          %min3A_909 = arith.minimumf %sort3A_896, %neg3A_900 : vector<16xf32>
          %sort3A_910 = arith.constant dense<true> : vector<16xi1>
          %sort3A_911, %sort3A_912, %sort3A_913 = tpu.sort %min3A_909, %min3A_909 masked %sort3A_910 : (vector<16xf32>, vector<16xf32>, vector<16xi1>) -> (vector<16xi1>, vector<16xf32>, vector<16xf32>)
          %add3A_914 = arith.constant 3 : i32
          %add3A_915 = arith.addi %add3A_24, %add3A_914 : i32
          %mul3A_916 = arith.constant 16 : i32
          %mul3A_917 = arith.muli %scan3A_687, %mul3A_916 : i32
          %get3A_918 = arith.index_cast %add3A_915 : i32 to index
          %get3A_919 = arith.index_cast %mul3A_917 : i32 to index
          %get3A_920 = tpu.vector_load %arg7[%get3A_918, %get3A_919] {strides = array<i32>} : memref<64x784xf32, #tpu.memory_space<vmem>>, vector<16xf32>,
          %mul3A_921 = arith.mulf %get3A_712, %get3A_920 : vector<16xf32>
          %add3A_922 = arith.addf %scan3A_707, %mul3A_921 : vector<16xf32>
          %sort3A_923 = arith.constant dense<true> : vector<16xi1>
          %sort3A_924, %sort3A_925, %sort3A_926 = tpu.sort %mul3A_921, %mul3A_921 masked %sort3A_923 : (vector<16xf32>, vector<16xf32>, vector<16xi1>) -> (vector<16xi1>, vector<16xf32>, vector<16xf32>)
          %neg3A_927 = arith.constant 0.000000e+00 : f32
          %neg3A_928 = vector.broadcast %neg3A_927 : f32 to vector<16xf32>
          %neg3A_929 = arith.subf %neg3A_928, %mul3A_921 : vector<16xf32>
          %sort3A_930 = arith.constant dense<true> : vector<16xi1>
          %sort3A_931, %sort3A_932, %sort3A_933 = tpu.sort %neg3A_929, %neg3A_929 masked %sort3A_930 : (vector<16xf32>, vector<16xf32>, vector<16xi1>) -> (vector<16xi1>, vector<16xf32>, vector<16xf32>)
          %neg3A_934 = arith.constant 0.000000e+00 : f32
          %neg3A_935 = vector.broadcast %neg3A_934 : f32 to vector<16xf32>
          %neg3A_936 = arith.subf %neg3A_935, %sort3A_932 : vector<16xf32>
          %max3A_937 = arith.maximumf %scan3A_703, %neg3A_936 : vector<16xf32>
          %sort3A_938 = arith.constant dense<true> : vector<16xi1>
          %sort3A_939, %sort3A_940, %sort3A_941 = tpu.sort %max3A_937, %max3A_937 masked %sort3A_938 : (vector<16xf32>, vector<16xf32>, vector<16xi1>) -> (vector<16xi1>, vector<16xf32>, vector<16xf32>)
          %neg3A_942 = arith.constant 0.000000e+00 : f32
          %neg3A_943 = vector.broadcast %neg3A_942 : f32 to vector<16xf32>
          %neg3A_944 = arith.subf %neg3A_943, %scan3A_704 : vector<16xf32>
          %max3A_945 = arith.maximumf %sort3A_940, %neg3A_944 : vector<16xf32>
          %neg3A_946 = arith.constant 0.000000e+00 : f32
          %neg3A_947 = vector.broadcast %neg3A_946 : f32 to vector<16xf32>
          %neg3A_948 = arith.subf %neg3A_947, %max3A_945 : vector<16xf32>
          %sort3A_949 = arith.constant dense<true> : vector<16xi1>
          %sort3A_950, %sort3A_951, %sort3A_952 = tpu.sort %neg3A_948, %neg3A_948 masked %sort3A_949 : (vector<16xf32>, vector<16xf32>, vector<16xi1>) -> (vector<16xi1>, vector<16xf32>, vector<16xf32>)
          %min3A_953 = arith.minimumf %sort3A_940, %neg3A_944 : vector<16xf32>
          %sort3A_954 = arith.constant dense<true> : vector<16xi1>
          %sort3A_955, %sort3A_956, %sort3A_957 = tpu.sort %min3A_953, %min3A_953 masked %sort3A_954 : (vector<16xf32>, vector<16xf32>, vector<16xi1>) -> (vector<16xi1>, vector<16xf32>, vector<16xf32>)
          %neg3A_958 = arith.constant 0.000000e+00 : f32
          %neg3A_959 = vector.broadcast %neg3A_958 : f32 to vector<16xf32>
          %neg3A_960 = arith.subf %neg3A_959, %sort3A_925 : vector<16xf32>
          %max3A_961 = arith.maximumf %scan3A_705, %neg3A_960 : vector<16xf32>
          %sort3A_962 = arith.constant dense<true> : vector<16xi1>
          %sort3A_963, %sort3A_964, %sort3A_965 = tpu.sort %max3A_961, %max3A_961 masked %sort3A_962 : (vector<16xf32>, vector<16xf32>, vector<16xi1>) -> (vector<16xi1>, vector<16xf32>, vector<16xf32>)
          %neg3A_966 = arith.constant 0.000000e+00 : f32
          %neg3A_967 = vector.broadcast %neg3A_966 : f32 to vector<16xf32>
          %neg3A_968 = arith.subf %neg3A_967, %scan3A_706 : vector<16xf32>
          %max3A_969 = arith.maximumf %sort3A_964, %neg3A_968 : vector<16xf32>
          %neg3A_970 = arith.constant 0.000000e+00 : f32
          %neg3A_971 = vector.broadcast %neg3A_970 : f32 to vector<16xf32>
          %neg3A_972 = arith.subf %neg3A_971, %max3A_969 : vector<16xf32>
          %sort3A_973 = arith.constant dense<true> : vector<16xi1>
          %sort3A_974, %sort3A_975, %sort3A_976 = tpu.sort %neg3A_972, %neg3A_972 masked %sort3A_973 : (vector<16xf32>, vector<16xf32>, vector<16xi1>) -> (vector<16xi1>, vector<16xf32>, vector<16xf32>)
          %min3A_977 = arith.minimumf %sort3A_964, %neg3A_968 : vector<16xf32>
          %sort3A_978 = arith.constant dense<true> : vector<16xi1>
          %sort3A_979, %sort3A_980, %sort3A_981 = tpu.sort %min3A_977, %min3A_977 masked %sort3A_978 : (vector<16xf32>, vector<16xf32>, vector<16xi1>) -> (vector<16xi1>, vector<16xf32>, vector<16xf32>)
          scf.yield %sort3A_752, %sort3A_748, %sort3A_776, %sort3A_771, %add3A_721, %sort3A_820, %sort3A_815, %sort3A_844, %sort3A_839, %add3A_786, %sort3A_888, %sort3A_883, %sort3A_912, %sort3A_907, %add3A_854, %sort3A_956, %sort3A_951, %sort3A_980, %sort3A_975, %add3A_922 : vector<16xf32>, vector<16xf32>, vector<16xf32>, vector<16xf32>, vector<16xf32>, vector<16xf32>, vector<16xf32>, vector<16xf32>, vector<16xf32>, vector<16xf32>, vector<16xf32>, vector<16xf32>, vector<16xf32>, vector<16xf32>, vector<16xf32>, vector<16xf32>, vector<16xf32>, vector<16xf32>, vector<16xf32>, vector<16xf32>
        }
        %scan3A_30 = arith.constant 49 : i32
        %reduce_sum3A = arith.constant true
        %reduce_sum3A_31 = vector.broadcast %reduce_sum3A : i1 to vector<16xi1>
        %reduce_sum3A_32 = tpu.scan <sum>, %scan3A_29#1 masked %reduce_sum3A_31 : vector<16xf32>, vector<16xi1> -> vector<16xf32>
        %reduce_sum3A_33 = vector.extract %reduce_sum3A_32[15] : f32 from vector<16xf32>
        %neg3A = arith.constant 0.000000e+00 : f32
        %neg3A_34 = arith.subf %neg3A, %reduce_sum3A_33 : f32
        %jit3A = arith.constant 0.000000e+00 : f32
        %broadcast_in_dim3A_35 = vector.broadcast %jit3A : f32 to vector<16xf32>
        %select_n3A = arith.select %ge3A_9, %scan3A_29#0, %broadcast_in_dim3A_35 : vector<16xi1>, vector<16xf32>
        %reduce_sum3A_36 = arith.constant true
        %reduce_sum3A_37 = vector.broadcast %reduce_sum3A_36 : i1 to vector<16xi1>
        %reduce_sum3A_38 = tpu.scan <sum>, %select_n3A masked %reduce_sum3A_37 : vector<16xf32>, vector<16xi1> -> vector<16xf32>
        %reduce_sum3A_39 = vector.extract %reduce_sum3A_38[15] : f32 from vector<16xf32>
        %add3A_40 = arith.addf %neg3A_34, %reduce_sum3A_39 : f32
        %reduce_sum3A_41 = arith.constant true
        %reduce_sum3A_42 = vector.broadcast %reduce_sum3A_41 : i1 to vector<16xi1>
        %reduce_sum3A_43 = tpu.scan <sum>, %scan3A_29#3 masked %reduce_sum3A_42 : vector<16xf32>, vector<16xi1> -> vector<16xf32>
        %reduce_sum3A_44 = vector.extract %reduce_sum3A_43[15] : f32 from vector<16xf32>
        %neg3A_45 = arith.constant 0.000000e+00 : f32
        %neg3A_46 = arith.subf %neg3A_45, %reduce_sum3A_44 : f32
        %jit3A_47 = arith.constant 0.000000e+00 : f32
        %broadcast_in_dim3A_48 = vector.broadcast %jit3A_47 : f32 to vector<16xf32>
        %select_n3A_49 = arith.select %ge3A_9, %scan3A_29#2, %broadcast_in_dim3A_48 : vector<16xi1>, vector<16xf32>
        %reduce_sum3A_50 = arith.constant true
        %reduce_sum3A_51 = vector.broadcast %reduce_sum3A_50 : i1 to vector<16xi1>
        %reduce_sum3A_52 = tpu.scan <sum>, %select_n3A_49 masked %reduce_sum3A_51 : vector<16xf32>, vector<16xi1> -> vector<16xf32>
        %reduce_sum3A_53 = vector.extract %reduce_sum3A_52[15] : f32 from vector<16xf32>
        %add3A_54 = arith.addf %neg3A_46, %reduce_sum3A_53 : f32
        %reduce_sum3A_55 = arith.constant true
        %reduce_sum3A_56 = vector.broadcast %reduce_sum3A_55 : i1 to vector<16xi1>
        %reduce_sum3A_57 = tpu.scan <sum>, %scan3A_29#4 masked %reduce_sum3A_56 : vector<16xf32>, vector<16xi1> -> vector<16xf32>
        %reduce_sum3A_58 = vector.extract %reduce_sum3A_57[15] : f32 from vector<16xf32>
        %sub3A = arith.subf %reduce_sum3A_58, %add3A_40 : f32
        %add3A_59 = arith.addf %sub3A, %add3A_54 : f32
        %reduce_sum3A_60 = arith.constant true
        %reduce_sum3A_61 = vector.broadcast %reduce_sum3A_60 : i1 to vector<16xi1>
        %reduce_sum3A_62 = tpu.scan <sum>, %scan3A_29#6 masked %reduce_sum3A_61 : vector<16xf32>, vector<16xi1> -> vector<16xf32>
        %reduce_sum3A_63 = vector.extract %reduce_sum3A_62[15] : f32 from vector<16xf32>
        %neg3A_64 = arith.constant 0.000000e+00 : f32
        %neg3A_65 = arith.subf %neg3A_64, %reduce_sum3A_63 : f32
        %jit3A_66 = arith.constant 0.000000e+00 : f32
        %broadcast_in_dim3A_67 = vector.broadcast %jit3A_66 : f32 to vector<16xf32>
        %select_n3A_68 = arith.select %ge3A_9, %scan3A_29#5, %broadcast_in_dim3A_67 : vector<16xi1>, vector<16xf32>
        %reduce_sum3A_69 = arith.constant true
        %reduce_sum3A_70 = vector.broadcast %reduce_sum3A_69 : i1 to vector<16xi1>
        %reduce_sum3A_71 = tpu.scan <sum>, %select_n3A_68 masked %reduce_sum3A_70 : vector<16xf32>, vector<16xi1> -> vector<16xf32>
        %reduce_sum3A_72 = vector.extract %reduce_sum3A_71[15] : f32 from vector<16xf32>
        %add3A_73 = arith.addf %neg3A_65, %reduce_sum3A_72 : f32
        %reduce_sum3A_74 = arith.constant true
        %reduce_sum3A_75 = vector.broadcast %reduce_sum3A_74 : i1 to vector<16xi1>
        %reduce_sum3A_76 = tpu.scan <sum>, %scan3A_29#8 masked %reduce_sum3A_75 : vector<16xf32>, vector<16xi1> -> vector<16xf32>
        %reduce_sum3A_77 = vector.extract %reduce_sum3A_76[15] : f32 from vector<16xf32>
        %neg3A_78 = arith.constant 0.000000e+00 : f32
        %neg3A_79 = arith.subf %neg3A_78, %reduce_sum3A_77 : f32
        %jit3A_80 = arith.constant 0.000000e+00 : f32
        %broadcast_in_dim3A_81 = vector.broadcast %jit3A_80 : f32 to vector<16xf32>
        %select_n3A_82 = arith.select %ge3A_9, %scan3A_29#7, %broadcast_in_dim3A_81 : vector<16xi1>, vector<16xf32>
        %reduce_sum3A_83 = arith.constant true
        %reduce_sum3A_84 = vector.broadcast %reduce_sum3A_83 : i1 to vector<16xi1>
        %reduce_sum3A_85 = tpu.scan <sum>, %select_n3A_82 masked %reduce_sum3A_84 : vector<16xf32>, vector<16xi1> -> vector<16xf32>
        %reduce_sum3A_86 = vector.extract %reduce_sum3A_85[15] : f32 from vector<16xf32>
        %add3A_87 = arith.addf %neg3A_79, %reduce_sum3A_86 : f32
        %reduce_sum3A_88 = arith.constant true
        %reduce_sum3A_89 = vector.broadcast %reduce_sum3A_88 : i1 to vector<16xi1>
        %reduce_sum3A_90 = tpu.scan <sum>, %scan3A_29#9 masked %reduce_sum3A_89 : vector<16xf32>, vector<16xi1> -> vector<16xf32>
        %reduce_sum3A_91 = vector.extract %reduce_sum3A_90[15] : f32 from vector<16xf32>
        %sub3A_92 = arith.subf %reduce_sum3A_91, %add3A_73 : f32
        %add3A_93 = arith.addf %sub3A_92, %add3A_87 : f32
        %reduce_sum3A_94 = arith.constant true
        %reduce_sum3A_95 = vector.broadcast %reduce_sum3A_94 : i1 to vector<16xi1>
        %reduce_sum3A_96 = tpu.scan <sum>, %scan3A_29#11 masked %reduce_sum3A_95 : vector<16xf32>, vector<16xi1> -> vector<16xf32>
        %reduce_sum3A_97 = vector.extract %reduce_sum3A_96[15] : f32 from vector<16xf32>
        %neg3A_98 = arith.constant 0.000000e+00 : f32
        %neg3A_99 = arith.subf %neg3A_98, %reduce_sum3A_97 : f32
        %jit3A_100 = arith.constant 0.000000e+00 : f32
        %broadcast_in_dim3A_101 = vector.broadcast %jit3A_100 : f32 to vector<16xf32>
        %select_n3A_102 = arith.select %ge3A_9, %scan3A_29#10, %broadcast_in_dim3A_101 : vector<16xi1>, vector<16xf32>
        %reduce_sum3A_103 = arith.constant true
        %reduce_sum3A_104 = vector.broadcast %reduce_sum3A_103 : i1 to vector<16xi1>
        %reduce_sum3A_105 = tpu.scan <sum>, %select_n3A_102 masked %reduce_sum3A_104 : vector<16xf32>, vector<16xi1> -> vector<16xf32>
        %reduce_sum3A_106 = vector.extract %reduce_sum3A_105[15] : f32 from vector<16xf32>
        %add3A_107 = arith.addf %neg3A_99, %reduce_sum3A_106 : f32
        %reduce_sum3A_108 = arith.constant true
        %reduce_sum3A_109 = vector.broadcast %reduce_sum3A_108 : i1 to vector<16xi1>
        %reduce_sum3A_110 = tpu.scan <sum>, %scan3A_29#13 masked %reduce_sum3A_109 : vector<16xf32>, vector<16xi1> -> vector<16xf32>
        %reduce_sum3A_111 = vector.extract %reduce_sum3A_110[15] : f32 from vector<16xf32>
        %neg3A_112 = arith.constant 0.000000e+00 : f32
        %neg3A_113 = arith.subf %neg3A_112, %reduce_sum3A_111 : f32
        %jit3A_114 = arith.constant 0.000000e+00 : f32
        %broadcast_in_dim3A_115 = vector.broadcast %jit3A_114 : f32 to vector<16xf32>
        %select_n3A_116 = arith.select %ge3A_9, %scan3A_29#12, %broadcast_in_dim3A_115 : vector<16xi1>, vector<16xf32>
        %reduce_sum3A_117 = arith.constant true
        %reduce_sum3A_118 = vector.broadcast %reduce_sum3A_117 : i1 to vector<16xi1>
        %reduce_sum3A_119 = tpu.scan <sum>, %select_n3A_116 masked %reduce_sum3A_118 : vector<16xf32>, vector<16xi1> -> vector<16xf32>
        %reduce_sum3A_120 = vector.extract %reduce_sum3A_119[15] : f32 from vector<16xf32>
        %add3A_121 = arith.addf %neg3A_113, %reduce_sum3A_120 : f32
        %reduce_sum3A_122 = arith.constant true
        %reduce_sum3A_123 = vector.broadcast %reduce_sum3A_122 : i1 to vector<16xi1>
        %reduce_sum3A_124 = tpu.scan <sum>, %scan3A_29#14 masked %reduce_sum3A_123 : vector<16xf32>, vector<16xi1> -> vector<16xf32>
        %reduce_sum3A_125 = vector.extract %reduce_sum3A_124[15] : f32 from vector<16xf32>
        %sub3A_126 = arith.subf %reduce_sum3A_125, %add3A_107 : f32
        %add3A_127 = arith.addf %sub3A_126, %add3A_121 : f32
        %reduce_sum3A_128 = arith.constant true
        %reduce_sum3A_129 = vector.broadcast %reduce_sum3A_128 : i1 to vector<16xi1>
        %reduce_sum3A_130 = tpu.scan <sum>, %scan3A_29#16 masked %reduce_sum3A_129 : vector<16xf32>, vector<16xi1> -> vector<16xf32>
        %reduce_sum3A_131 = vector.extract %reduce_sum3A_130[15] : f32 from vector<16xf32>
        %neg3A_132 = arith.constant 0.000000e+00 : f32
        %neg3A_133 = arith.subf %neg3A_132, %reduce_sum3A_131 : f32
        %jit3A_134 = arith.constant 0.000000e+00 : f32
        %broadcast_in_dim3A_135 = vector.broadcast %jit3A_134 : f32 to vector<16xf32>
        %select_n3A_136 = arith.select %ge3A_9, %scan3A_29#15, %broadcast_in_dim3A_135 : vector<16xi1>, vector<16xf32>
        %reduce_sum3A_137 = arith.constant true
        %reduce_sum3A_138 = vector.broadcast %reduce_sum3A_137 : i1 to vector<16xi1>
        %reduce_sum3A_139 = tpu.scan <sum>, %select_n3A_136 masked %reduce_sum3A_138 : vector<16xf32>, vector<16xi1> -> vector<16xf32>
        %reduce_sum3A_140 = vector.extract %reduce_sum3A_139[15] : f32 from vector<16xf32>
        %add3A_141 = arith.addf %neg3A_133, %reduce_sum3A_140 : f32
        %reduce_sum3A_142 = arith.constant true
        %reduce_sum3A_143 = vector.broadcast %reduce_sum3A_142 : i1 to vector<16xi1>
        %reduce_sum3A_144 = tpu.scan <sum>, %scan3A_29#18 masked %reduce_sum3A_143 : vector<16xf32>, vector<16xi1> -> vector<16xf32>
        %reduce_sum3A_145 = vector.extract %reduce_sum3A_144[15] : f32 from vector<16xf32>
        %neg3A_146 = arith.constant 0.000000e+00 : f32
        %neg3A_147 = arith.subf %neg3A_146, %reduce_sum3A_145 : f32
        %jit3A_148 = arith.constant 0.000000e+00 : f32
        %broadcast_in_dim3A_149 = vector.broadcast %jit3A_148 : f32 to vector<16xf32>
        %select_n3A_150 = arith.select %ge3A_9, %scan3A_29#17, %broadcast_in_dim3A_149 : vector<16xi1>, vector<16xf32>
        %reduce_sum3A_151 = arith.constant true
        %reduce_sum3A_152 = vector.broadcast %reduce_sum3A_151 : i1 to vector<16xi1>
        %reduce_sum3A_153 = tpu.scan <sum>, %select_n3A_150 masked %reduce_sum3A_152 : vector<16xf32>, vector<16xi1> -> vector<16xf32>
        %reduce_sum3A_154 = vector.extract %reduce_sum3A_153[15] : f32 from vector<16xf32>
        %add3A_155 = arith.addf %neg3A_147, %reduce_sum3A_154 : f32
        %reduce_sum3A_156 = arith.constant true
        %reduce_sum3A_157 = vector.broadcast %reduce_sum3A_156 : i1 to vector<16xi1>
        %reduce_sum3A_158 = tpu.scan <sum>, %scan3A_29#19 masked %reduce_sum3A_157 : vector<16xf32>, vector<16xi1> -> vector<16xf32>
        %reduce_sum3A_159 = vector.extract %reduce_sum3A_158[15] : f32 from vector<16xf32>
        %sub3A_160 = arith.subf %reduce_sum3A_159, %add3A_141 : f32
        %add3A_161 = arith.addf %sub3A_160, %add3A_155 : f32
        %mul3A_162 = arith.constant 16 : i32
        %mul3A_163 = arith.muli %scan3A_21, %mul3A_162 : i32
        %add3A_164 = arith.constant 4 : i32
        %add3A_165 = arith.addi %mul3A_163, %add3A_164 : i32
        %scan3A_166 = arith.constant 0 : i32
        %scan3A_167 = arith.constant 49 : i32
        %scan3A_168 = arith.addi %scan3A_166, %scan3A_167 : i32
        %scan3A_169 = arith.constant 1 : i32
        %scan3A_170:20 = scf.for %scan3A_687 = %scan3A_166 to %scan3A_168 step %scan3A_169 iter_args(%scan3A_688 = %broadcast_in_dim3A_5, %scan3A_689 = %broadcast_in_dim3A_7, %scan3A_690 = %broadcast_in_dim3A_5, %scan3A_691 = %broadcast_in_dim3A_7, %scan3A_692 = %broadcast_in_dim3A_3, %scan3A_693 = %broadcast_in_dim3A_5, %scan3A_694 = %broadcast_in_dim3A_7, %scan3A_695 = %broadcast_in_dim3A_5, %scan3A_696 = %broadcast_in_dim3A_7, %scan3A_697 = %broadcast_in_dim3A_3, %scan3A_698 = %broadcast_in_dim3A_5, %scan3A_699 = %broadcast_in_dim3A_7, %scan3A_700 = %broadcast_in_dim3A_5, %scan3A_701 = %broadcast_in_dim3A_7, %scan3A_702 = %broadcast_in_dim3A_3, %scan3A_703 = %broadcast_in_dim3A_5, %scan3A_704 = %broadcast_in_dim3A_7, %scan3A_705 = %broadcast_in_dim3A_5, %scan3A_706 = %broadcast_in_dim3A_7, %scan3A_707 = %broadcast_in_dim3A_3) -> (vector<16xf32>, vector<16xf32>, vector<16xf32>, vector<16xf32>, vector<16xf32>, vector<16xf32>, vector<16xf32>, vector<16xf32>, vector<16xf32>, vector<16xf32>, vector<16xf32>, vector<16xf32>, vector<16xf32>, vector<16xf32>, vector<16xf32>, vector<16xf32>, vector<16xf32>, vector<16xf32>, vector<16xf32>, vector<16xf32>)  : i32 {
          %mul3A_708 = arith.constant 16 : i32
          %mul3A_709 = arith.muli %scan3A_687, %mul3A_708 : i32
          %get3A_710 = arith.index_cast %scan3A_15 : i32 to index
          %get3A_711 = arith.index_cast %mul3A_709 : i32 to index
          %get3A_712 = tpu.vector_load %arg6[%get3A_710, %get3A_711] {strides = array<i32>} : memref<32x784xf32, #tpu.memory_space<vmem>>, vector<16xf32>,
          %add3A_713 = arith.constant 0 : i32
          %add3A_714 = arith.addi %add3A_165, %add3A_713 : i32
          %mul3A_715 = arith.constant 16 : i32
          %mul3A_716 = arith.muli %scan3A_687, %mul3A_715 : i32
          %get3A_717 = arith.index_cast %add3A_714 : i32 to index
          %get3A_718 = arith.index_cast %mul3A_716 : i32 to index
          %get3A_719 = tpu.vector_load %arg7[%get3A_717, %get3A_718] {strides = array<i32>} : memref<64x784xf32, #tpu.memory_space<vmem>>, vector<16xf32>,
          %mul3A_720 = arith.mulf %get3A_712, %get3A_719 : vector<16xf32>
          %add3A_721 = arith.addf %scan3A_692, %mul3A_720 : vector<16xf32>
          %sort3A = arith.constant dense<true> : vector<16xi1>
          %sort3A_722, %sort3A_723, %sort3A_724 = tpu.sort %mul3A_720, %mul3A_720 masked %sort3A : (vector<16xf32>, vector<16xf32>, vector<16xi1>) -> (vector<16xi1>, vector<16xf32>, vector<16xf32>)
          %neg3A_725 = arith.constant 0.000000e+00 : f32
          %neg3A_726 = vector.broadcast %neg3A_725 : f32 to vector<16xf32>
          %neg3A_727 = arith.subf %neg3A_726, %mul3A_720 : vector<16xf32>
          %sort3A_728 = arith.constant dense<true> : vector<16xi1>
          %sort3A_729, %sort3A_730, %sort3A_731 = tpu.sort %neg3A_727, %neg3A_727 masked %sort3A_728 : (vector<16xf32>, vector<16xf32>, vector<16xi1>) -> (vector<16xi1>, vector<16xf32>, vector<16xf32>)
          %neg3A_732 = arith.constant 0.000000e+00 : f32
          %neg3A_733 = vector.broadcast %neg3A_732 : f32 to vector<16xf32>
          %neg3A_734 = arith.subf %neg3A_733, %sort3A_730 : vector<16xf32>
          %max3A = arith.maximumf %scan3A_688, %neg3A_734 : vector<16xf32>
          %sort3A_735 = arith.constant dense<true> : vector<16xi1>
          %sort3A_736, %sort3A_737, %sort3A_738 = tpu.sort %max3A, %max3A masked %sort3A_735 : (vector<16xf32>, vector<16xf32>, vector<16xi1>) -> (vector<16xi1>, vector<16xf32>, vector<16xf32>)
          %neg3A_739 = arith.constant 0.000000e+00 : f32
          %neg3A_740 = vector.broadcast %neg3A_739 : f32 to vector<16xf32>
          %neg3A_741 = arith.subf %neg3A_740, %scan3A_689 : vector<16xf32>
          %max3A_742 = arith.maximumf %sort3A_737, %neg3A_741 : vector<16xf32>
          %neg3A_743 = arith.constant 0.000000e+00 : f32
          %neg3A_744 = vector.broadcast %neg3A_743 : f32 to vector<16xf32>
          %neg3A_745 = arith.subf %neg3A_744, %max3A_742 : vector<16xf32>
          %sort3A_746 = arith.constant dense<true> : vector<16xi1>
          %sort3A_747, %sort3A_748, %sort3A_749 = tpu.sort %neg3A_745, %neg3A_745 masked %sort3A_746 : (vector<16xf32>, vector<16xf32>, vector<16xi1>) -> (vector<16xi1>, vector<16xf32>, vector<16xf32>)
          %min3A = arith.minimumf %sort3A_737, %neg3A_741 : vector<16xf32>
          %sort3A_750 = arith.constant dense<true> : vector<16xi1>
          %sort3A_751, %sort3A_752, %sort3A_753 = tpu.sort %min3A, %min3A masked %sort3A_750 : (vector<16xf32>, vector<16xf32>, vector<16xi1>) -> (vector<16xi1>, vector<16xf32>, vector<16xf32>)
          %neg3A_754 = arith.constant 0.000000e+00 : f32
          %neg3A_755 = vector.broadcast %neg3A_754 : f32 to vector<16xf32>
          %neg3A_756 = arith.subf %neg3A_755, %sort3A_723 : vector<16xf32>
          %max3A_757 = arith.maximumf %scan3A_690, %neg3A_756 : vector<16xf32>
          %sort3A_758 = arith.constant dense<true> : vector<16xi1>
          %sort3A_759, %sort3A_760, %sort3A_761 = tpu.sort %max3A_757, %max3A_757 masked %sort3A_758 : (vector<16xf32>, vector<16xf32>, vector<16xi1>) -> (vector<16xi1>, vector<16xf32>, vector<16xf32>)
          %neg3A_762 = arith.constant 0.000000e+00 : f32
          %neg3A_763 = vector.broadcast %neg3A_762 : f32 to vector<16xf32>
          %neg3A_764 = arith.subf %neg3A_763, %scan3A_691 : vector<16xf32>
          %max3A_765 = arith.maximumf %sort3A_760, %neg3A_764 : vector<16xf32>
          %neg3A_766 = arith.constant 0.000000e+00 : f32
          %neg3A_767 = vector.broadcast %neg3A_766 : f32 to vector<16xf32>
          %neg3A_768 = arith.subf %neg3A_767, %max3A_765 : vector<16xf32>
          %sort3A_769 = arith.constant dense<true> : vector<16xi1>
          %sort3A_770, %sort3A_771, %sort3A_772 = tpu.sort %neg3A_768, %neg3A_768 masked %sort3A_769 : (vector<16xf32>, vector<16xf32>, vector<16xi1>) -> (vector<16xi1>, vector<16xf32>, vector<16xf32>)
          %min3A_773 = arith.minimumf %sort3A_760, %neg3A_764 : vector<16xf32>
          %sort3A_774 = arith.constant dense<true> : vector<16xi1>
          %sort3A_775, %sort3A_776, %sort3A_777 = tpu.sort %min3A_773, %min3A_773 masked %sort3A_774 : (vector<16xf32>, vector<16xf32>, vector<16xi1>) -> (vector<16xi1>, vector<16xf32>, vector<16xf32>)
          %add3A_778 = arith.constant 1 : i32
          %add3A_779 = arith.addi %add3A_165, %add3A_778 : i32
          %mul3A_780 = arith.constant 16 : i32
          %mul3A_781 = arith.muli %scan3A_687, %mul3A_780 : i32
          %get3A_782 = arith.index_cast %add3A_779 : i32 to index
          %get3A_783 = arith.index_cast %mul3A_781 : i32 to index
          %get3A_784 = tpu.vector_load %arg7[%get3A_782, %get3A_783] {strides = array<i32>} : memref<64x784xf32, #tpu.memory_space<vmem>>, vector<16xf32>,
          %mul3A_785 = arith.mulf %get3A_712, %get3A_784 : vector<16xf32>
          %add3A_786 = arith.addf %scan3A_697, %mul3A_785 : vector<16xf32>
          %sort3A_787 = arith.constant dense<true> : vector<16xi1>
          %sort3A_788, %sort3A_789, %sort3A_790 = tpu.sort %mul3A_785, %mul3A_785 masked %sort3A_787 : (vector<16xf32>, vector<16xf32>, vector<16xi1>) -> (vector<16xi1>, vector<16xf32>, vector<16xf32>)
          %neg3A_791 = arith.constant 0.000000e+00 : f32
          %neg3A_792 = vector.broadcast %neg3A_791 : f32 to vector<16xf32>
          %neg3A_793 = arith.subf %neg3A_792, %mul3A_785 : vector<16xf32>
          %sort3A_794 = arith.constant dense<true> : vector<16xi1>
          %sort3A_795, %sort3A_796, %sort3A_797 = tpu.sort %neg3A_793, %neg3A_793 masked %sort3A_794 : (vector<16xf32>, vector<16xf32>, vector<16xi1>) -> (vector<16xi1>, vector<16xf32>, vector<16xf32>)
          %neg3A_798 = arith.constant 0.000000e+00 : f32
          %neg3A_799 = vector.broadcast %neg3A_798 : f32 to vector<16xf32>
          %neg3A_800 = arith.subf %neg3A_799, %sort3A_796 : vector<16xf32>
          %max3A_801 = arith.maximumf %scan3A_693, %neg3A_800 : vector<16xf32>
          %sort3A_802 = arith.constant dense<true> : vector<16xi1>
          %sort3A_803, %sort3A_804, %sort3A_805 = tpu.sort %max3A_801, %max3A_801 masked %sort3A_802 : (vector<16xf32>, vector<16xf32>, vector<16xi1>) -> (vector<16xi1>, vector<16xf32>, vector<16xf32>)
          %neg3A_806 = arith.constant 0.000000e+00 : f32
          %neg3A_807 = vector.broadcast %neg3A_806 : f32 to vector<16xf32>
          %neg3A_808 = arith.subf %neg3A_807, %scan3A_694 : vector<16xf32>
          %max3A_809 = arith.maximumf %sort3A_804, %neg3A_808 : vector<16xf32>
          %neg3A_810 = arith.constant 0.000000e+00 : f32
          %neg3A_811 = vector.broadcast %neg3A_810 : f32 to vector<16xf32>
          %neg3A_812 = arith.subf %neg3A_811, %max3A_809 : vector<16xf32>
          %sort3A_813 = arith.constant dense<true> : vector<16xi1>
          %sort3A_814, %sort3A_815, %sort3A_816 = tpu.sort %neg3A_812, %neg3A_812 masked %sort3A_813 : (vector<16xf32>, vector<16xf32>, vector<16xi1>) -> (vector<16xi1>, vector<16xf32>, vector<16xf32>)
          %min3A_817 = arith.minimumf %sort3A_804, %neg3A_808 : vector<16xf32>
          %sort3A_818 = arith.constant dense<true> : vector<16xi1>
          %sort3A_819, %sort3A_820, %sort3A_821 = tpu.sort %min3A_817, %min3A_817 masked %sort3A_818 : (vector<16xf32>, vector<16xf32>, vector<16xi1>) -> (vector<16xi1>, vector<16xf32>, vector<16xf32>)
          %neg3A_822 = arith.constant 0.000000e+00 : f32
          %neg3A_823 = vector.broadcast %neg3A_822 : f32 to vector<16xf32>
          %neg3A_824 = arith.subf %neg3A_823, %sort3A_789 : vector<16xf32>
          %max3A_825 = arith.maximumf %scan3A_695, %neg3A_824 : vector<16xf32>
          %sort3A_826 = arith.constant dense<true> : vector<16xi1>
          %sort3A_827, %sort3A_828, %sort3A_829 = tpu.sort %max3A_825, %max3A_825 masked %sort3A_826 : (vector<16xf32>, vector<16xf32>, vector<16xi1>) -> (vector<16xi1>, vector<16xf32>, vector<16xf32>)
          %neg3A_830 = arith.constant 0.000000e+00 : f32
          %neg3A_831 = vector.broadcast %neg3A_830 : f32 to vector<16xf32>
          %neg3A_832 = arith.subf %neg3A_831, %scan3A_696 : vector<16xf32>
          %max3A_833 = arith.maximumf %sort3A_828, %neg3A_832 : vector<16xf32>
          %neg3A_834 = arith.constant 0.000000e+00 : f32
          %neg3A_835 = vector.broadcast %neg3A_834 : f32 to vector<16xf32>
          %neg3A_836 = arith.subf %neg3A_835, %max3A_833 : vector<16xf32>
          %sort3A_837 = arith.constant dense<true> : vector<16xi1>
          %sort3A_838, %sort3A_839, %sort3A_840 = tpu.sort %neg3A_836, %neg3A_836 masked %sort3A_837 : (vector<16xf32>, vector<16xf32>, vector<16xi1>) -> (vector<16xi1>, vector<16xf32>, vector<16xf32>)
          %min3A_841 = arith.minimumf %sort3A_828, %neg3A_832 : vector<16xf32>
          %sort3A_842 = arith.constant dense<true> : vector<16xi1>
          %sort3A_843, %sort3A_844, %sort3A_845 = tpu.sort %min3A_841, %min3A_841 masked %sort3A_842 : (vector<16xf32>, vector<16xf32>, vector<16xi1>) -> (vector<16xi1>, vector<16xf32>, vector<16xf32>)
          %add3A_846 = arith.constant 2 : i32
          %add3A_847 = arith.addi %add3A_165, %add3A_846 : i32
          %mul3A_848 = arith.constant 16 : i32
          %mul3A_849 = arith.muli %scan3A_687, %mul3A_848 : i32
          %get3A_850 = arith.index_cast %add3A_847 : i32 to index
          %get3A_851 = arith.index_cast %mul3A_849 : i32 to index
          %get3A_852 = tpu.vector_load %arg7[%get3A_850, %get3A_851] {strides = array<i32>} : memref<64x784xf32, #tpu.memory_space<vmem>>, vector<16xf32>,
          %mul3A_853 = arith.mulf %get3A_712, %get3A_852 : vector<16xf32>
          %add3A_854 = arith.addf %scan3A_702, %mul3A_853 : vector<16xf32>
          %sort3A_855 = arith.constant dense<true> : vector<16xi1>
          %sort3A_856, %sort3A_857, %sort3A_858 = tpu.sort %mul3A_853, %mul3A_853 masked %sort3A_855 : (vector<16xf32>, vector<16xf32>, vector<16xi1>) -> (vector<16xi1>, vector<16xf32>, vector<16xf32>)
          %neg3A_859 = arith.constant 0.000000e+00 : f32
          %neg3A_860 = vector.broadcast %neg3A_859 : f32 to vector<16xf32>
          %neg3A_861 = arith.subf %neg3A_860, %mul3A_853 : vector<16xf32>
          %sort3A_862 = arith.constant dense<true> : vector<16xi1>
          %sort3A_863, %sort3A_864, %sort3A_865 = tpu.sort %neg3A_861, %neg3A_861 masked %sort3A_862 : (vector<16xf32>, vector<16xf32>, vector<16xi1>) -> (vector<16xi1>, vector<16xf32>, vector<16xf32>)
          %neg3A_866 = arith.constant 0.000000e+00 : f32
          %neg3A_867 = vector.broadcast %neg3A_866 : f32 to vector<16xf32>
          %neg3A_868 = arith.subf %neg3A_867, %sort3A_864 : vector<16xf32>
          %max3A_869 = arith.maximumf %scan3A_698, %neg3A_868 : vector<16xf32>
          %sort3A_870 = arith.constant dense<true> : vector<16xi1>
          %sort3A_871, %sort3A_872, %sort3A_873 = tpu.sort %max3A_869, %max3A_869 masked %sort3A_870 : (vector<16xf32>, vector<16xf32>, vector<16xi1>) -> (vector<16xi1>, vector<16xf32>, vector<16xf32>)
          %neg3A_874 = arith.constant 0.000000e+00 : f32
          %neg3A_875 = vector.broadcast %neg3A_874 : f32 to vector<16xf32>
          %neg3A_876 = arith.subf %neg3A_875, %scan3A_699 : vector<16xf32>
          %max3A_877 = arith.maximumf %sort3A_872, %neg3A_876 : vector<16xf32>
          %neg3A_878 = arith.constant 0.000000e+00 : f32
          %neg3A_879 = vector.broadcast %neg3A_878 : f32 to vector<16xf32>
          %neg3A_880 = arith.subf %neg3A_879, %max3A_877 : vector<16xf32>
          %sort3A_881 = arith.constant dense<true> : vector<16xi1>
          %sort3A_882, %sort3A_883, %sort3A_884 = tpu.sort %neg3A_880, %neg3A_880 masked %sort3A_881 : (vector<16xf32>, vector<16xf32>, vector<16xi1>) -> (vector<16xi1>, vector<16xf32>, vector<16xf32>)
          %min3A_885 = arith.minimumf %sort3A_872, %neg3A_876 : vector<16xf32>
          %sort3A_886 = arith.constant dense<true> : vector<16xi1>
          %sort3A_887, %sort3A_888, %sort3A_889 = tpu.sort %min3A_885, %min3A_885 masked %sort3A_886 : (vector<16xf32>, vector<16xf32>, vector<16xi1>) -> (vector<16xi1>, vector<16xf32>, vector<16xf32>)
          %neg3A_890 = arith.constant 0.000000e+00 : f32
          %neg3A_891 = vector.broadcast %neg3A_890 : f32 to vector<16xf32>
          %neg3A_892 = arith.subf %neg3A_891, %sort3A_857 : vector<16xf32>
          %max3A_893 = arith.maximumf %scan3A_700, %neg3A_892 : vector<16xf32>
          %sort3A_894 = arith.constant dense<true> : vector<16xi1>
          %sort3A_895, %sort3A_896, %sort3A_897 = tpu.sort %max3A_893, %max3A_893 masked %sort3A_894 : (vector<16xf32>, vector<16xf32>, vector<16xi1>) -> (vector<16xi1>, vector<16xf32>, vector<16xf32>)
          %neg3A_898 = arith.constant 0.000000e+00 : f32
          %neg3A_899 = vector.broadcast %neg3A_898 : f32 to vector<16xf32>
          %neg3A_900 = arith.subf %neg3A_899, %scan3A_701 : vector<16xf32>
          %max3A_901 = arith.maximumf %sort3A_896, %neg3A_900 : vector<16xf32>
          %neg3A_902 = arith.constant 0.000000e+00 : f32
          %neg3A_903 = vector.broadcast %neg3A_902 : f32 to vector<16xf32>
          %neg3A_904 = arith.subf %neg3A_903, %max3A_901 : vector<16xf32>
          %sort3A_905 = arith.constant dense<true> : vector<16xi1>
          %sort3A_906, %sort3A_907, %sort3A_908 = tpu.sort %neg3A_904, %neg3A_904 masked %sort3A_905 : (vector<16xf32>, vector<16xf32>, vector<16xi1>) -> (vector<16xi1>, vector<16xf32>, vector<16xf32>)
          %min3A_909 = arith.minimumf %sort3A_896, %neg3A_900 : vector<16xf32>
          %sort3A_910 = arith.constant dense<true> : vector<16xi1>
          %sort3A_911, %sort3A_912, %sort3A_913 = tpu.sort %min3A_909, %min3A_909 masked %sort3A_910 : (vector<16xf32>, vector<16xf32>, vector<16xi1>) -> (vector<16xi1>, vector<16xf32>, vector<16xf32>)
          %add3A_914 = arith.constant 3 : i32
          %add3A_915 = arith.addi %add3A_165, %add3A_914 : i32
          %mul3A_916 = arith.constant 16 : i32
          %mul3A_917 = arith.muli %scan3A_687, %mul3A_916 : i32
          %get3A_918 = arith.index_cast %add3A_915 : i32 to index
          %get3A_919 = arith.index_cast %mul3A_917 : i32 to index
          %get3A_920 = tpu.vector_load %arg7[%get3A_918, %get3A_919] {strides = array<i32>} : memref<64x784xf32, #tpu.memory_space<vmem>>, vector<16xf32>,
          %mul3A_921 = arith.mulf %get3A_712, %get3A_920 : vector<16xf32>
          %add3A_922 = arith.addf %scan3A_707, %mul3A_921 : vector<16xf32>
          %sort3A_923 = arith.constant dense<true> : vector<16xi1>
          %sort3A_924, %sort3A_925, %sort3A_926 = tpu.sort %mul3A_921, %mul3A_921 masked %sort3A_923 : (vector<16xf32>, vector<16xf32>, vector<16xi1>) -> (vector<16xi1>, vector<16xf32>, vector<16xf32>)
          %neg3A_927 = arith.constant 0.000000e+00 : f32
          %neg3A_928 = vector.broadcast %neg3A_927 : f32 to vector<16xf32>
          %neg3A_929 = arith.subf %neg3A_928, %mul3A_921 : vector<16xf32>
          %sort3A_930 = arith.constant dense<true> : vector<16xi1>
          %sort3A_931, %sort3A_932, %sort3A_933 = tpu.sort %neg3A_929, %neg3A_929 masked %sort3A_930 : (vector<16xf32>, vector<16xf32>, vector<16xi1>) -> (vector<16xi1>, vector<16xf32>, vector<16xf32>)
          %neg3A_934 = arith.constant 0.000000e+00 : f32
          %neg3A_935 = vector.broadcast %neg3A_934 : f32 to vector<16xf32>
          %neg3A_936 = arith.subf %neg3A_935, %sort3A_932 : vector<16xf32>
          %max3A_937 = arith.maximumf %scan3A_703, %neg3A_936 : vector<16xf32>
          %sort3A_938 = arith.constant dense<true> : vector<16xi1>
          %sort3A_939, %sort3A_940, %sort3A_941 = tpu.sort %max3A_937, %max3A_937 masked %sort3A_938 : (vector<16xf32>, vector<16xf32>, vector<16xi1>) -> (vector<16xi1>, vector<16xf32>, vector<16xf32>)
          %neg3A_942 = arith.constant 0.000000e+00 : f32
          %neg3A_943 = vector.broadcast %neg3A_942 : f32 to vector<16xf32>
          %neg3A_944 = arith.subf %neg3A_943, %scan3A_704 : vector<16xf32>
          %max3A_945 = arith.maximumf %sort3A_940, %neg3A_944 : vector<16xf32>
          %neg3A_946 = arith.constant 0.000000e+00 : f32
          %neg3A_947 = vector.broadcast %neg3A_946 : f32 to vector<16xf32>
          %neg3A_948 = arith.subf %neg3A_947, %max3A_945 : vector<16xf32>
          %sort3A_949 = arith.constant dense<true> : vector<16xi1>
          %sort3A_950, %sort3A_951, %sort3A_952 = tpu.sort %neg3A_948, %neg3A_948 masked %sort3A_949 : (vector<16xf32>, vector<16xf32>, vector<16xi1>) -> (vector<16xi1>, vector<16xf32>, vector<16xf32>)
          %min3A_953 = arith.minimumf %sort3A_940, %neg3A_944 : vector<16xf32>
          %sort3A_954 = arith.constant dense<true> : vector<16xi1>
          %sort3A_955, %sort3A_956, %sort3A_957 = tpu.sort %min3A_953, %min3A_953 masked %sort3A_954 : (vector<16xf32>, vector<16xf32>, vector<16xi1>) -> (vector<16xi1>, vector<16xf32>, vector<16xf32>)
          %neg3A_958 = arith.constant 0.000000e+00 : f32
          %neg3A_959 = vector.broadcast %neg3A_958 : f32 to vector<16xf32>
          %neg3A_960 = arith.subf %neg3A_959, %sort3A_925 : vector<16xf32>
          %max3A_961 = arith.maximumf %scan3A_705, %neg3A_960 : vector<16xf32>
          %sort3A_962 = arith.constant dense<true> : vector<16xi1>
          %sort3A_963, %sort3A_964, %sort3A_965 = tpu.sort %max3A_961, %max3A_961 masked %sort3A_962 : (vector<16xf32>, vector<16xf32>, vector<16xi1>) -> (vector<16xi1>, vector<16xf32>, vector<16xf32>)
          %neg3A_966 = arith.constant 0.000000e+00 : f32
          %neg3A_967 = vector.broadcast %neg3A_966 : f32 to vector<16xf32>
          %neg3A_968 = arith.subf %neg3A_967, %scan3A_706 : vector<16xf32>
          %max3A_969 = arith.maximumf %sort3A_964, %neg3A_968 : vector<16xf32>
          %neg3A_970 = arith.constant 0.000000e+00 : f32
          %neg3A_971 = vector.broadcast %neg3A_970 : f32 to vector<16xf32>
          %neg3A_972 = arith.subf %neg3A_971, %max3A_969 : vector<16xf32>
          %sort3A_973 = arith.constant dense<true> : vector<16xi1>
          %sort3A_974, %sort3A_975, %sort3A_976 = tpu.sort %neg3A_972, %neg3A_972 masked %sort3A_973 : (vector<16xf32>, vector<16xf32>, vector<16xi1>) -> (vector<16xi1>, vector<16xf32>, vector<16xf32>)
          %min3A_977 = arith.minimumf %sort3A_964, %neg3A_968 : vector<16xf32>
          %sort3A_978 = arith.constant dense<true> : vector<16xi1>
          %sort3A_979, %sort3A_980, %sort3A_981 = tpu.sort %min3A_977, %min3A_977 masked %sort3A_978 : (vector<16xf32>, vector<16xf32>, vector<16xi1>) -> (vector<16xi1>, vector<16xf32>, vector<16xf32>)
          scf.yield %sort3A_752, %sort3A_748, %sort3A_776, %sort3A_771, %add3A_721, %sort3A_820, %sort3A_815, %sort3A_844, %sort3A_839, %add3A_786, %sort3A_888, %sort3A_883, %sort3A_912, %sort3A_907, %add3A_854, %sort3A_956, %sort3A_951, %sort3A_980, %sort3A_975, %add3A_922 : vector<16xf32>, vector<16xf32>, vector<16xf32>, vector<16xf32>, vector<16xf32>, vector<16xf32>, vector<16xf32>, vector<16xf32>, vector<16xf32>, vector<16xf32>, vector<16xf32>, vector<16xf32>, vector<16xf32>, vector<16xf32>, vector<16xf32>, vector<16xf32>, vector<16xf32>, vector<16xf32>, vector<16xf32>, vector<16xf32>
        }
        %scan3A_171 = arith.constant 49 : i32
        %reduce_sum3A_172 = arith.constant true
        %reduce_sum3A_173 = vector.broadcast %reduce_sum3A_172 : i1 to vector<16xi1>
        %reduce_sum3A_174 = tpu.scan <sum>, %scan3A_170#1 masked %reduce_sum3A_173 : vector<16xf32>, vector<16xi1> -> vector<16xf32>
        %reduce_sum3A_175 = vector.extract %reduce_sum3A_174[15] : f32 from vector<16xf32>
        %neg3A_176 = arith.constant 0.000000e+00 : f32
        %neg3A_177 = arith.subf %neg3A_176, %reduce_sum3A_175 : f32
        %jit3A_178 = arith.constant 0.000000e+00 : f32
        %broadcast_in_dim3A_179 = vector.broadcast %jit3A_178 : f32 to vector<16xf32>
        %select_n3A_180 = arith.select %ge3A_9, %scan3A_170#0, %broadcast_in_dim3A_179 : vector<16xi1>, vector<16xf32>
        %reduce_sum3A_181 = arith.constant true
        %reduce_sum3A_182 = vector.broadcast %reduce_sum3A_181 : i1 to vector<16xi1>
        %reduce_sum3A_183 = tpu.scan <sum>, %select_n3A_180 masked %reduce_sum3A_182 : vector<16xf32>, vector<16xi1> -> vector<16xf32>
        %reduce_sum3A_184 = vector.extract %reduce_sum3A_183[15] : f32 from vector<16xf32>
        %add3A_185 = arith.addf %neg3A_177, %reduce_sum3A_184 : f32
        %reduce_sum3A_186 = arith.constant true
        %reduce_sum3A_187 = vector.broadcast %reduce_sum3A_186 : i1 to vector<16xi1>
        %reduce_sum3A_188 = tpu.scan <sum>, %scan3A_170#3 masked %reduce_sum3A_187 : vector<16xf32>, vector<16xi1> -> vector<16xf32>
        %reduce_sum3A_189 = vector.extract %reduce_sum3A_188[15] : f32 from vector<16xf32>
        %neg3A_190 = arith.constant 0.000000e+00 : f32
        %neg3A_191 = arith.subf %neg3A_190, %reduce_sum3A_189 : f32
        %jit3A_192 = arith.constant 0.000000e+00 : f32
        %broadcast_in_dim3A_193 = vector.broadcast %jit3A_192 : f32 to vector<16xf32>
        %select_n3A_194 = arith.select %ge3A_9, %scan3A_170#2, %broadcast_in_dim3A_193 : vector<16xi1>, vector<16xf32>
        %reduce_sum3A_195 = arith.constant true
        %reduce_sum3A_196 = vector.broadcast %reduce_sum3A_195 : i1 to vector<16xi1>
        %reduce_sum3A_197 = tpu.scan <sum>, %select_n3A_194 masked %reduce_sum3A_196 : vector<16xf32>, vector<16xi1> -> vector<16xf32>
        %reduce_sum3A_198 = vector.extract %reduce_sum3A_197[15] : f32 from vector<16xf32>
        %add3A_199 = arith.addf %neg3A_191, %reduce_sum3A_198 : f32
        %reduce_sum3A_200 = arith.constant true
        %reduce_sum3A_201 = vector.broadcast %reduce_sum3A_200 : i1 to vector<16xi1>
        %reduce_sum3A_202 = tpu.scan <sum>, %scan3A_170#4 masked %reduce_sum3A_201 : vector<16xf32>, vector<16xi1> -> vector<16xf32>
        %reduce_sum3A_203 = vector.extract %reduce_sum3A_202[15] : f32 from vector<16xf32>
        %sub3A_204 = arith.subf %reduce_sum3A_203, %add3A_185 : f32
        %add3A_205 = arith.addf %sub3A_204, %add3A_199 : f32
        %reduce_sum3A_206 = arith.constant true
        %reduce_sum3A_207 = vector.broadcast %reduce_sum3A_206 : i1 to vector<16xi1>
        %reduce_sum3A_208 = tpu.scan <sum>, %scan3A_170#6 masked %reduce_sum3A_207 : vector<16xf32>, vector<16xi1> -> vector<16xf32>
        %reduce_sum3A_209 = vector.extract %reduce_sum3A_208[15] : f32 from vector<16xf32>
        %neg3A_210 = arith.constant 0.000000e+00 : f32
        %neg3A_211 = arith.subf %neg3A_210, %reduce_sum3A_209 : f32
        %jit3A_212 = arith.constant 0.000000e+00 : f32
        %broadcast_in_dim3A_213 = vector.broadcast %jit3A_212 : f32 to vector<16xf32>
        %select_n3A_214 = arith.select %ge3A_9, %scan3A_170#5, %broadcast_in_dim3A_213 : vector<16xi1>, vector<16xf32>
        %reduce_sum3A_215 = arith.constant true
        %reduce_sum3A_216 = vector.broadcast %reduce_sum3A_215 : i1 to vector<16xi1>
        %reduce_sum3A_217 = tpu.scan <sum>, %select_n3A_214 masked %reduce_sum3A_216 : vector<16xf32>, vector<16xi1> -> vector<16xf32>
        %reduce_sum3A_218 = vector.extract %reduce_sum3A_217[15] : f32 from vector<16xf32>
        %add3A_219 = arith.addf %neg3A_211, %reduce_sum3A_218 : f32
        %reduce_sum3A_220 = arith.constant true
        %reduce_sum3A_221 = vector.broadcast %reduce_sum3A_220 : i1 to vector<16xi1>
        %reduce_sum3A_222 = tpu.scan <sum>, %scan3A_170#8 masked %reduce_sum3A_221 : vector<16xf32>, vector<16xi1> -> vector<16xf32>
        %reduce_sum3A_223 = vector.extract %reduce_sum3A_222[15] : f32 from vector<16xf32>
        %neg3A_224 = arith.constant 0.000000e+00 : f32
        %neg3A_225 = arith.subf %neg3A_224, %reduce_sum3A_223 : f32
        %jit3A_226 = arith.constant 0.000000e+00 : f32
        %broadcast_in_dim3A_227 = vector.broadcast %jit3A_226 : f32 to vector<16xf32>
        %select_n3A_228 = arith.select %ge3A_9, %scan3A_170#7, %broadcast_in_dim3A_227 : vector<16xi1>, vector<16xf32>
        %reduce_sum3A_229 = arith.constant true
        %reduce_sum3A_230 = vector.broadcast %reduce_sum3A_229 : i1 to vector<16xi1>
        %reduce_sum3A_231 = tpu.scan <sum>, %select_n3A_228 masked %reduce_sum3A_230 : vector<16xf32>, vector<16xi1> -> vector<16xf32>
        %reduce_sum3A_232 = vector.extract %reduce_sum3A_231[15] : f32 from vector<16xf32>
        %add3A_233 = arith.addf %neg3A_225, %reduce_sum3A_232 : f32
        %reduce_sum3A_234 = arith.constant true
        %reduce_sum3A_235 = vector.broadcast %reduce_sum3A_234 : i1 to vector<16xi1>
        %reduce_sum3A_236 = tpu.scan <sum>, %scan3A_170#9 masked %reduce_sum3A_235 : vector<16xf32>, vector<16xi1> -> vector<16xf32>
        %reduce_sum3A_237 = vector.extract %reduce_sum3A_236[15] : f32 from vector<16xf32>
        %sub3A_238 = arith.subf %reduce_sum3A_237, %add3A_219 : f32
        %add3A_239 = arith.addf %sub3A_238, %add3A_233 : f32
        %reduce_sum3A_240 = arith.constant true
        %reduce_sum3A_241 = vector.broadcast %reduce_sum3A_240 : i1 to vector<16xi1>
        %reduce_sum3A_242 = tpu.scan <sum>, %scan3A_170#11 masked %reduce_sum3A_241 : vector<16xf32>, vector<16xi1> -> vector<16xf32>
        %reduce_sum3A_243 = vector.extract %reduce_sum3A_242[15] : f32 from vector<16xf32>
        %neg3A_244 = arith.constant 0.000000e+00 : f32
        %neg3A_245 = arith.subf %neg3A_244, %reduce_sum3A_243 : f32
        %jit3A_246 = arith.constant 0.000000e+00 : f32
        %broadcast_in_dim3A_247 = vector.broadcast %jit3A_246 : f32 to vector<16xf32>
        %select_n3A_248 = arith.select %ge3A_9, %scan3A_170#10, %broadcast_in_dim3A_247 : vector<16xi1>, vector<16xf32>
        %reduce_sum3A_249 = arith.constant true
        %reduce_sum3A_250 = vector.broadcast %reduce_sum3A_249 : i1 to vector<16xi1>
        %reduce_sum3A_251 = tpu.scan <sum>, %select_n3A_248 masked %reduce_sum3A_250 : vector<16xf32>, vector<16xi1> -> vector<16xf32>
        %reduce_sum3A_252 = vector.extract %reduce_sum3A_251[15] : f32 from vector<16xf32>
        %add3A_253 = arith.addf %neg3A_245, %reduce_sum3A_252 : f32
        %reduce_sum3A_254 = arith.constant true
        %reduce_sum3A_255 = vector.broadcast %reduce_sum3A_254 : i1 to vector<16xi1>
        %reduce_sum3A_256 = tpu.scan <sum>, %scan3A_170#13 masked %reduce_sum3A_255 : vector<16xf32>, vector<16xi1> -> vector<16xf32>
        %reduce_sum3A_257 = vector.extract %reduce_sum3A_256[15] : f32 from vector<16xf32>
        %neg3A_258 = arith.constant 0.000000e+00 : f32
        %neg3A_259 = arith.subf %neg3A_258, %reduce_sum3A_257 : f32
        %jit3A_260 = arith.constant 0.000000e+00 : f32
        %broadcast_in_dim3A_261 = vector.broadcast %jit3A_260 : f32 to vector<16xf32>
        %select_n3A_262 = arith.select %ge3A_9, %scan3A_170#12, %broadcast_in_dim3A_261 : vector<16xi1>, vector<16xf32>
        %reduce_sum3A_263 = arith.constant true
        %reduce_sum3A_264 = vector.broadcast %reduce_sum3A_263 : i1 to vector<16xi1>
        %reduce_sum3A_265 = tpu.scan <sum>, %select_n3A_262 masked %reduce_sum3A_264 : vector<16xf32>, vector<16xi1> -> vector<16xf32>
        %reduce_sum3A_266 = vector.extract %reduce_sum3A_265[15] : f32 from vector<16xf32>
        %add3A_267 = arith.addf %neg3A_259, %reduce_sum3A_266 : f32
        %reduce_sum3A_268 = arith.constant true
        %reduce_sum3A_269 = vector.broadcast %reduce_sum3A_268 : i1 to vector<16xi1>
        %reduce_sum3A_270 = tpu.scan <sum>, %scan3A_170#14 masked %reduce_sum3A_269 : vector<16xf32>, vector<16xi1> -> vector<16xf32>
        %reduce_sum3A_271 = vector.extract %reduce_sum3A_270[15] : f32 from vector<16xf32>
        %sub3A_272 = arith.subf %reduce_sum3A_271, %add3A_253 : f32
        %add3A_273 = arith.addf %sub3A_272, %add3A_267 : f32
        %reduce_sum3A_274 = arith.constant true
        %reduce_sum3A_275 = vector.broadcast %reduce_sum3A_274 : i1 to vector<16xi1>
        %reduce_sum3A_276 = tpu.scan <sum>, %scan3A_170#16 masked %reduce_sum3A_275 : vector<16xf32>, vector<16xi1> -> vector<16xf32>
        %reduce_sum3A_277 = vector.extract %reduce_sum3A_276[15] : f32 from vector<16xf32>
        %neg3A_278 = arith.constant 0.000000e+00 : f32
        %neg3A_279 = arith.subf %neg3A_278, %reduce_sum3A_277 : f32
        %jit3A_280 = arith.constant 0.000000e+00 : f32
        %broadcast_in_dim3A_281 = vector.broadcast %jit3A_280 : f32 to vector<16xf32>
        %select_n3A_282 = arith.select %ge3A_9, %scan3A_170#15, %broadcast_in_dim3A_281 : vector<16xi1>, vector<16xf32>
        %reduce_sum3A_283 = arith.constant true
        %reduce_sum3A_284 = vector.broadcast %reduce_sum3A_283 : i1 to vector<16xi1>
        %reduce_sum3A_285 = tpu.scan <sum>, %select_n3A_282 masked %reduce_sum3A_284 : vector<16xf32>, vector<16xi1> -> vector<16xf32>
        %reduce_sum3A_286 = vector.extract %reduce_sum3A_285[15] : f32 from vector<16xf32>
        %add3A_287 = arith.addf %neg3A_279, %reduce_sum3A_286 : f32
        %reduce_sum3A_288 = arith.constant true
        %reduce_sum3A_289 = vector.broadcast %reduce_sum3A_288 : i1 to vector<16xi1>
        %reduce_sum3A_290 = tpu.scan <sum>, %scan3A_170#18 masked %reduce_sum3A_289 : vector<16xf32>, vector<16xi1> -> vector<16xf32>
        %reduce_sum3A_291 = vector.extract %reduce_sum3A_290[15] : f32 from vector<16xf32>
        %neg3A_292 = arith.constant 0.000000e+00 : f32
        %neg3A_293 = arith.subf %neg3A_292, %reduce_sum3A_291 : f32
        %jit3A_294 = arith.constant 0.000000e+00 : f32
        %broadcast_in_dim3A_295 = vector.broadcast %jit3A_294 : f32 to vector<16xf32>
        %select_n3A_296 = arith.select %ge3A_9, %scan3A_170#17, %broadcast_in_dim3A_295 : vector<16xi1>, vector<16xf32>
        %reduce_sum3A_297 = arith.constant true
        %reduce_sum3A_298 = vector.broadcast %reduce_sum3A_297 : i1 to vector<16xi1>
        %reduce_sum3A_299 = tpu.scan <sum>, %select_n3A_296 masked %reduce_sum3A_298 : vector<16xf32>, vector<16xi1> -> vector<16xf32>
        %reduce_sum3A_300 = vector.extract %reduce_sum3A_299[15] : f32 from vector<16xf32>
        %add3A_301 = arith.addf %neg3A_293, %reduce_sum3A_300 : f32
        %reduce_sum3A_302 = arith.constant true
        %reduce_sum3A_303 = vector.broadcast %reduce_sum3A_302 : i1 to vector<16xi1>
        %reduce_sum3A_304 = tpu.scan <sum>, %scan3A_170#19 masked %reduce_sum3A_303 : vector<16xf32>, vector<16xi1> -> vector<16xf32>
        %reduce_sum3A_305 = vector.extract %reduce_sum3A_304[15] : f32 from vector<16xf32>
        %sub3A_306 = arith.subf %reduce_sum3A_305, %add3A_287 : f32
        %add3A_307 = arith.addf %sub3A_306, %add3A_301 : f32
        %mul3A_308 = arith.constant 16 : i32
        %mul3A_309 = arith.muli %scan3A_21, %mul3A_308 : i32
        %add3A_310 = arith.constant 8 : i32
        %add3A_311 = arith.addi %mul3A_309, %add3A_310 : i32
        %scan3A_312 = arith.constant 0 : i32
        %scan3A_313 = arith.constant 49 : i32
        %scan3A_314 = arith.addi %scan3A_312, %scan3A_313 : i32
        %scan3A_315 = arith.constant 1 : i32
        %scan3A_316:20 = scf.for %scan3A_687 = %scan3A_312 to %scan3A_314 step %scan3A_315 iter_args(%scan3A_688 = %broadcast_in_dim3A_5, %scan3A_689 = %broadcast_in_dim3A_7, %scan3A_690 = %broadcast_in_dim3A_5, %scan3A_691 = %broadcast_in_dim3A_7, %scan3A_692 = %broadcast_in_dim3A_3, %scan3A_693 = %broadcast_in_dim3A_5, %scan3A_694 = %broadcast_in_dim3A_7, %scan3A_695 = %broadcast_in_dim3A_5, %scan3A_696 = %broadcast_in_dim3A_7, %scan3A_697 = %broadcast_in_dim3A_3, %scan3A_698 = %broadcast_in_dim3A_5, %scan3A_699 = %broadcast_in_dim3A_7, %scan3A_700 = %broadcast_in_dim3A_5, %scan3A_701 = %broadcast_in_dim3A_7, %scan3A_702 = %broadcast_in_dim3A_3, %scan3A_703 = %broadcast_in_dim3A_5, %scan3A_704 = %broadcast_in_dim3A_7, %scan3A_705 = %broadcast_in_dim3A_5, %scan3A_706 = %broadcast_in_dim3A_7, %scan3A_707 = %broadcast_in_dim3A_3) -> (vector<16xf32>, vector<16xf32>, vector<16xf32>, vector<16xf32>, vector<16xf32>, vector<16xf32>, vector<16xf32>, vector<16xf32>, vector<16xf32>, vector<16xf32>, vector<16xf32>, vector<16xf32>, vector<16xf32>, vector<16xf32>, vector<16xf32>, vector<16xf32>, vector<16xf32>, vector<16xf32>, vector<16xf32>, vector<16xf32>)  : i32 {
          %mul3A_708 = arith.constant 16 : i32
          %mul3A_709 = arith.muli %scan3A_687, %mul3A_708 : i32
          %get3A_710 = arith.index_cast %scan3A_15 : i32 to index
          %get3A_711 = arith.index_cast %mul3A_709 : i32 to index
          %get3A_712 = tpu.vector_load %arg6[%get3A_710, %get3A_711] {strides = array<i32>} : memref<32x784xf32, #tpu.memory_space<vmem>>, vector<16xf32>,
          %add3A_713 = arith.constant 0 : i32
          %add3A_714 = arith.addi %add3A_311, %add3A_713 : i32
          %mul3A_715 = arith.constant 16 : i32
          %mul3A_716 = arith.muli %scan3A_687, %mul3A_715 : i32
          %get3A_717 = arith.index_cast %add3A_714 : i32 to index
          %get3A_718 = arith.index_cast %mul3A_716 : i32 to index
          %get3A_719 = tpu.vector_load %arg7[%get3A_717, %get3A_718] {strides = array<i32>} : memref<64x784xf32, #tpu.memory_space<vmem>>, vector<16xf32>,
          %mul3A_720 = arith.mulf %get3A_712, %get3A_719 : vector<16xf32>
          %add3A_721 = arith.addf %scan3A_692, %mul3A_720 : vector<16xf32>
          %sort3A = arith.constant dense<true> : vector<16xi1>
          %sort3A_722, %sort3A_723, %sort3A_724 = tpu.sort %mul3A_720, %mul3A_720 masked %sort3A : (vector<16xf32>, vector<16xf32>, vector<16xi1>) -> (vector<16xi1>, vector<16xf32>, vector<16xf32>)
          %neg3A_725 = arith.constant 0.000000e+00 : f32
          %neg3A_726 = vector.broadcast %neg3A_725 : f32 to vector<16xf32>
          %neg3A_727 = arith.subf %neg3A_726, %mul3A_720 : vector<16xf32>
          %sort3A_728 = arith.constant dense<true> : vector<16xi1>
          %sort3A_729, %sort3A_730, %sort3A_731 = tpu.sort %neg3A_727, %neg3A_727 masked %sort3A_728 : (vector<16xf32>, vector<16xf32>, vector<16xi1>) -> (vector<16xi1>, vector<16xf32>, vector<16xf32>)
          %neg3A_732 = arith.constant 0.000000e+00 : f32
          %neg3A_733 = vector.broadcast %neg3A_732 : f32 to vector<16xf32>
          %neg3A_734 = arith.subf %neg3A_733, %sort3A_730 : vector<16xf32>
          %max3A = arith.maximumf %scan3A_688, %neg3A_734 : vector<16xf32>
          %sort3A_735 = arith.constant dense<true> : vector<16xi1>
          %sort3A_736, %sort3A_737, %sort3A_738 = tpu.sort %max3A, %max3A masked %sort3A_735 : (vector<16xf32>, vector<16xf32>, vector<16xi1>) -> (vector<16xi1>, vector<16xf32>, vector<16xf32>)
          %neg3A_739 = arith.constant 0.000000e+00 : f32
          %neg3A_740 = vector.broadcast %neg3A_739 : f32 to vector<16xf32>
          %neg3A_741 = arith.subf %neg3A_740, %scan3A_689 : vector<16xf32>
          %max3A_742 = arith.maximumf %sort3A_737, %neg3A_741 : vector<16xf32>
          %neg3A_743 = arith.constant 0.000000e+00 : f32
          %neg3A_744 = vector.broadcast %neg3A_743 : f32 to vector<16xf32>
          %neg3A_745 = arith.subf %neg3A_744, %max3A_742 : vector<16xf32>
          %sort3A_746 = arith.constant dense<true> : vector<16xi1>
          %sort3A_747, %sort3A_748, %sort3A_749 = tpu.sort %neg3A_745, %neg3A_745 masked %sort3A_746 : (vector<16xf32>, vector<16xf32>, vector<16xi1>) -> (vector<16xi1>, vector<16xf32>, vector<16xf32>)
          %min3A = arith.minimumf %sort3A_737, %neg3A_741 : vector<16xf32>
          %sort3A_750 = arith.constant dense<true> : vector<16xi1>
          %sort3A_751, %sort3A_752, %sort3A_753 = tpu.sort %min3A, %min3A masked %sort3A_750 : (vector<16xf32>, vector<16xf32>, vector<16xi1>) -> (vector<16xi1>, vector<16xf32>, vector<16xf32>)
          %neg3A_754 = arith.constant 0.000000e+00 : f32
          %neg3A_755 = vector.broadcast %neg3A_754 : f32 to vector<16xf32>
          %neg3A_756 = arith.subf %neg3A_755, %sort3A_723 : vector<16xf32>
          %max3A_757 = arith.maximumf %scan3A_690, %neg3A_756 : vector<16xf32>
          %sort3A_758 = arith.constant dense<true> : vector<16xi1>
          %sort3A_759, %sort3A_760, %sort3A_761 = tpu.sort %max3A_757, %max3A_757 masked %sort3A_758 : (vector<16xf32>, vector<16xf32>, vector<16xi1>) -> (vector<16xi1>, vector<16xf32>, vector<16xf32>)
          %neg3A_762 = arith.constant 0.000000e+00 : f32
          %neg3A_763 = vector.broadcast %neg3A_762 : f32 to vector<16xf32>
          %neg3A_764 = arith.subf %neg3A_763, %scan3A_691 : vector<16xf32>
          %max3A_765 = arith.maximumf %sort3A_760, %neg3A_764 : vector<16xf32>
          %neg3A_766 = arith.constant 0.000000e+00 : f32
          %neg3A_767 = vector.broadcast %neg3A_766 : f32 to vector<16xf32>
          %neg3A_768 = arith.subf %neg3A_767, %max3A_765 : vector<16xf32>
          %sort3A_769 = arith.constant dense<true> : vector<16xi1>
          %sort3A_770, %sort3A_771, %sort3A_772 = tpu.sort %neg3A_768, %neg3A_768 masked %sort3A_769 : (vector<16xf32>, vector<16xf32>, vector<16xi1>) -> (vector<16xi1>, vector<16xf32>, vector<16xf32>)
          %min3A_773 = arith.minimumf %sort3A_760, %neg3A_764 : vector<16xf32>
          %sort3A_774 = arith.constant dense<true> : vector<16xi1>
          %sort3A_775, %sort3A_776, %sort3A_777 = tpu.sort %min3A_773, %min3A_773 masked %sort3A_774 : (vector<16xf32>, vector<16xf32>, vector<16xi1>) -> (vector<16xi1>, vector<16xf32>, vector<16xf32>)
          %add3A_778 = arith.constant 1 : i32
          %add3A_779 = arith.addi %add3A_311, %add3A_778 : i32
          %mul3A_780 = arith.constant 16 : i32
          %mul3A_781 = arith.muli %scan3A_687, %mul3A_780 : i32
          %get3A_782 = arith.index_cast %add3A_779 : i32 to index
          %get3A_783 = arith.index_cast %mul3A_781 : i32 to index
          %get3A_784 = tpu.vector_load %arg7[%get3A_782, %get3A_783] {strides = array<i32>} : memref<64x784xf32, #tpu.memory_space<vmem>>, vector<16xf32>,
          %mul3A_785 = arith.mulf %get3A_712, %get3A_784 : vector<16xf32>
          %add3A_786 = arith.addf %scan3A_697, %mul3A_785 : vector<16xf32>
          %sort3A_787 = arith.constant dense<true> : vector<16xi1>
          %sort3A_788, %sort3A_789, %sort3A_790 = tpu.sort %mul3A_785, %mul3A_785 masked %sort3A_787 : (vector<16xf32>, vector<16xf32>, vector<16xi1>) -> (vector<16xi1>, vector<16xf32>, vector<16xf32>)
          %neg3A_791 = arith.constant 0.000000e+00 : f32
          %neg3A_792 = vector.broadcast %neg3A_791 : f32 to vector<16xf32>
          %neg3A_793 = arith.subf %neg3A_792, %mul3A_785 : vector<16xf32>
          %sort3A_794 = arith.constant dense<true> : vector<16xi1>
          %sort3A_795, %sort3A_796, %sort3A_797 = tpu.sort %neg3A_793, %neg3A_793 masked %sort3A_794 : (vector<16xf32>, vector<16xf32>, vector<16xi1>) -> (vector<16xi1>, vector<16xf32>, vector<16xf32>)
          %neg3A_798 = arith.constant 0.000000e+00 : f32
          %neg3A_799 = vector.broadcast %neg3A_798 : f32 to vector<16xf32>
          %neg3A_800 = arith.subf %neg3A_799, %sort3A_796 : vector<16xf32>
          %max3A_801 = arith.maximumf %scan3A_693, %neg3A_800 : vector<16xf32>
          %sort3A_802 = arith.constant dense<true> : vector<16xi1>
          %sort3A_803, %sort3A_804, %sort3A_805 = tpu.sort %max3A_801, %max3A_801 masked %sort3A_802 : (vector<16xf32>, vector<16xf32>, vector<16xi1>) -> (vector<16xi1>, vector<16xf32>, vector<16xf32>)
          %neg3A_806 = arith.constant 0.000000e+00 : f32
          %neg3A_807 = vector.broadcast %neg3A_806 : f32 to vector<16xf32>
          %neg3A_808 = arith.subf %neg3A_807, %scan3A_694 : vector<16xf32>
          %max3A_809 = arith.maximumf %sort3A_804, %neg3A_808 : vector<16xf32>
          %neg3A_810 = arith.constant 0.000000e+00 : f32
          %neg3A_811 = vector.broadcast %neg3A_810 : f32 to vector<16xf32>
          %neg3A_812 = arith.subf %neg3A_811, %max3A_809 : vector<16xf32>
          %sort3A_813 = arith.constant dense<true> : vector<16xi1>
          %sort3A_814, %sort3A_815, %sort3A_816 = tpu.sort %neg3A_812, %neg3A_812 masked %sort3A_813 : (vector<16xf32>, vector<16xf32>, vector<16xi1>) -> (vector<16xi1>, vector<16xf32>, vector<16xf32>)
          %min3A_817 = arith.minimumf %sort3A_804, %neg3A_808 : vector<16xf32>
          %sort3A_818 = arith.constant dense<true> : vector<16xi1>
          %sort3A_819, %sort3A_820, %sort3A_821 = tpu.sort %min3A_817, %min3A_817 masked %sort3A_818 : (vector<16xf32>, vector<16xf32>, vector<16xi1>) -> (vector<16xi1>, vector<16xf32>, vector<16xf32>)
          %neg3A_822 = arith.constant 0.000000e+00 : f32
          %neg3A_823 = vector.broadcast %neg3A_822 : f32 to vector<16xf32>
          %neg3A_824 = arith.subf %neg3A_823, %sort3A_789 : vector<16xf32>
          %max3A_825 = arith.maximumf %scan3A_695, %neg3A_824 : vector<16xf32>
          %sort3A_826 = arith.constant dense<true> : vector<16xi1>
          %sort3A_827, %sort3A_828, %sort3A_829 = tpu.sort %max3A_825, %max3A_825 masked %sort3A_826 : (vector<16xf32>, vector<16xf32>, vector<16xi1>) -> (vector<16xi1>, vector<16xf32>, vector<16xf32>)
          %neg3A_830 = arith.constant 0.000000e+00 : f32
          %neg3A_831 = vector.broadcast %neg3A_830 : f32 to vector<16xf32>
          %neg3A_832 = arith.subf %neg3A_831, %scan3A_696 : vector<16xf32>
          %max3A_833 = arith.maximumf %sort3A_828, %neg3A_832 : vector<16xf32>
          %neg3A_834 = arith.constant 0.000000e+00 : f32
          %neg3A_835 = vector.broadcast %neg3A_834 : f32 to vector<16xf32>
          %neg3A_836 = arith.subf %neg3A_835, %max3A_833 : vector<16xf32>
          %sort3A_837 = arith.constant dense<true> : vector<16xi1>
          %sort3A_838, %sort3A_839, %sort3A_840 = tpu.sort %neg3A_836, %neg3A_836 masked %sort3A_837 : (vector<16xf32>, vector<16xf32>, vector<16xi1>) -> (vector<16xi1>, vector<16xf32>, vector<16xf32>)
          %min3A_841 = arith.minimumf %sort3A_828, %neg3A_832 : vector<16xf32>
          %sort3A_842 = arith.constant dense<true> : vector<16xi1>
          %sort3A_843, %sort3A_844, %sort3A_845 = tpu.sort %min3A_841, %min3A_841 masked %sort3A_842 : (vector<16xf32>, vector<16xf32>, vector<16xi1>) -> (vector<16xi1>, vector<16xf32>, vector<16xf32>)
          %add3A_846 = arith.constant 2 : i32
          %add3A_847 = arith.addi %add3A_311, %add3A_846 : i32
          %mul3A_848 = arith.constant 16 : i32
          %mul3A_849 = arith.muli %scan3A_687, %mul3A_848 : i32
          %get3A_850 = arith.index_cast %add3A_847 : i32 to index
          %get3A_851 = arith.index_cast %mul3A_849 : i32 to index
          %get3A_852 = tpu.vector_load %arg7[%get3A_850, %get3A_851] {strides = array<i32>} : memref<64x784xf32, #tpu.memory_space<vmem>>, vector<16xf32>,
          %mul3A_853 = arith.mulf %get3A_712, %get3A_852 : vector<16xf32>
          %add3A_854 = arith.addf %scan3A_702, %mul3A_853 : vector<16xf32>
          %sort3A_855 = arith.constant dense<true> : vector<16xi1>
          %sort3A_856, %sort3A_857, %sort3A_858 = tpu.sort %mul3A_853, %mul3A_853 masked %sort3A_855 : (vector<16xf32>, vector<16xf32>, vector<16xi1>) -> (vector<16xi1>, vector<16xf32>, vector<16xf32>)
          %neg3A_859 = arith.constant 0.000000e+00 : f32
          %neg3A_860 = vector.broadcast %neg3A_859 : f32 to vector<16xf32>
          %neg3A_861 = arith.subf %neg3A_860, %mul3A_853 : vector<16xf32>
          %sort3A_862 = arith.constant dense<true> : vector<16xi1>
          %sort3A_863, %sort3A_864, %sort3A_865 = tpu.sort %neg3A_861, %neg3A_861 masked %sort3A_862 : (vector<16xf32>, vector<16xf32>, vector<16xi1>) -> (vector<16xi1>, vector<16xf32>, vector<16xf32>)
          %neg3A_866 = arith.constant 0.000000e+00 : f32
          %neg3A_867 = vector.broadcast %neg3A_866 : f32 to vector<16xf32>
          %neg3A_868 = arith.subf %neg3A_867, %sort3A_864 : vector<16xf32>
          %max3A_869 = arith.maximumf %scan3A_698, %neg3A_868 : vector<16xf32>
          %sort3A_870 = arith.constant dense<true> : vector<16xi1>
          %sort3A_871, %sort3A_872, %sort3A_873 = tpu.sort %max3A_869, %max3A_869 masked %sort3A_870 : (vector<16xf32>, vector<16xf32>, vector<16xi1>) -> (vector<16xi1>, vector<16xf32>, vector<16xf32>)
          %neg3A_874 = arith.constant 0.000000e+00 : f32
          %neg3A_875 = vector.broadcast %neg3A_874 : f32 to vector<16xf32>
          %neg3A_876 = arith.subf %neg3A_875, %scan3A_699 : vector<16xf32>
          %max3A_877 = arith.maximumf %sort3A_872, %neg3A_876 : vector<16xf32>
          %neg3A_878 = arith.constant 0.000000e+00 : f32
          %neg3A_879 = vector.broadcast %neg3A_878 : f32 to vector<16xf32>
          %neg3A_880 = arith.subf %neg3A_879, %max3A_877 : vector<16xf32>
          %sort3A_881 = arith.constant dense<true> : vector<16xi1>
          %sort3A_882, %sort3A_883, %sort3A_884 = tpu.sort %neg3A_880, %neg3A_880 masked %sort3A_881 : (vector<16xf32>, vector<16xf32>, vector<16xi1>) -> (vector<16xi1>, vector<16xf32>, vector<16xf32>)
          %min3A_885 = arith.minimumf %sort3A_872, %neg3A_876 : vector<16xf32>
          %sort3A_886 = arith.constant dense<true> : vector<16xi1>
          %sort3A_887, %sort3A_888, %sort3A_889 = tpu.sort %min3A_885, %min3A_885 masked %sort3A_886 : (vector<16xf32>, vector<16xf32>, vector<16xi1>) -> (vector<16xi1>, vector<16xf32>, vector<16xf32>)
          %neg3A_890 = arith.constant 0.000000e+00 : f32
          %neg3A_891 = vector.broadcast %neg3A_890 : f32 to vector<16xf32>
          %neg3A_892 = arith.subf %neg3A_891, %sort3A_857 : vector<16xf32>
          %max3A_893 = arith.maximumf %scan3A_700, %neg3A_892 : vector<16xf32>
          %sort3A_894 = arith.constant dense<true> : vector<16xi1>
          %sort3A_895, %sort3A_896, %sort3A_897 = tpu.sort %max3A_893, %max3A_893 masked %sort3A_894 : (vector<16xf32>, vector<16xf32>, vector<16xi1>) -> (vector<16xi1>, vector<16xf32>, vector<16xf32>)
          %neg3A_898 = arith.constant 0.000000e+00 : f32
          %neg3A_899 = vector.broadcast %neg3A_898 : f32 to vector<16xf32>
          %neg3A_900 = arith.subf %neg3A_899, %scan3A_701 : vector<16xf32>
          %max3A_901 = arith.maximumf %sort3A_896, %neg3A_900 : vector<16xf32>
          %neg3A_902 = arith.constant 0.000000e+00 : f32
          %neg3A_903 = vector.broadcast %neg3A_902 : f32 to vector<16xf32>
          %neg3A_904 = arith.subf %neg3A_903, %max3A_901 : vector<16xf32>
          %sort3A_905 = arith.constant dense<true> : vector<16xi1>
          %sort3A_906, %sort3A_907, %sort3A_908 = tpu.sort %neg3A_904, %neg3A_904 masked %sort3A_905 : (vector<16xf32>, vector<16xf32>, vector<16xi1>) -> (vector<16xi1>, vector<16xf32>, vector<16xf32>)
          %min3A_909 = arith.minimumf %sort3A_896, %neg3A_900 : vector<16xf32>
          %sort3A_910 = arith.constant dense<true> : vector<16xi1>
          %sort3A_911, %sort3A_912, %sort3A_913 = tpu.sort %min3A_909, %min3A_909 masked %sort3A_910 : (vector<16xf32>, vector<16xf32>, vector<16xi1>) -> (vector<16xi1>, vector<16xf32>, vector<16xf32>)
          %add3A_914 = arith.constant 3 : i32
          %add3A_915 = arith.addi %add3A_311, %add3A_914 : i32
          %mul3A_916 = arith.constant 16 : i32
          %mul3A_917 = arith.muli %scan3A_687, %mul3A_916 : i32
          %get3A_918 = arith.index_cast %add3A_915 : i32 to index
          %get3A_919 = arith.index_cast %mul3A_917 : i32 to index
          %get3A_920 = tpu.vector_load %arg7[%get3A_918, %get3A_919] {strides = array<i32>} : memref<64x784xf32, #tpu.memory_space<vmem>>, vector<16xf32>,
          %mul3A_921 = arith.mulf %get3A_712, %get3A_920 : vector<16xf32>
          %add3A_922 = arith.addf %scan3A_707, %mul3A_921 : vector<16xf32>
          %sort3A_923 = arith.constant dense<true> : vector<16xi1>
          %sort3A_924, %sort3A_925, %sort3A_926 = tpu.sort %mul3A_921, %mul3A_921 masked %sort3A_923 : (vector<16xf32>, vector<16xf32>, vector<16xi1>) -> (vector<16xi1>, vector<16xf32>, vector<16xf32>)
          %neg3A_927 = arith.constant 0.000000e+00 : f32
          %neg3A_928 = vector.broadcast %neg3A_927 : f32 to vector<16xf32>
          %neg3A_929 = arith.subf %neg3A_928, %mul3A_921 : vector<16xf32>
          %sort3A_930 = arith.constant dense<true> : vector<16xi1>
          %sort3A_931, %sort3A_932, %sort3A_933 = tpu.sort %neg3A_929, %neg3A_929 masked %sort3A_930 : (vector<16xf32>, vector<16xf32>, vector<16xi1>) -> (vector<16xi1>, vector<16xf32>, vector<16xf32>)
          %neg3A_934 = arith.constant 0.000000e+00 : f32
          %neg3A_935 = vector.broadcast %neg3A_934 : f32 to vector<16xf32>
          %neg3A_936 = arith.subf %neg3A_935, %sort3A_932 : vector<16xf32>
          %max3A_937 = arith.maximumf %scan3A_703, %neg3A_936 : vector<16xf32>
          %sort3A_938 = arith.constant dense<true> : vector<16xi1>
          %sort3A_939, %sort3A_940, %sort3A_941 = tpu.sort %max3A_937, %max3A_937 masked %sort3A_938 : (vector<16xf32>, vector<16xf32>, vector<16xi1>) -> (vector<16xi1>, vector<16xf32>, vector<16xf32>)
          %neg3A_942 = arith.constant 0.000000e+00 : f32
          %neg3A_943 = vector.broadcast %neg3A_942 : f32 to vector<16xf32>
          %neg3A_944 = arith.subf %neg3A_943, %scan3A_704 : vector<16xf32>
          %max3A_945 = arith.maximumf %sort3A_940, %neg3A_944 : vector<16xf32>
          %neg3A_946 = arith.constant 0.000000e+00 : f32
          %neg3A_947 = vector.broadcast %neg3A_946 : f32 to vector<16xf32>
          %neg3A_948 = arith.subf %neg3A_947, %max3A_945 : vector<16xf32>
          %sort3A_949 = arith.constant dense<true> : vector<16xi1>
          %sort3A_950, %sort3A_951, %sort3A_952 = tpu.sort %neg3A_948, %neg3A_948 masked %sort3A_949 : (vector<16xf32>, vector<16xf32>, vector<16xi1>) -> (vector<16xi1>, vector<16xf32>, vector<16xf32>)
          %min3A_953 = arith.minimumf %sort3A_940, %neg3A_944 : vector<16xf32>
          %sort3A_954 = arith.constant dense<true> : vector<16xi1>
          %sort3A_955, %sort3A_956, %sort3A_957 = tpu.sort %min3A_953, %min3A_953 masked %sort3A_954 : (vector<16xf32>, vector<16xf32>, vector<16xi1>) -> (vector<16xi1>, vector<16xf32>, vector<16xf32>)
          %neg3A_958 = arith.constant 0.000000e+00 : f32
          %neg3A_959 = vector.broadcast %neg3A_958 : f32 to vector<16xf32>
          %neg3A_960 = arith.subf %neg3A_959, %sort3A_925 : vector<16xf32>
          %max3A_961 = arith.maximumf %scan3A_705, %neg3A_960 : vector<16xf32>
          %sort3A_962 = arith.constant dense<true> : vector<16xi1>
          %sort3A_963, %sort3A_964, %sort3A_965 = tpu.sort %max3A_961, %max3A_961 masked %sort3A_962 : (vector<16xf32>, vector<16xf32>, vector<16xi1>) -> (vector<16xi1>, vector<16xf32>, vector<16xf32>)
          %neg3A_966 = arith.constant 0.000000e+00 : f32
          %neg3A_967 = vector.broadcast %neg3A_966 : f32 to vector<16xf32>
          %neg3A_968 = arith.subf %neg3A_967, %scan3A_706 : vector<16xf32>
          %max3A_969 = arith.maximumf %sort3A_964, %neg3A_968 : vector<16xf32>
          %neg3A_970 = arith.constant 0.000000e+00 : f32
          %neg3A_971 = vector.broadcast %neg3A_970 : f32 to vector<16xf32>
          %neg3A_972 = arith.subf %neg3A_971, %max3A_969 : vector<16xf32>
          %sort3A_973 = arith.constant dense<true> : vector<16xi1>
          %sort3A_974, %sort3A_975, %sort3A_976 = tpu.sort %neg3A_972, %neg3A_972 masked %sort3A_973 : (vector<16xf32>, vector<16xf32>, vector<16xi1>) -> (vector<16xi1>, vector<16xf32>, vector<16xf32>)
          %min3A_977 = arith.minimumf %sort3A_964, %neg3A_968 : vector<16xf32>
          %sort3A_978 = arith.constant dense<true> : vector<16xi1>
          %sort3A_979, %sort3A_980, %sort3A_981 = tpu.sort %min3A_977, %min3A_977 masked %sort3A_978 : (vector<16xf32>, vector<16xf32>, vector<16xi1>) -> (vector<16xi1>, vector<16xf32>, vector<16xf32>)
          scf.yield %sort3A_752, %sort3A_748, %sort3A_776, %sort3A_771, %add3A_721, %sort3A_820, %sort3A_815, %sort3A_844, %sort3A_839, %add3A_786, %sort3A_888, %sort3A_883, %sort3A_912, %sort3A_907, %add3A_854, %sort3A_956, %sort3A_951, %sort3A_980, %sort3A_975, %add3A_922 : vector<16xf32>, vector<16xf32>, vector<16xf32>, vector<16xf32>, vector<16xf32>, vector<16xf32>, vector<16xf32>, vector<16xf32>, vector<16xf32>, vector<16xf32>, vector<16xf32>, vector<16xf32>, vector<16xf32>, vector<16xf32>, vector<16xf32>, vector<16xf32>, vector<16xf32>, vector<16xf32>, vector<16xf32>, vector<16xf32>
        }
        %scan3A_317 = arith.constant 49 : i32
        %reduce_sum3A_318 = arith.constant true
        %reduce_sum3A_319 = vector.broadcast %reduce_sum3A_318 : i1 to vector<16xi1>
        %reduce_sum3A_320 = tpu.scan <sum>, %scan3A_316#1 masked %reduce_sum3A_319 : vector<16xf32>, vector<16xi1> -> vector<16xf32>
        %reduce_sum3A_321 = vector.extract %reduce_sum3A_320[15] : f32 from vector<16xf32>
        %neg3A_322 = arith.constant 0.000000e+00 : f32
        %neg3A_323 = arith.subf %neg3A_322, %reduce_sum3A_321 : f32
        %jit3A_324 = arith.constant 0.000000e+00 : f32
        %broadcast_in_dim3A_325 = vector.broadcast %jit3A_324 : f32 to vector<16xf32>
        %select_n3A_326 = arith.select %ge3A_9, %scan3A_316#0, %broadcast_in_dim3A_325 : vector<16xi1>, vector<16xf32>
        %reduce_sum3A_327 = arith.constant true
        %reduce_sum3A_328 = vector.broadcast %reduce_sum3A_327 : i1 to vector<16xi1>
        %reduce_sum3A_329 = tpu.scan <sum>, %select_n3A_326 masked %reduce_sum3A_328 : vector<16xf32>, vector<16xi1> -> vector<16xf32>
        %reduce_sum3A_330 = vector.extract %reduce_sum3A_329[15] : f32 from vector<16xf32>
        %add3A_331 = arith.addf %neg3A_323, %reduce_sum3A_330 : f32
        %reduce_sum3A_332 = arith.constant true
        %reduce_sum3A_333 = vector.broadcast %reduce_sum3A_332 : i1 to vector<16xi1>
        %reduce_sum3A_334 = tpu.scan <sum>, %scan3A_316#3 masked %reduce_sum3A_333 : vector<16xf32>, vector<16xi1> -> vector<16xf32>
        %reduce_sum3A_335 = vector.extract %reduce_sum3A_334[15] : f32 from vector<16xf32>
        %neg3A_336 = arith.constant 0.000000e+00 : f32
        %neg3A_337 = arith.subf %neg3A_336, %reduce_sum3A_335 : f32
        %jit3A_338 = arith.constant 0.000000e+00 : f32
        %broadcast_in_dim3A_339 = vector.broadcast %jit3A_338 : f32 to vector<16xf32>
        %select_n3A_340 = arith.select %ge3A_9, %scan3A_316#2, %broadcast_in_dim3A_339 : vector<16xi1>, vector<16xf32>
        %reduce_sum3A_341 = arith.constant true
        %reduce_sum3A_342 = vector.broadcast %reduce_sum3A_341 : i1 to vector<16xi1>
        %reduce_sum3A_343 = tpu.scan <sum>, %select_n3A_340 masked %reduce_sum3A_342 : vector<16xf32>, vector<16xi1> -> vector<16xf32>
        %reduce_sum3A_344 = vector.extract %reduce_sum3A_343[15] : f32 from vector<16xf32>
        %add3A_345 = arith.addf %neg3A_337, %reduce_sum3A_344 : f32
        %reduce_sum3A_346 = arith.constant true
        %reduce_sum3A_347 = vector.broadcast %reduce_sum3A_346 : i1 to vector<16xi1>
        %reduce_sum3A_348 = tpu.scan <sum>, %scan3A_316#4 masked %reduce_sum3A_347 : vector<16xf32>, vector<16xi1> -> vector<16xf32>
        %reduce_sum3A_349 = vector.extract %reduce_sum3A_348[15] : f32 from vector<16xf32>
        %sub3A_350 = arith.subf %reduce_sum3A_349, %add3A_331 : f32
        %add3A_351 = arith.addf %sub3A_350, %add3A_345 : f32
        %reduce_sum3A_352 = arith.constant true
        %reduce_sum3A_353 = vector.broadcast %reduce_sum3A_352 : i1 to vector<16xi1>
        %reduce_sum3A_354 = tpu.scan <sum>, %scan3A_316#6 masked %reduce_sum3A_353 : vector<16xf32>, vector<16xi1> -> vector<16xf32>
        %reduce_sum3A_355 = vector.extract %reduce_sum3A_354[15] : f32 from vector<16xf32>
        %neg3A_356 = arith.constant 0.000000e+00 : f32
        %neg3A_357 = arith.subf %neg3A_356, %reduce_sum3A_355 : f32
        %jit3A_358 = arith.constant 0.000000e+00 : f32
        %broadcast_in_dim3A_359 = vector.broadcast %jit3A_358 : f32 to vector<16xf32>
        %select_n3A_360 = arith.select %ge3A_9, %scan3A_316#5, %broadcast_in_dim3A_359 : vector<16xi1>, vector<16xf32>
        %reduce_sum3A_361 = arith.constant true
        %reduce_sum3A_362 = vector.broadcast %reduce_sum3A_361 : i1 to vector<16xi1>
        %reduce_sum3A_363 = tpu.scan <sum>, %select_n3A_360 masked %reduce_sum3A_362 : vector<16xf32>, vector<16xi1> -> vector<16xf32>
        %reduce_sum3A_364 = vector.extract %reduce_sum3A_363[15] : f32 from vector<16xf32>
        %add3A_365 = arith.addf %neg3A_357, %reduce_sum3A_364 : f32
        %reduce_sum3A_366 = arith.constant true
        %reduce_sum3A_367 = vector.broadcast %reduce_sum3A_366 : i1 to vector<16xi1>
        %reduce_sum3A_368 = tpu.scan <sum>, %scan3A_316#8 masked %reduce_sum3A_367 : vector<16xf32>, vector<16xi1> -> vector<16xf32>
        %reduce_sum3A_369 = vector.extract %reduce_sum3A_368[15] : f32 from vector<16xf32>
        %neg3A_370 = arith.constant 0.000000e+00 : f32
        %neg3A_371 = arith.subf %neg3A_370, %reduce_sum3A_369 : f32
        %jit3A_372 = arith.constant 0.000000e+00 : f32
        %broadcast_in_dim3A_373 = vector.broadcast %jit3A_372 : f32 to vector<16xf32>
        %select_n3A_374 = arith.select %ge3A_9, %scan3A_316#7, %broadcast_in_dim3A_373 : vector<16xi1>, vector<16xf32>
        %reduce_sum3A_375 = arith.constant true
        %reduce_sum3A_376 = vector.broadcast %reduce_sum3A_375 : i1 to vector<16xi1>
        %reduce_sum3A_377 = tpu.scan <sum>, %select_n3A_374 masked %reduce_sum3A_376 : vector<16xf32>, vector<16xi1> -> vector<16xf32>
        %reduce_sum3A_378 = vector.extract %reduce_sum3A_377[15] : f32 from vector<16xf32>
        %add3A_379 = arith.addf %neg3A_371, %reduce_sum3A_378 : f32
        %reduce_sum3A_380 = arith.constant true
        %reduce_sum3A_381 = vector.broadcast %reduce_sum3A_380 : i1 to vector<16xi1>
        %reduce_sum3A_382 = tpu.scan <sum>, %scan3A_316#9 masked %reduce_sum3A_381 : vector<16xf32>, vector<16xi1> -> vector<16xf32>
        %reduce_sum3A_383 = vector.extract %reduce_sum3A_382[15] : f32 from vector<16xf32>
        %sub3A_384 = arith.subf %reduce_sum3A_383, %add3A_365 : f32
        %add3A_385 = arith.addf %sub3A_384, %add3A_379 : f32
        %reduce_sum3A_386 = arith.constant true
        %reduce_sum3A_387 = vector.broadcast %reduce_sum3A_386 : i1 to vector<16xi1>
        %reduce_sum3A_388 = tpu.scan <sum>, %scan3A_316#11 masked %reduce_sum3A_387 : vector<16xf32>, vector<16xi1> -> vector<16xf32>
        %reduce_sum3A_389 = vector.extract %reduce_sum3A_388[15] : f32 from vector<16xf32>
        %neg3A_390 = arith.constant 0.000000e+00 : f32
        %neg3A_391 = arith.subf %neg3A_390, %reduce_sum3A_389 : f32
        %jit3A_392 = arith.constant 0.000000e+00 : f32
        %broadcast_in_dim3A_393 = vector.broadcast %jit3A_392 : f32 to vector<16xf32>
        %select_n3A_394 = arith.select %ge3A_9, %scan3A_316#10, %broadcast_in_dim3A_393 : vector<16xi1>, vector<16xf32>
        %reduce_sum3A_395 = arith.constant true
        %reduce_sum3A_396 = vector.broadcast %reduce_sum3A_395 : i1 to vector<16xi1>
        %reduce_sum3A_397 = tpu.scan <sum>, %select_n3A_394 masked %reduce_sum3A_396 : vector<16xf32>, vector<16xi1> -> vector<16xf32>
        %reduce_sum3A_398 = vector.extract %reduce_sum3A_397[15] : f32 from vector<16xf32>
        %add3A_399 = arith.addf %neg3A_391, %reduce_sum3A_398 : f32
        %reduce_sum3A_400 = arith.constant true
        %reduce_sum3A_401 = vector.broadcast %reduce_sum3A_400 : i1 to vector<16xi1>
        %reduce_sum3A_402 = tpu.scan <sum>, %scan3A_316#13 masked %reduce_sum3A_401 : vector<16xf32>, vector<16xi1> -> vector<16xf32>
        %reduce_sum3A_403 = vector.extract %reduce_sum3A_402[15] : f32 from vector<16xf32>
        %neg3A_404 = arith.constant 0.000000e+00 : f32
        %neg3A_405 = arith.subf %neg3A_404, %reduce_sum3A_403 : f32
        %jit3A_406 = arith.constant 0.000000e+00 : f32
        %broadcast_in_dim3A_407 = vector.broadcast %jit3A_406 : f32 to vector<16xf32>
        %select_n3A_408 = arith.select %ge3A_9, %scan3A_316#12, %broadcast_in_dim3A_407 : vector<16xi1>, vector<16xf32>
        %reduce_sum3A_409 = arith.constant true
        %reduce_sum3A_410 = vector.broadcast %reduce_sum3A_409 : i1 to vector<16xi1>
        %reduce_sum3A_411 = tpu.scan <sum>, %select_n3A_408 masked %reduce_sum3A_410 : vector<16xf32>, vector<16xi1> -> vector<16xf32>
        %reduce_sum3A_412 = vector.extract %reduce_sum3A_411[15] : f32 from vector<16xf32>
        %add3A_413 = arith.addf %neg3A_405, %reduce_sum3A_412 : f32
        %reduce_sum3A_414 = arith.constant true
        %reduce_sum3A_415 = vector.broadcast %reduce_sum3A_414 : i1 to vector<16xi1>
        %reduce_sum3A_416 = tpu.scan <sum>, %scan3A_316#14 masked %reduce_sum3A_415 : vector<16xf32>, vector<16xi1> -> vector<16xf32>
        %reduce_sum3A_417 = vector.extract %reduce_sum3A_416[15] : f32 from vector<16xf32>
        %sub3A_418 = arith.subf %reduce_sum3A_417, %add3A_399 : f32
        %add3A_419 = arith.addf %sub3A_418, %add3A_413 : f32
        %reduce_sum3A_420 = arith.constant true
        %reduce_sum3A_421 = vector.broadcast %reduce_sum3A_420 : i1 to vector<16xi1>
        %reduce_sum3A_422 = tpu.scan <sum>, %scan3A_316#16 masked %reduce_sum3A_421 : vector<16xf32>, vector<16xi1> -> vector<16xf32>
        %reduce_sum3A_423 = vector.extract %reduce_sum3A_422[15] : f32 from vector<16xf32>
        %neg3A_424 = arith.constant 0.000000e+00 : f32
        %neg3A_425 = arith.subf %neg3A_424, %reduce_sum3A_423 : f32
        %jit3A_426 = arith.constant 0.000000e+00 : f32
        %broadcast_in_dim3A_427 = vector.broadcast %jit3A_426 : f32 to vector<16xf32>
        %select_n3A_428 = arith.select %ge3A_9, %scan3A_316#15, %broadcast_in_dim3A_427 : vector<16xi1>, vector<16xf32>
        %reduce_sum3A_429 = arith.constant true
        %reduce_sum3A_430 = vector.broadcast %reduce_sum3A_429 : i1 to vector<16xi1>
        %reduce_sum3A_431 = tpu.scan <sum>, %select_n3A_428 masked %reduce_sum3A_430 : vector<16xf32>, vector<16xi1> -> vector<16xf32>
        %reduce_sum3A_432 = vector.extract %reduce_sum3A_431[15] : f32 from vector<16xf32>
        %add3A_433 = arith.addf %neg3A_425, %reduce_sum3A_432 : f32
        %reduce_sum3A_434 = arith.constant true
        %reduce_sum3A_435 = vector.broadcast %reduce_sum3A_434 : i1 to vector<16xi1>
        %reduce_sum3A_436 = tpu.scan <sum>, %scan3A_316#18 masked %reduce_sum3A_435 : vector<16xf32>, vector<16xi1> -> vector<16xf32>
        %reduce_sum3A_437 = vector.extract %reduce_sum3A_436[15] : f32 from vector<16xf32>
        %neg3A_438 = arith.constant 0.000000e+00 : f32
        %neg3A_439 = arith.subf %neg3A_438, %reduce_sum3A_437 : f32
        %jit3A_440 = arith.constant 0.000000e+00 : f32
        %broadcast_in_dim3A_441 = vector.broadcast %jit3A_440 : f32 to vector<16xf32>
        %select_n3A_442 = arith.select %ge3A_9, %scan3A_316#17, %broadcast_in_dim3A_441 : vector<16xi1>, vector<16xf32>
        %reduce_sum3A_443 = arith.constant true
        %reduce_sum3A_444 = vector.broadcast %reduce_sum3A_443 : i1 to vector<16xi1>
        %reduce_sum3A_445 = tpu.scan <sum>, %select_n3A_442 masked %reduce_sum3A_444 : vector<16xf32>, vector<16xi1> -> vector<16xf32>
        %reduce_sum3A_446 = vector.extract %reduce_sum3A_445[15] : f32 from vector<16xf32>
        %add3A_447 = arith.addf %neg3A_439, %reduce_sum3A_446 : f32
        %reduce_sum3A_448 = arith.constant true
        %reduce_sum3A_449 = vector.broadcast %reduce_sum3A_448 : i1 to vector<16xi1>
        %reduce_sum3A_450 = tpu.scan <sum>, %scan3A_316#19 masked %reduce_sum3A_449 : vector<16xf32>, vector<16xi1> -> vector<16xf32>
        %reduce_sum3A_451 = vector.extract %reduce_sum3A_450[15] : f32 from vector<16xf32>
        %sub3A_452 = arith.subf %reduce_sum3A_451, %add3A_433 : f32
        %add3A_453 = arith.addf %sub3A_452, %add3A_447 : f32
        %mul3A_454 = arith.constant 16 : i32
        %mul3A_455 = arith.muli %scan3A_21, %mul3A_454 : i32
        %add3A_456 = arith.constant 12 : i32
        %add3A_457 = arith.addi %mul3A_455, %add3A_456 : i32
        %scan3A_458 = arith.constant 0 : i32
        %scan3A_459 = arith.constant 49 : i32
        %scan3A_460 = arith.addi %scan3A_458, %scan3A_459 : i32
        %scan3A_461 = arith.constant 1 : i32
        %scan3A_462:20 = scf.for %scan3A_687 = %scan3A_458 to %scan3A_460 step %scan3A_461 iter_args(%scan3A_688 = %broadcast_in_dim3A_5, %scan3A_689 = %broadcast_in_dim3A_7, %scan3A_690 = %broadcast_in_dim3A_5, %scan3A_691 = %broadcast_in_dim3A_7, %scan3A_692 = %broadcast_in_dim3A_3, %scan3A_693 = %broadcast_in_dim3A_5, %scan3A_694 = %broadcast_in_dim3A_7, %scan3A_695 = %broadcast_in_dim3A_5, %scan3A_696 = %broadcast_in_dim3A_7, %scan3A_697 = %broadcast_in_dim3A_3, %scan3A_698 = %broadcast_in_dim3A_5, %scan3A_699 = %broadcast_in_dim3A_7, %scan3A_700 = %broadcast_in_dim3A_5, %scan3A_701 = %broadcast_in_dim3A_7, %scan3A_702 = %broadcast_in_dim3A_3, %scan3A_703 = %broadcast_in_dim3A_5, %scan3A_704 = %broadcast_in_dim3A_7, %scan3A_705 = %broadcast_in_dim3A_5, %scan3A_706 = %broadcast_in_dim3A_7, %scan3A_707 = %broadcast_in_dim3A_3) -> (vector<16xf32>, vector<16xf32>, vector<16xf32>, vector<16xf32>, vector<16xf32>, vector<16xf32>, vector<16xf32>, vector<16xf32>, vector<16xf32>, vector<16xf32>, vector<16xf32>, vector<16xf32>, vector<16xf32>, vector<16xf32>, vector<16xf32>, vector<16xf32>, vector<16xf32>, vector<16xf32>, vector<16xf32>, vector<16xf32>)  : i32 {
          %mul3A_708 = arith.constant 16 : i32
          %mul3A_709 = arith.muli %scan3A_687, %mul3A_708 : i32
          %get3A_710 = arith.index_cast %scan3A_15 : i32 to index
          %get3A_711 = arith.index_cast %mul3A_709 : i32 to index
          %get3A_712 = tpu.vector_load %arg6[%get3A_710, %get3A_711] {strides = array<i32>} : memref<32x784xf32, #tpu.memory_space<vmem>>, vector<16xf32>,
          %add3A_713 = arith.constant 0 : i32
          %add3A_714 = arith.addi %add3A_457, %add3A_713 : i32
          %mul3A_715 = arith.constant 16 : i32
          %mul3A_716 = arith.muli %scan3A_687, %mul3A_715 : i32
          %get3A_717 = arith.index_cast %add3A_714 : i32 to index
          %get3A_718 = arith.index_cast %mul3A_716 : i32 to index
          %get3A_719 = tpu.vector_load %arg7[%get3A_717, %get3A_718] {strides = array<i32>} : memref<64x784xf32, #tpu.memory_space<vmem>>, vector<16xf32>,
          %mul3A_720 = arith.mulf %get3A_712, %get3A_719 : vector<16xf32>
          %add3A_721 = arith.addf %scan3A_692, %mul3A_720 : vector<16xf32>
          %sort3A = arith.constant dense<true> : vector<16xi1>
          %sort3A_722, %sort3A_723, %sort3A_724 = tpu.sort %mul3A_720, %mul3A_720 masked %sort3A : (vector<16xf32>, vector<16xf32>, vector<16xi1>) -> (vector<16xi1>, vector<16xf32>, vector<16xf32>)
          %neg3A_725 = arith.constant 0.000000e+00 : f32
          %neg3A_726 = vector.broadcast %neg3A_725 : f32 to vector<16xf32>
          %neg3A_727 = arith.subf %neg3A_726, %mul3A_720 : vector<16xf32>
          %sort3A_728 = arith.constant dense<true> : vector<16xi1>
          %sort3A_729, %sort3A_730, %sort3A_731 = tpu.sort %neg3A_727, %neg3A_727 masked %sort3A_728 : (vector<16xf32>, vector<16xf32>, vector<16xi1>) -> (vector<16xi1>, vector<16xf32>, vector<16xf32>)
          %neg3A_732 = arith.constant 0.000000e+00 : f32
          %neg3A_733 = vector.broadcast %neg3A_732 : f32 to vector<16xf32>
          %neg3A_734 = arith.subf %neg3A_733, %sort3A_730 : vector<16xf32>
          %max3A = arith.maximumf %scan3A_688, %neg3A_734 : vector<16xf32>
          %sort3A_735 = arith.constant dense<true> : vector<16xi1>
          %sort3A_736, %sort3A_737, %sort3A_738 = tpu.sort %max3A, %max3A masked %sort3A_735 : (vector<16xf32>, vector<16xf32>, vector<16xi1>) -> (vector<16xi1>, vector<16xf32>, vector<16xf32>)
          %neg3A_739 = arith.constant 0.000000e+00 : f32
          %neg3A_740 = vector.broadcast %neg3A_739 : f32 to vector<16xf32>
          %neg3A_741 = arith.subf %neg3A_740, %scan3A_689 : vector<16xf32>
          %max3A_742 = arith.maximumf %sort3A_737, %neg3A_741 : vector<16xf32>
          %neg3A_743 = arith.constant 0.000000e+00 : f32
          %neg3A_744 = vector.broadcast %neg3A_743 : f32 to vector<16xf32>
          %neg3A_745 = arith.subf %neg3A_744, %max3A_742 : vector<16xf32>
          %sort3A_746 = arith.constant dense<true> : vector<16xi1>
          %sort3A_747, %sort3A_748, %sort3A_749 = tpu.sort %neg3A_745, %neg3A_745 masked %sort3A_746 : (vector<16xf32>, vector<16xf32>, vector<16xi1>) -> (vector<16xi1>, vector<16xf32>, vector<16xf32>)
          %min3A = arith.minimumf %sort3A_737, %neg3A_741 : vector<16xf32>
          %sort3A_750 = arith.constant dense<true> : vector<16xi1>
          %sort3A_751, %sort3A_752, %sort3A_753 = tpu.sort %min3A, %min3A masked %sort3A_750 : (vector<16xf32>, vector<16xf32>, vector<16xi1>) -> (vector<16xi1>, vector<16xf32>, vector<16xf32>)
          %neg3A_754 = arith.constant 0.000000e+00 : f32
          %neg3A_755 = vector.broadcast %neg3A_754 : f32 to vector<16xf32>
          %neg3A_756 = arith.subf %neg3A_755, %sort3A_723 : vector<16xf32>
          %max3A_757 = arith.maximumf %scan3A_690, %neg3A_756 : vector<16xf32>
          %sort3A_758 = arith.constant dense<true> : vector<16xi1>
          %sort3A_759, %sort3A_760, %sort3A_761 = tpu.sort %max3A_757, %max3A_757 masked %sort3A_758 : (vector<16xf32>, vector<16xf32>, vector<16xi1>) -> (vector<16xi1>, vector<16xf32>, vector<16xf32>)
          %neg3A_762 = arith.constant 0.000000e+00 : f32
          %neg3A_763 = vector.broadcast %neg3A_762 : f32 to vector<16xf32>
          %neg3A_764 = arith.subf %neg3A_763, %scan3A_691 : vector<16xf32>
          %max3A_765 = arith.maximumf %sort3A_760, %neg3A_764 : vector<16xf32>
          %neg3A_766 = arith.constant 0.000000e+00 : f32
          %neg3A_767 = vector.broadcast %neg3A_766 : f32 to vector<16xf32>
          %neg3A_768 = arith.subf %neg3A_767, %max3A_765 : vector<16xf32>
          %sort3A_769 = arith.constant dense<true> : vector<16xi1>
          %sort3A_770, %sort3A_771, %sort3A_772 = tpu.sort %neg3A_768, %neg3A_768 masked %sort3A_769 : (vector<16xf32>, vector<16xf32>, vector<16xi1>) -> (vector<16xi1>, vector<16xf32>, vector<16xf32>)
          %min3A_773 = arith.minimumf %sort3A_760, %neg3A_764 : vector<16xf32>
          %sort3A_774 = arith.constant dense<true> : vector<16xi1>
          %sort3A_775, %sort3A_776, %sort3A_777 = tpu.sort %min3A_773, %min3A_773 masked %sort3A_774 : (vector<16xf32>, vector<16xf32>, vector<16xi1>) -> (vector<16xi1>, vector<16xf32>, vector<16xf32>)
          %add3A_778 = arith.constant 1 : i32
          %add3A_779 = arith.addi %add3A_457, %add3A_778 : i32
          %mul3A_780 = arith.constant 16 : i32
          %mul3A_781 = arith.muli %scan3A_687, %mul3A_780 : i32
          %get3A_782 = arith.index_cast %add3A_779 : i32 to index
          %get3A_783 = arith.index_cast %mul3A_781 : i32 to index
          %get3A_784 = tpu.vector_load %arg7[%get3A_782, %get3A_783] {strides = array<i32>} : memref<64x784xf32, #tpu.memory_space<vmem>>, vector<16xf32>,
          %mul3A_785 = arith.mulf %get3A_712, %get3A_784 : vector<16xf32>
          %add3A_786 = arith.addf %scan3A_697, %mul3A_785 : vector<16xf32>
          %sort3A_787 = arith.constant dense<true> : vector<16xi1>
          %sort3A_788, %sort3A_789, %sort3A_790 = tpu.sort %mul3A_785, %mul3A_785 masked %sort3A_787 : (vector<16xf32>, vector<16xf32>, vector<16xi1>) -> (vector<16xi1>, vector<16xf32>, vector<16xf32>)
          %neg3A_791 = arith.constant 0.000000e+00 : f32
          %neg3A_792 = vector.broadcast %neg3A_791 : f32 to vector<16xf32>
          %neg3A_793 = arith.subf %neg3A_792, %mul3A_785 : vector<16xf32>
          %sort3A_794 = arith.constant dense<true> : vector<16xi1>
          %sort3A_795, %sort3A_796, %sort3A_797 = tpu.sort %neg3A_793, %neg3A_793 masked %sort3A_794 : (vector<16xf32>, vector<16xf32>, vector<16xi1>) -> (vector<16xi1>, vector<16xf32>, vector<16xf32>)
          %neg3A_798 = arith.constant 0.000000e+00 : f32
          %neg3A_799 = vector.broadcast %neg3A_798 : f32 to vector<16xf32>
          %neg3A_800 = arith.subf %neg3A_799, %sort3A_796 : vector<16xf32>
          %max3A_801 = arith.maximumf %scan3A_693, %neg3A_800 : vector<16xf32>
          %sort3A_802 = arith.constant dense<true> : vector<16xi1>
          %sort3A_803, %sort3A_804, %sort3A_805 = tpu.sort %max3A_801, %max3A_801 masked %sort3A_802 : (vector<16xf32>, vector<16xf32>, vector<16xi1>) -> (vector<16xi1>, vector<16xf32>, vector<16xf32>)
          %neg3A_806 = arith.constant 0.000000e+00 : f32
          %neg3A_807 = vector.broadcast %neg3A_806 : f32 to vector<16xf32>
          %neg3A_808 = arith.subf %neg3A_807, %scan3A_694 : vector<16xf32>
          %max3A_809 = arith.maximumf %sort3A_804, %neg3A_808 : vector<16xf32>
          %neg3A_810 = arith.constant 0.000000e+00 : f32
          %neg3A_811 = vector.broadcast %neg3A_810 : f32 to vector<16xf32>
          %neg3A_812 = arith.subf %neg3A_811, %max3A_809 : vector<16xf32>
          %sort3A_813 = arith.constant dense<true> : vector<16xi1>
          %sort3A_814, %sort3A_815, %sort3A_816 = tpu.sort %neg3A_812, %neg3A_812 masked %sort3A_813 : (vector<16xf32>, vector<16xf32>, vector<16xi1>) -> (vector<16xi1>, vector<16xf32>, vector<16xf32>)
          %min3A_817 = arith.minimumf %sort3A_804, %neg3A_808 : vector<16xf32>
          %sort3A_818 = arith.constant dense<true> : vector<16xi1>
          %sort3A_819, %sort3A_820, %sort3A_821 = tpu.sort %min3A_817, %min3A_817 masked %sort3A_818 : (vector<16xf32>, vector<16xf32>, vector<16xi1>) -> (vector<16xi1>, vector<16xf32>, vector<16xf32>)
          %neg3A_822 = arith.constant 0.000000e+00 : f32
          %neg3A_823 = vector.broadcast %neg3A_822 : f32 to vector<16xf32>
          %neg3A_824 = arith.subf %neg3A_823, %sort3A_789 : vector<16xf32>
          %max3A_825 = arith.maximumf %scan3A_695, %neg3A_824 : vector<16xf32>
          %sort3A_826 = arith.constant dense<true> : vector<16xi1>
          %sort3A_827, %sort3A_828, %sort3A_829 = tpu.sort %max3A_825, %max3A_825 masked %sort3A_826 : (vector<16xf32>, vector<16xf32>, vector<16xi1>) -> (vector<16xi1>, vector<16xf32>, vector<16xf32>)
          %neg3A_830 = arith.constant 0.000000e+00 : f32
          %neg3A_831 = vector.broadcast %neg3A_830 : f32 to vector<16xf32>
          %neg3A_832 = arith.subf %neg3A_831, %scan3A_696 : vector<16xf32>
          %max3A_833 = arith.maximumf %sort3A_828, %neg3A_832 : vector<16xf32>
          %neg3A_834 = arith.constant 0.000000e+00 : f32
          %neg3A_835 = vector.broadcast %neg3A_834 : f32 to vector<16xf32>
          %neg3A_836 = arith.subf %neg3A_835, %max3A_833 : vector<16xf32>
          %sort3A_837 = arith.constant dense<true> : vector<16xi1>
          %sort3A_838, %sort3A_839, %sort3A_840 = tpu.sort %neg3A_836, %neg3A_836 masked %sort3A_837 : (vector<16xf32>, vector<16xf32>, vector<16xi1>) -> (vector<16xi1>, vector<16xf32>, vector<16xf32>)
          %min3A_841 = arith.minimumf %sort3A_828, %neg3A_832 : vector<16xf32>
          %sort3A_842 = arith.constant dense<true> : vector<16xi1>
          %sort3A_843, %sort3A_844, %sort3A_845 = tpu.sort %min3A_841, %min3A_841 masked %sort3A_842 : (vector<16xf32>, vector<16xf32>, vector<16xi1>) -> (vector<16xi1>, vector<16xf32>, vector<16xf32>)
          %add3A_846 = arith.constant 2 : i32
          %add3A_847 = arith.addi %add3A_457, %add3A_846 : i32
          %mul3A_848 = arith.constant 16 : i32
          %mul3A_849 = arith.muli %scan3A_687, %mul3A_848 : i32
          %get3A_850 = arith.index_cast %add3A_847 : i32 to index
          %get3A_851 = arith.index_cast %mul3A_849 : i32 to index
          %get3A_852 = tpu.vector_load %arg7[%get3A_850, %get3A_851] {strides = array<i32>} : memref<64x784xf32, #tpu.memory_space<vmem>>, vector<16xf32>,
          %mul3A_853 = arith.mulf %get3A_712, %get3A_852 : vector<16xf32>
          %add3A_854 = arith.addf %scan3A_702, %mul3A_853 : vector<16xf32>
          %sort3A_855 = arith.constant dense<true> : vector<16xi1>
          %sort3A_856, %sort3A_857, %sort3A_858 = tpu.sort %mul3A_853, %mul3A_853 masked %sort3A_855 : (vector<16xf32>, vector<16xf32>, vector<16xi1>) -> (vector<16xi1>, vector<16xf32>, vector<16xf32>)
          %neg3A_859 = arith.constant 0.000000e+00 : f32
          %neg3A_860 = vector.broadcast %neg3A_859 : f32 to vector<16xf32>
          %neg3A_861 = arith.subf %neg3A_860, %mul3A_853 : vector<16xf32>
          %sort3A_862 = arith.constant dense<true> : vector<16xi1>
          %sort3A_863, %sort3A_864, %sort3A_865 = tpu.sort %neg3A_861, %neg3A_861 masked %sort3A_862 : (vector<16xf32>, vector<16xf32>, vector<16xi1>) -> (vector<16xi1>, vector<16xf32>, vector<16xf32>)
          %neg3A_866 = arith.constant 0.000000e+00 : f32
          %neg3A_867 = vector.broadcast %neg3A_866 : f32 to vector<16xf32>
          %neg3A_868 = arith.subf %neg3A_867, %sort3A_864 : vector<16xf32>
          %max3A_869 = arith.maximumf %scan3A_698, %neg3A_868 : vector<16xf32>
          %sort3A_870 = arith.constant dense<true> : vector<16xi1>
          %sort3A_871, %sort3A_872, %sort3A_873 = tpu.sort %max3A_869, %max3A_869 masked %sort3A_870 : (vector<16xf32>, vector<16xf32>, vector<16xi1>) -> (vector<16xi1>, vector<16xf32>, vector<16xf32>)
          %neg3A_874 = arith.constant 0.000000e+00 : f32
          %neg3A_875 = vector.broadcast %neg3A_874 : f32 to vector<16xf32>
          %neg3A_876 = arith.subf %neg3A_875, %scan3A_699 : vector<16xf32>
          %max3A_877 = arith.maximumf %sort3A_872, %neg3A_876 : vector<16xf32>
          %neg3A_878 = arith.constant 0.000000e+00 : f32
          %neg3A_879 = vector.broadcast %neg3A_878 : f32 to vector<16xf32>
          %neg3A_880 = arith.subf %neg3A_879, %max3A_877 : vector<16xf32>
          %sort3A_881 = arith.constant dense<true> : vector<16xi1>
          %sort3A_882, %sort3A_883, %sort3A_884 = tpu.sort %neg3A_880, %neg3A_880 masked %sort3A_881 : (vector<16xf32>, vector<16xf32>, vector<16xi1>) -> (vector<16xi1>, vector<16xf32>, vector<16xf32>)
          %min3A_885 = arith.minimumf %sort3A_872, %neg3A_876 : vector<16xf32>
          %sort3A_886 = arith.constant dense<true> : vector<16xi1>
          %sort3A_887, %sort3A_888, %sort3A_889 = tpu.sort %min3A_885, %min3A_885 masked %sort3A_886 : (vector<16xf32>, vector<16xf32>, vector<16xi1>) -> (vector<16xi1>, vector<16xf32>, vector<16xf32>)
          %neg3A_890 = arith.constant 0.000000e+00 : f32
          %neg3A_891 = vector.broadcast %neg3A_890 : f32 to vector<16xf32>
          %neg3A_892 = arith.subf %neg3A_891, %sort3A_857 : vector<16xf32>
          %max3A_893 = arith.maximumf %scan3A_700, %neg3A_892 : vector<16xf32>
          %sort3A_894 = arith.constant dense<true> : vector<16xi1>
          %sort3A_895, %sort3A_896, %sort3A_897 = tpu.sort %max3A_893, %max3A_893 masked %sort3A_894 : (vector<16xf32>, vector<16xf32>, vector<16xi1>) -> (vector<16xi1>, vector<16xf32>, vector<16xf32>)
          %neg3A_898 = arith.constant 0.000000e+00 : f32
          %neg3A_899 = vector.broadcast %neg3A_898 : f32 to vector<16xf32>
          %neg3A_900 = arith.subf %neg3A_899, %scan3A_701 : vector<16xf32>
          %max3A_901 = arith.maximumf %sort3A_896, %neg3A_900 : vector<16xf32>
          %neg3A_902 = arith.constant 0.000000e+00 : f32
          %neg3A_903 = vector.broadcast %neg3A_902 : f32 to vector<16xf32>
          %neg3A_904 = arith.subf %neg3A_903, %max3A_901 : vector<16xf32>
          %sort3A_905 = arith.constant dense<true> : vector<16xi1>
          %sort3A_906, %sort3A_907, %sort3A_908 = tpu.sort %neg3A_904, %neg3A_904 masked %sort3A_905 : (vector<16xf32>, vector<16xf32>, vector<16xi1>) -> (vector<16xi1>, vector<16xf32>, vector<16xf32>)
          %min3A_909 = arith.minimumf %sort3A_896, %neg3A_900 : vector<16xf32>
          %sort3A_910 = arith.constant dense<true> : vector<16xi1>
          %sort3A_911, %sort3A_912, %sort3A_913 = tpu.sort %min3A_909, %min3A_909 masked %sort3A_910 : (vector<16xf32>, vector<16xf32>, vector<16xi1>) -> (vector<16xi1>, vector<16xf32>, vector<16xf32>)
          %add3A_914 = arith.constant 3 : i32
          %add3A_915 = arith.addi %add3A_457, %add3A_914 : i32
          %mul3A_916 = arith.constant 16 : i32
          %mul3A_917 = arith.muli %scan3A_687, %mul3A_916 : i32
          %get3A_918 = arith.index_cast %add3A_915 : i32 to index
          %get3A_919 = arith.index_cast %mul3A_917 : i32 to index
          %get3A_920 = tpu.vector_load %arg7[%get3A_918, %get3A_919] {strides = array<i32>} : memref<64x784xf32, #tpu.memory_space<vmem>>, vector<16xf32>,
          %mul3A_921 = arith.mulf %get3A_712, %get3A_920 : vector<16xf32>
          %add3A_922 = arith.addf %scan3A_707, %mul3A_921 : vector<16xf32>
          %sort3A_923 = arith.constant dense<true> : vector<16xi1>
          %sort3A_924, %sort3A_925, %sort3A_926 = tpu.sort %mul3A_921, %mul3A_921 masked %sort3A_923 : (vector<16xf32>, vector<16xf32>, vector<16xi1>) -> (vector<16xi1>, vector<16xf32>, vector<16xf32>)
          %neg3A_927 = arith.constant 0.000000e+00 : f32
          %neg3A_928 = vector.broadcast %neg3A_927 : f32 to vector<16xf32>
          %neg3A_929 = arith.subf %neg3A_928, %mul3A_921 : vector<16xf32>
          %sort3A_930 = arith.constant dense<true> : vector<16xi1>
          %sort3A_931, %sort3A_932, %sort3A_933 = tpu.sort %neg3A_929, %neg3A_929 masked %sort3A_930 : (vector<16xf32>, vector<16xf32>, vector<16xi1>) -> (vector<16xi1>, vector<16xf32>, vector<16xf32>)
          %neg3A_934 = arith.constant 0.000000e+00 : f32
          %neg3A_935 = vector.broadcast %neg3A_934 : f32 to vector<16xf32>
          %neg3A_936 = arith.subf %neg3A_935, %sort3A_932 : vector<16xf32>
          %max3A_937 = arith.maximumf %scan3A_703, %neg3A_936 : vector<16xf32>
          %sort3A_938 = arith.constant dense<true> : vector<16xi1>
          %sort3A_939, %sort3A_940, %sort3A_941 = tpu.sort %max3A_937, %max3A_937 masked %sort3A_938 : (vector<16xf32>, vector<16xf32>, vector<16xi1>) -> (vector<16xi1>, vector<16xf32>, vector<16xf32>)
          %neg3A_942 = arith.constant 0.000000e+00 : f32
          %neg3A_943 = vector.broadcast %neg3A_942 : f32 to vector<16xf32>
          %neg3A_944 = arith.subf %neg3A_943, %scan3A_704 : vector<16xf32>
          %max3A_945 = arith.maximumf %sort3A_940, %neg3A_944 : vector<16xf32>
          %neg3A_946 = arith.constant 0.000000e+00 : f32
          %neg3A_947 = vector.broadcast %neg3A_946 : f32 to vector<16xf32>
          %neg3A_948 = arith.subf %neg3A_947, %max3A_945 : vector<16xf32>
          %sort3A_949 = arith.constant dense<true> : vector<16xi1>
          %sort3A_950, %sort3A_951, %sort3A_952 = tpu.sort %neg3A_948, %neg3A_948 masked %sort3A_949 : (vector<16xf32>, vector<16xf32>, vector<16xi1>) -> (vector<16xi1>, vector<16xf32>, vector<16xf32>)
          %min3A_953 = arith.minimumf %sort3A_940, %neg3A_944 : vector<16xf32>
          %sort3A_954 = arith.constant dense<true> : vector<16xi1>
          %sort3A_955, %sort3A_956, %sort3A_957 = tpu.sort %min3A_953, %min3A_953 masked %sort3A_954 : (vector<16xf32>, vector<16xf32>, vector<16xi1>) -> (vector<16xi1>, vector<16xf32>, vector<16xf32>)
          %neg3A_958 = arith.constant 0.000000e+00 : f32
          %neg3A_959 = vector.broadcast %neg3A_958 : f32 to vector<16xf32>
          %neg3A_960 = arith.subf %neg3A_959, %sort3A_925 : vector<16xf32>
          %max3A_961 = arith.maximumf %scan3A_705, %neg3A_960 : vector<16xf32>
          %sort3A_962 = arith.constant dense<true> : vector<16xi1>
          %sort3A_963, %sort3A_964, %sort3A_965 = tpu.sort %max3A_961, %max3A_961 masked %sort3A_962 : (vector<16xf32>, vector<16xf32>, vector<16xi1>) -> (vector<16xi1>, vector<16xf32>, vector<16xf32>)
          %neg3A_966 = arith.constant 0.000000e+00 : f32
          %neg3A_967 = vector.broadcast %neg3A_966 : f32 to vector<16xf32>
          %neg3A_968 = arith.subf %neg3A_967, %scan3A_706 : vector<16xf32>
          %max3A_969 = arith.maximumf %sort3A_964, %neg3A_968 : vector<16xf32>
          %neg3A_970 = arith.constant 0.000000e+00 : f32
          %neg3A_971 = vector.broadcast %neg3A_970 : f32 to vector<16xf32>
          %neg3A_972 = arith.subf %neg3A_971, %max3A_969 : vector<16xf32>
          %sort3A_973 = arith.constant dense<true> : vector<16xi1>
          %sort3A_974, %sort3A_975, %sort3A_976 = tpu.sort %neg3A_972, %neg3A_972 masked %sort3A_973 : (vector<16xf32>, vector<16xf32>, vector<16xi1>) -> (vector<16xi1>, vector<16xf32>, vector<16xf32>)
          %min3A_977 = arith.minimumf %sort3A_964, %neg3A_968 : vector<16xf32>
          %sort3A_978 = arith.constant dense<true> : vector<16xi1>
          %sort3A_979, %sort3A_980, %sort3A_981 = tpu.sort %min3A_977, %min3A_977 masked %sort3A_978 : (vector<16xf32>, vector<16xf32>, vector<16xi1>) -> (vector<16xi1>, vector<16xf32>, vector<16xf32>)
          scf.yield %sort3A_752, %sort3A_748, %sort3A_776, %sort3A_771, %add3A_721, %sort3A_820, %sort3A_815, %sort3A_844, %sort3A_839, %add3A_786, %sort3A_888, %sort3A_883, %sort3A_912, %sort3A_907, %add3A_854, %sort3A_956, %sort3A_951, %sort3A_980, %sort3A_975, %add3A_922 : vector<16xf32>, vector<16xf32>, vector<16xf32>, vector<16xf32>, vector<16xf32>, vector<16xf32>, vector<16xf32>, vector<16xf32>, vector<16xf32>, vector<16xf32>, vector<16xf32>, vector<16xf32>, vector<16xf32>, vector<16xf32>, vector<16xf32>, vector<16xf32>, vector<16xf32>, vector<16xf32>, vector<16xf32>, vector<16xf32>
        }
        %scan3A_463 = arith.constant 49 : i32
        %reduce_sum3A_464 = arith.constant true
        %reduce_sum3A_465 = vector.broadcast %reduce_sum3A_464 : i1 to vector<16xi1>
        %reduce_sum3A_466 = tpu.scan <sum>, %scan3A_462#1 masked %reduce_sum3A_465 : vector<16xf32>, vector<16xi1> -> vector<16xf32>
        %reduce_sum3A_467 = vector.extract %reduce_sum3A_466[15] : f32 from vector<16xf32>
        %neg3A_468 = arith.constant 0.000000e+00 : f32
        %neg3A_469 = arith.subf %neg3A_468, %reduce_sum3A_467 : f32
        %jit3A_470 = arith.constant 0.000000e+00 : f32
        %broadcast_in_dim3A_471 = vector.broadcast %jit3A_470 : f32 to vector<16xf32>
        %select_n3A_472 = arith.select %ge3A_9, %scan3A_462#0, %broadcast_in_dim3A_471 : vector<16xi1>, vector<16xf32>
        %reduce_sum3A_473 = arith.constant true
        %reduce_sum3A_474 = vector.broadcast %reduce_sum3A_473 : i1 to vector<16xi1>
        %reduce_sum3A_475 = tpu.scan <sum>, %select_n3A_472 masked %reduce_sum3A_474 : vector<16xf32>, vector<16xi1> -> vector<16xf32>
        %reduce_sum3A_476 = vector.extract %reduce_sum3A_475[15] : f32 from vector<16xf32>
        %add3A_477 = arith.addf %neg3A_469, %reduce_sum3A_476 : f32
        %reduce_sum3A_478 = arith.constant true
        %reduce_sum3A_479 = vector.broadcast %reduce_sum3A_478 : i1 to vector<16xi1>
        %reduce_sum3A_480 = tpu.scan <sum>, %scan3A_462#3 masked %reduce_sum3A_479 : vector<16xf32>, vector<16xi1> -> vector<16xf32>
        %reduce_sum3A_481 = vector.extract %reduce_sum3A_480[15] : f32 from vector<16xf32>
        %neg3A_482 = arith.constant 0.000000e+00 : f32
        %neg3A_483 = arith.subf %neg3A_482, %reduce_sum3A_481 : f32
        %jit3A_484 = arith.constant 0.000000e+00 : f32
        %broadcast_in_dim3A_485 = vector.broadcast %jit3A_484 : f32 to vector<16xf32>
        %select_n3A_486 = arith.select %ge3A_9, %scan3A_462#2, %broadcast_in_dim3A_485 : vector<16xi1>, vector<16xf32>
        %reduce_sum3A_487 = arith.constant true
        %reduce_sum3A_488 = vector.broadcast %reduce_sum3A_487 : i1 to vector<16xi1>
        %reduce_sum3A_489 = tpu.scan <sum>, %select_n3A_486 masked %reduce_sum3A_488 : vector<16xf32>, vector<16xi1> -> vector<16xf32>
        %reduce_sum3A_490 = vector.extract %reduce_sum3A_489[15] : f32 from vector<16xf32>
        %add3A_491 = arith.addf %neg3A_483, %reduce_sum3A_490 : f32
        %reduce_sum3A_492 = arith.constant true
        %reduce_sum3A_493 = vector.broadcast %reduce_sum3A_492 : i1 to vector<16xi1>
        %reduce_sum3A_494 = tpu.scan <sum>, %scan3A_462#4 masked %reduce_sum3A_493 : vector<16xf32>, vector<16xi1> -> vector<16xf32>
        %reduce_sum3A_495 = vector.extract %reduce_sum3A_494[15] : f32 from vector<16xf32>
        %sub3A_496 = arith.subf %reduce_sum3A_495, %add3A_477 : f32
        %add3A_497 = arith.addf %sub3A_496, %add3A_491 : f32
        %reduce_sum3A_498 = arith.constant true
        %reduce_sum3A_499 = vector.broadcast %reduce_sum3A_498 : i1 to vector<16xi1>
        %reduce_sum3A_500 = tpu.scan <sum>, %scan3A_462#6 masked %reduce_sum3A_499 : vector<16xf32>, vector<16xi1> -> vector<16xf32>
        %reduce_sum3A_501 = vector.extract %reduce_sum3A_500[15] : f32 from vector<16xf32>
        %neg3A_502 = arith.constant 0.000000e+00 : f32
        %neg3A_503 = arith.subf %neg3A_502, %reduce_sum3A_501 : f32
        %jit3A_504 = arith.constant 0.000000e+00 : f32
        %broadcast_in_dim3A_505 = vector.broadcast %jit3A_504 : f32 to vector<16xf32>
        %select_n3A_506 = arith.select %ge3A_9, %scan3A_462#5, %broadcast_in_dim3A_505 : vector<16xi1>, vector<16xf32>
        %reduce_sum3A_507 = arith.constant true
        %reduce_sum3A_508 = vector.broadcast %reduce_sum3A_507 : i1 to vector<16xi1>
        %reduce_sum3A_509 = tpu.scan <sum>, %select_n3A_506 masked %reduce_sum3A_508 : vector<16xf32>, vector<16xi1> -> vector<16xf32>
        %reduce_sum3A_510 = vector.extract %reduce_sum3A_509[15] : f32 from vector<16xf32>
        %add3A_511 = arith.addf %neg3A_503, %reduce_sum3A_510 : f32
        %reduce_sum3A_512 = arith.constant true
        %reduce_sum3A_513 = vector.broadcast %reduce_sum3A_512 : i1 to vector<16xi1>
        %reduce_sum3A_514 = tpu.scan <sum>, %scan3A_462#8 masked %reduce_sum3A_513 : vector<16xf32>, vector<16xi1> -> vector<16xf32>
        %reduce_sum3A_515 = vector.extract %reduce_sum3A_514[15] : f32 from vector<16xf32>
        %neg3A_516 = arith.constant 0.000000e+00 : f32
        %neg3A_517 = arith.subf %neg3A_516, %reduce_sum3A_515 : f32
        %jit3A_518 = arith.constant 0.000000e+00 : f32
        %broadcast_in_dim3A_519 = vector.broadcast %jit3A_518 : f32 to vector<16xf32>
        %select_n3A_520 = arith.select %ge3A_9, %scan3A_462#7, %broadcast_in_dim3A_519 : vector<16xi1>, vector<16xf32>
        %reduce_sum3A_521 = arith.constant true
        %reduce_sum3A_522 = vector.broadcast %reduce_sum3A_521 : i1 to vector<16xi1>
        %reduce_sum3A_523 = tpu.scan <sum>, %select_n3A_520 masked %reduce_sum3A_522 : vector<16xf32>, vector<16xi1> -> vector<16xf32>
        %reduce_sum3A_524 = vector.extract %reduce_sum3A_523[15] : f32 from vector<16xf32>
        %add3A_525 = arith.addf %neg3A_517, %reduce_sum3A_524 : f32
        %reduce_sum3A_526 = arith.constant true
        %reduce_sum3A_527 = vector.broadcast %reduce_sum3A_526 : i1 to vector<16xi1>
        %reduce_sum3A_528 = tpu.scan <sum>, %scan3A_462#9 masked %reduce_sum3A_527 : vector<16xf32>, vector<16xi1> -> vector<16xf32>
        %reduce_sum3A_529 = vector.extract %reduce_sum3A_528[15] : f32 from vector<16xf32>
        %sub3A_530 = arith.subf %reduce_sum3A_529, %add3A_511 : f32
        %add3A_531 = arith.addf %sub3A_530, %add3A_525 : f32
        %reduce_sum3A_532 = arith.constant true
        %reduce_sum3A_533 = vector.broadcast %reduce_sum3A_532 : i1 to vector<16xi1>
        %reduce_sum3A_534 = tpu.scan <sum>, %scan3A_462#11 masked %reduce_sum3A_533 : vector<16xf32>, vector<16xi1> -> vector<16xf32>
        %reduce_sum3A_535 = vector.extract %reduce_sum3A_534[15] : f32 from vector<16xf32>
        %neg3A_536 = arith.constant 0.000000e+00 : f32
        %neg3A_537 = arith.subf %neg3A_536, %reduce_sum3A_535 : f32
        %jit3A_538 = arith.constant 0.000000e+00 : f32
        %broadcast_in_dim3A_539 = vector.broadcast %jit3A_538 : f32 to vector<16xf32>
        %select_n3A_540 = arith.select %ge3A_9, %scan3A_462#10, %broadcast_in_dim3A_539 : vector<16xi1>, vector<16xf32>
        %reduce_sum3A_541 = arith.constant true
        %reduce_sum3A_542 = vector.broadcast %reduce_sum3A_541 : i1 to vector<16xi1>
        %reduce_sum3A_543 = tpu.scan <sum>, %select_n3A_540 masked %reduce_sum3A_542 : vector<16xf32>, vector<16xi1> -> vector<16xf32>
        %reduce_sum3A_544 = vector.extract %reduce_sum3A_543[15] : f32 from vector<16xf32>
        %add3A_545 = arith.addf %neg3A_537, %reduce_sum3A_544 : f32
        %reduce_sum3A_546 = arith.constant true
        %reduce_sum3A_547 = vector.broadcast %reduce_sum3A_546 : i1 to vector<16xi1>
        %reduce_sum3A_548 = tpu.scan <sum>, %scan3A_462#13 masked %reduce_sum3A_547 : vector<16xf32>, vector<16xi1> -> vector<16xf32>
        %reduce_sum3A_549 = vector.extract %reduce_sum3A_548[15] : f32 from vector<16xf32>
        %neg3A_550 = arith.constant 0.000000e+00 : f32
        %neg3A_551 = arith.subf %neg3A_550, %reduce_sum3A_549 : f32
        %jit3A_552 = arith.constant 0.000000e+00 : f32
        %broadcast_in_dim3A_553 = vector.broadcast %jit3A_552 : f32 to vector<16xf32>
        %select_n3A_554 = arith.select %ge3A_9, %scan3A_462#12, %broadcast_in_dim3A_553 : vector<16xi1>, vector<16xf32>
        %reduce_sum3A_555 = arith.constant true
        %reduce_sum3A_556 = vector.broadcast %reduce_sum3A_555 : i1 to vector<16xi1>
        %reduce_sum3A_557 = tpu.scan <sum>, %select_n3A_554 masked %reduce_sum3A_556 : vector<16xf32>, vector<16xi1> -> vector<16xf32>
        %reduce_sum3A_558 = vector.extract %reduce_sum3A_557[15] : f32 from vector<16xf32>
        %add3A_559 = arith.addf %neg3A_551, %reduce_sum3A_558 : f32
        %reduce_sum3A_560 = arith.constant true
        %reduce_sum3A_561 = vector.broadcast %reduce_sum3A_560 : i1 to vector<16xi1>
        %reduce_sum3A_562 = tpu.scan <sum>, %scan3A_462#14 masked %reduce_sum3A_561 : vector<16xf32>, vector<16xi1> -> vector<16xf32>
        %reduce_sum3A_563 = vector.extract %reduce_sum3A_562[15] : f32 from vector<16xf32>
        %sub3A_564 = arith.subf %reduce_sum3A_563, %add3A_545 : f32
        %add3A_565 = arith.addf %sub3A_564, %add3A_559 : f32
        %reduce_sum3A_566 = arith.constant true
        %reduce_sum3A_567 = vector.broadcast %reduce_sum3A_566 : i1 to vector<16xi1>
        %reduce_sum3A_568 = tpu.scan <sum>, %scan3A_462#16 masked %reduce_sum3A_567 : vector<16xf32>, vector<16xi1> -> vector<16xf32>
        %reduce_sum3A_569 = vector.extract %reduce_sum3A_568[15] : f32 from vector<16xf32>
        %neg3A_570 = arith.constant 0.000000e+00 : f32
        %neg3A_571 = arith.subf %neg3A_570, %reduce_sum3A_569 : f32
        %jit3A_572 = arith.constant 0.000000e+00 : f32
        %broadcast_in_dim3A_573 = vector.broadcast %jit3A_572 : f32 to vector<16xf32>
        %select_n3A_574 = arith.select %ge3A_9, %scan3A_462#15, %broadcast_in_dim3A_573 : vector<16xi1>, vector<16xf32>
        %reduce_sum3A_575 = arith.constant true
        %reduce_sum3A_576 = vector.broadcast %reduce_sum3A_575 : i1 to vector<16xi1>
        %reduce_sum3A_577 = tpu.scan <sum>, %select_n3A_574 masked %reduce_sum3A_576 : vector<16xf32>, vector<16xi1> -> vector<16xf32>
        %reduce_sum3A_578 = vector.extract %reduce_sum3A_577[15] : f32 from vector<16xf32>
        %add3A_579 = arith.addf %neg3A_571, %reduce_sum3A_578 : f32
        %reduce_sum3A_580 = arith.constant true
        %reduce_sum3A_581 = vector.broadcast %reduce_sum3A_580 : i1 to vector<16xi1>
        %reduce_sum3A_582 = tpu.scan <sum>, %scan3A_462#18 masked %reduce_sum3A_581 : vector<16xf32>, vector<16xi1> -> vector<16xf32>
        %reduce_sum3A_583 = vector.extract %reduce_sum3A_582[15] : f32 from vector<16xf32>
        %neg3A_584 = arith.constant 0.000000e+00 : f32
        %neg3A_585 = arith.subf %neg3A_584, %reduce_sum3A_583 : f32
        %jit3A_586 = arith.constant 0.000000e+00 : f32
        %broadcast_in_dim3A_587 = vector.broadcast %jit3A_586 : f32 to vector<16xf32>
        %select_n3A_588 = arith.select %ge3A_9, %scan3A_462#17, %broadcast_in_dim3A_587 : vector<16xi1>, vector<16xf32>
        %reduce_sum3A_589 = arith.constant true
        %reduce_sum3A_590 = vector.broadcast %reduce_sum3A_589 : i1 to vector<16xi1>
        %reduce_sum3A_591 = tpu.scan <sum>, %select_n3A_588 masked %reduce_sum3A_590 : vector<16xf32>, vector<16xi1> -> vector<16xf32>
        %reduce_sum3A_592 = vector.extract %reduce_sum3A_591[15] : f32 from vector<16xf32>
        %add3A_593 = arith.addf %neg3A_585, %reduce_sum3A_592 : f32
        %reduce_sum3A_594 = arith.constant true
        %reduce_sum3A_595 = vector.broadcast %reduce_sum3A_594 : i1 to vector<16xi1>
        %reduce_sum3A_596 = tpu.scan <sum>, %scan3A_462#19 masked %reduce_sum3A_595 : vector<16xf32>, vector<16xi1> -> vector<16xf32>
        %reduce_sum3A_597 = vector.extract %reduce_sum3A_596[15] : f32 from vector<16xf32>
        %sub3A_598 = arith.subf %reduce_sum3A_597, %add3A_579 : f32
        %add3A_599 = arith.addf %sub3A_598, %add3A_593 : f32
        %eq3A = arith.constant 0 : i32
        %eq3A_600 = vector.broadcast %eq3A : i32 to vector<16xi32>
        %eq3A_601 = arith.cmpi eq, %iota3A, %eq3A_600 : vector<16xi32>
        %broadcast_in_dim3A_602 = vector.broadcast %add3A_59 : f32 to vector<16xf32>
        %select_n3A_603 = arith.select %eq3A_601, %broadcast_in_dim3A_602, %broadcast_in_dim3A_3 : vector<16xi1>, vector<16xf32>
        %eq3A_604 = arith.constant 1 : i32
        %eq3A_605 = vector.broadcast %eq3A_604 : i32 to vector<16xi32>
        %eq3A_606 = arith.cmpi eq, %iota3A, %eq3A_605 : vector<16xi32>
        %broadcast_in_dim3A_607 = vector.broadcast %add3A_93 : f32 to vector<16xf32>
        %select_n3A_608 = arith.select %eq3A_606, %broadcast_in_dim3A_607, %select_n3A_603 : vector<16xi1>, vector<16xf32>
        %eq3A_609 = arith.constant 2 : i32
        %eq3A_610 = vector.broadcast %eq3A_609 : i32 to vector<16xi32>
        %eq3A_611 = arith.cmpi eq, %iota3A, %eq3A_610 : vector<16xi32>
        %broadcast_in_dim3A_612 = vector.broadcast %add3A_127 : f32 to vector<16xf32>
        %select_n3A_613 = arith.select %eq3A_611, %broadcast_in_dim3A_612, %select_n3A_608 : vector<16xi1>, vector<16xf32>
        %eq3A_614 = arith.constant 3 : i32
        %eq3A_615 = vector.broadcast %eq3A_614 : i32 to vector<16xi32>
        %eq3A_616 = arith.cmpi eq, %iota3A, %eq3A_615 : vector<16xi32>
        %broadcast_in_dim3A_617 = vector.broadcast %add3A_161 : f32 to vector<16xf32>
        %select_n3A_618 = arith.select %eq3A_616, %broadcast_in_dim3A_617, %select_n3A_613 : vector<16xi1>, vector<16xf32>
        %eq3A_619 = arith.constant 4 : i32
        %eq3A_620 = vector.broadcast %eq3A_619 : i32 to vector<16xi32>
        %eq3A_621 = arith.cmpi eq, %iota3A, %eq3A_620 : vector<16xi32>
        %broadcast_in_dim3A_622 = vector.broadcast %add3A_205 : f32 to vector<16xf32>
        %select_n3A_623 = arith.select %eq3A_621, %broadcast_in_dim3A_622, %select_n3A_618 : vector<16xi1>, vector<16xf32>
        %eq3A_624 = arith.constant 5 : i32
        %eq3A_625 = vector.broadcast %eq3A_624 : i32 to vector<16xi32>
        %eq3A_626 = arith.cmpi eq, %iota3A, %eq3A_625 : vector<16xi32>
        %broadcast_in_dim3A_627 = vector.broadcast %add3A_239 : f32 to vector<16xf32>
        %select_n3A_628 = arith.select %eq3A_626, %broadcast_in_dim3A_627, %select_n3A_623 : vector<16xi1>, vector<16xf32>
        %eq3A_629 = arith.constant 6 : i32
        %eq3A_630 = vector.broadcast %eq3A_629 : i32 to vector<16xi32>
        %eq3A_631 = arith.cmpi eq, %iota3A, %eq3A_630 : vector<16xi32>
        %broadcast_in_dim3A_632 = vector.broadcast %add3A_273 : f32 to vector<16xf32>
        %select_n3A_633 = arith.select %eq3A_631, %broadcast_in_dim3A_632, %select_n3A_628 : vector<16xi1>, vector<16xf32>
        %eq3A_634 = arith.constant 7 : i32
        %eq3A_635 = vector.broadcast %eq3A_634 : i32 to vector<16xi32>
        %eq3A_636 = arith.cmpi eq, %iota3A, %eq3A_635 : vector<16xi32>
        %broadcast_in_dim3A_637 = vector.broadcast %add3A_307 : f32 to vector<16xf32>
        %select_n3A_638 = arith.select %eq3A_636, %broadcast_in_dim3A_637, %select_n3A_633 : vector<16xi1>, vector<16xf32>
        %eq3A_639 = arith.constant 8 : i32
        %eq3A_640 = vector.broadcast %eq3A_639 : i32 to vector<16xi32>
        %eq3A_641 = arith.cmpi eq, %iota3A, %eq3A_640 : vector<16xi32>
        %broadcast_in_dim3A_642 = vector.broadcast %add3A_351 : f32 to vector<16xf32>
        %select_n3A_643 = arith.select %eq3A_641, %broadcast_in_dim3A_642, %select_n3A_638 : vector<16xi1>, vector<16xf32>
        %eq3A_644 = arith.constant 9 : i32
        %eq3A_645 = vector.broadcast %eq3A_644 : i32 to vector<16xi32>
        %eq3A_646 = arith.cmpi eq, %iota3A, %eq3A_645 : vector<16xi32>
        %broadcast_in_dim3A_647 = vector.broadcast %add3A_385 : f32 to vector<16xf32>
        %select_n3A_648 = arith.select %eq3A_646, %broadcast_in_dim3A_647, %select_n3A_643 : vector<16xi1>, vector<16xf32>
        %eq3A_649 = arith.constant 10 : i32
        %eq3A_650 = vector.broadcast %eq3A_649 : i32 to vector<16xi32>
        %eq3A_651 = arith.cmpi eq, %iota3A, %eq3A_650 : vector<16xi32>
        %broadcast_in_dim3A_652 = vector.broadcast %add3A_419 : f32 to vector<16xf32>
        %select_n3A_653 = arith.select %eq3A_651, %broadcast_in_dim3A_652, %select_n3A_648 : vector<16xi1>, vector<16xf32>
        %eq3A_654 = arith.constant 11 : i32
        %eq3A_655 = vector.broadcast %eq3A_654 : i32 to vector<16xi32>
        %eq3A_656 = arith.cmpi eq, %iota3A, %eq3A_655 : vector<16xi32>
        %broadcast_in_dim3A_657 = vector.broadcast %add3A_453 : f32 to vector<16xf32>
        %select_n3A_658 = arith.select %eq3A_656, %broadcast_in_dim3A_657, %select_n3A_653 : vector<16xi1>, vector<16xf32>
        %eq3A_659 = arith.constant 12 : i32
        %eq3A_660 = vector.broadcast %eq3A_659 : i32 to vector<16xi32>
        %eq3A_661 = arith.cmpi eq, %iota3A, %eq3A_660 : vector<16xi32>
        %broadcast_in_dim3A_662 = vector.broadcast %add3A_497 : f32 to vector<16xf32>
        %select_n3A_663 = arith.select %eq3A_661, %broadcast_in_dim3A_662, %select_n3A_658 : vector<16xi1>, vector<16xf32>
        %eq3A_664 = arith.constant 13 : i32
        %eq3A_665 = vector.broadcast %eq3A_664 : i32 to vector<16xi32>
        %eq3A_666 = arith.cmpi eq, %iota3A, %eq3A_665 : vector<16xi32>
        %broadcast_in_dim3A_667 = vector.broadcast %add3A_531 : f32 to vector<16xf32>
        %select_n3A_668 = arith.select %eq3A_666, %broadcast_in_dim3A_667, %select_n3A_663 : vector<16xi1>, vector<16xf32>
        %eq3A_669 = arith.constant 14 : i32
        %eq3A_670 = vector.broadcast %eq3A_669 : i32 to vector<16xi32>
        %eq3A_671 = arith.cmpi eq, %iota3A, %eq3A_670 : vector<16xi32>
        %broadcast_in_dim3A_672 = vector.broadcast %add3A_565 : f32 to vector<16xf32>
        %select_n3A_673 = arith.select %eq3A_671, %broadcast_in_dim3A_672, %select_n3A_668 : vector<16xi1>, vector<16xf32>
        %eq3A_674 = arith.constant 15 : i32
        %eq3A_675 = vector.broadcast %eq3A_674 : i32 to vector<16xi32>
        %eq3A_676 = arith.cmpi eq, %iota3A, %eq3A_675 : vector<16xi32>
        %broadcast_in_dim3A_677 = vector.broadcast %add3A_599 : f32 to vector<16xf32>
        %select_n3A_678 = arith.select %eq3A_676, %broadcast_in_dim3A_677, %select_n3A_673 : vector<16xi1>, vector<16xf32>
        %mul3A_679 = arith.constant 16 : i32
        %mul3A_680 = arith.muli %scan3A_21, %mul3A_679 : i32
        %get3A = arith.index_cast %mul3A_680 : i32 to index
        %get3A_681 = tpu.vector_load %arg8[%get3A] {strides = array<i32>} : memref<64xf32, #tpu.memory_space<vmem>>, vector<16xf32>,
        %add3A_682 = arith.addf %select_n3A_678, %get3A_681 : vector<16xf32>
        %mul3A_683 = arith.constant 16 : i32
        %mul3A_684 = arith.muli %scan3A_21, %mul3A_683 : i32
        %swap3A = arith.index_cast %scan3A_15 : i32 to index
        %swap3A_685 = arith.index_cast %mul3A_684 : i32 to index
        %swap3A_686 = tpu.vector_load %arg9[%swap3A, %swap3A_685] {strides = array<i32>} : memref<32x64xf32, #tpu.memory_space<vmem>>, vector<16xf32>,
        tpu.vector_store %arg9[%swap3A, %swap3A_685], %add3A_682 {strides = array<i32>} : memref<32x64xf32, #tpu.memory_space<vmem>>, vector<16xf32>,
      }
      %scan3A_20 = arith.constant 4 : i32
    }
    %scan3A_14 = arith.constant 32 : i32
    "tpu.region"() ({
      %run_scoped3A = tpu.sem_alloc : memref<!tpu.dma_semaphore, #tpu.memory_space<semaphore_mem>>
      %dma_start3A = arith.constant 0 : i32
      %dma_start3A_15 = tpu.memref_slice %arg5[%arg0, %mul3A_0, %dma_start3A] : memref<2x512x64xf32, #tpu.memory_space<hbm>> -> memref<1x32x64xf32, #tpu.memory_space<hbm>>
      %dma_start3A_16 = tpu.memref_squeeze %dma_start3A_15 : memref<1x32x64xf32, #tpu.memory_space<hbm>> -> memref<32x64xf32, #tpu.memory_space<hbm>>
      %dma_start3A_17 = arith.constant 0 : i32
      %dma_start3A_18 = tpu.memref_slice %arg5[%arg0, %mul3A_0, %dma_start3A_17] : memref<2x512x64xf32, #tpu.memory_space<hbm>> -> memref<1x32x64xf32, #tpu.memory_space<hbm>>
      %dma_start3A_19 = tpu.memref_squeeze %dma_start3A_18 : memref<1x32x64xf32, #tpu.memory_space<hbm>> -> memref<32x64xf32, #tpu.memory_space<hbm>>
      tpu.enqueue_dma source(%arg9 : memref<32x64xf32, #tpu.memory_space<vmem>>) target(%dma_start3A_19 : memref<32x64xf32, #tpu.memory_space<hbm>>) target_semaphore(%run_scoped3A : memref<!tpu.dma_semaphore, #tpu.memory_space<semaphore_mem>>)
      %dma_wait3A = arith.constant 0 : i32
      %dma_wait3A_20 = tpu.memref_slice %arg5[%arg0, %mul3A_0, %dma_wait3A] : memref<2x512x64xf32, #tpu.memory_space<hbm>> -> memref<1x32x64xf32, #tpu.memory_space<hbm>>
      %dma_wait3A_21 = tpu.memref_squeeze %dma_wait3A_20 : memref<1x32x64xf32, #tpu.memory_space<hbm>> -> memref<32x64xf32, #tpu.memory_space<hbm>>
      %dma_wait3A_22 = arith.constant 0 : i32
      %dma_wait3A_23 = tpu.memref_slice %arg5[%arg0, %mul3A_0, %dma_wait3A_22] : memref<2x512x64xf32, #tpu.memory_space<hbm>> -> memref<1x32x64xf32, #tpu.memory_space<hbm>>
      %dma_wait3A_24 = tpu.memref_squeeze %dma_wait3A_23 : memref<1x32x64xf32, #tpu.memory_space<hbm>> -> memref<32x64xf32, #tpu.memory_space<hbm>>
      tpu.wait_dma2 semaphore(%run_scoped3A : memref<!tpu.dma_semaphore, #tpu.memory_space<semaphore_mem>>) src(%arg9 : memref<32x64xf32, #tpu.memory_space<vmem>>) dst(%dma_wait3A_24 : memref<32x64xf32, #tpu.memory_space<hbm>>)
      tpu.yield
    }) : () -> ()
    return
  }
}

</mosaic_0001>

<sc_bundles>
// kernel: kernel.3.cloned.1.call-start
scs
__scs_entry_jumppad:
0x0: {  	(pc) =	sbr.rel $0x88, $3  }
0x1: {  	(tag) =	ssettag $0x0;
	lr =	simm.s32 $0x1  }
0x2: {  	[smem:$0x3F9E] =	sst lr;
	_ =	strace $0xD0000000  }
0x3: {  	_ = 	snop  }
0x4: {  	_ = 	snop  }
0x5: {  	_ = 	snop  }
0x6: {  	_ = 	snop  }
0x7: {  	_ = 	snop  }
__scs_overlays_trampoline_lowered:
0x8: {  	[smem:$0x3FAD] =	sst s0  }
0x9: {  	[smem:$0x3FAE] =	sst s1  }
0xa: {  	[smem:$0x3FAF] =	sst s2  }
0xb: {  	[smem:$0x3FB0] =	sst s3  }
0xc: {  	[smem:$0x3FB1] =	sst s4  }
0xd: {  	[smem:$0x3FB2] =	sst s5  }
0xe: {  	[smem:$0x3FB3] =	sst s6  }
0xf: {  	[smem:$0x3FB4] =	sst s7  }
0x10: {  	[smem:$0x3FB5] =	sst s8  }
0x11: {  	[smem:$0x3FB6] =	sst s9;
	s0 =	simm.s32 @!p0 $0x0  }
0x12: {  	s1 =	sld [smem:$0x3F9C];
	s0 =	simm.s32 @p0 $0x1  }
0x13: {  	[smem:$0x3FB7] =	sst s0;
	s0 =	simm.s32 @!p1 $0x0  }
0x14: {  	s2 =	sld [smem:$0x3F9B];
	s0 =	simm.s32 @p1 $0x1  }
0x15: {  	[smem:$0x3FB8] =	sst s0;
	s0 =	simm.s32 @!p2 $0x0  }
0x16: {  	s3 =	sld [smem:$0x3FDB];
	s0 =	simm.s32 @p2 $0x1  }
0x17: {  	s4 =	simm.s32 $0x1BF5;
	[smem:$0x3FBA] =	sst s0  }
0x18: {  	s0 =	sld [smem:$0x3F9D];
	_ =	swait.ge [sflag:s4], $0x0  }
0x19: {  	s7 =	sld [smem:$0x3F9E]  }
0x1a: {  	s8 =	sadd.s32 $0xFFFFE003, lr  }
0x1b: {  	s9 =	sadd.s32 $0xFFFFFEF7, lr;
	s5 =	simm.s32 $0xFFFFFFFF;
	p2 =	slt.u32 s8, $0xFFFFF086  }
0x1c: {  	p1 =	slt.u32 s9, $0xF7A;
	s5 =	simm.s32 @!p2 $0x0  }
0x1d: {  	s5 =	simm.s32 @p1 $0x1;
	p0 =	seq.s32 s7, s2  }
0x1e: {  	s7 =	smul.u32 @!p0 $0xF7A, s2;
	p2 =	seq.s32 @!p0 s5, $0x0  }
0x1f: {  	s9 =	smul.u32 $0xF7A, s1;
	s8 =	simm.s32 @!p0 $0x1BF5;
	p2 =	por !p2, p0  }
0x20: {  	[sflag:s8] =	ssyncset.s32 @!p0 $0xFFFFF086;
	s6 =	sadd.s32 @!p0 s3, s7;
	s7 =	simm.s32 @!p0 $0x108  }
0x21: {  	s3 =	sadd.s32 s3, s9;
	s6 =	sadd.s32 @!p0 $0x88, s6;
	s7 =	simm.s32 @p2 $0x1082  }
0x22: {  	[simem:s7], [sflag:s8] =	dma.local @!p0 [hbm:s6], $0xF7A  }
0x23: {  	s9 =	sor.u32 $0xD0000000, s2;
	s6 =	simm.s32 $0x108;
	_ =	swait.ge @!p0 [sflag:s8], $0x0  }
0x24: {  	s3 =	sadd.s32 $0x88, s3;
	s6 =	simm.s32 @!p1 $0x1082;
	[sflag:s4] =	ssyncset.s32 $0xFFFFF086  }
0x25: {  	[simem:s6], [sflag:s4] =	dma.local [hbm:s3], $0xF7A  }
0x26: {  	[smem:$0x3F9E] =	sst s1;
	(tag) =	ssettag s2;
	_ =	strace s9  }
0x27: {  	s1 =	sld [smem:$0x3FAE]  }
0x28: {  	s2 =	sld [smem:$0x3FAF]  }
0x29: {  	s4 =	sld [smem:$0x3FB1]  }
0x2a: {  	p0 =	seq.s32 s5, $0x0;
	s5 =	sld [smem:$0x3FB2]  }
0x2b: {  	s6 =	sld [smem:$0x3FB3]  }
0x2c: {  	s7 =	sld [smem:$0x3FB4]  }
0x2d: {  	s3 =	simm.s32 $0x108;
	s8 =	sld [smem:$0x3FB5]  }
0x2e: {  	s3 =	simm.s32 @!p0 $0x1082;
	s9 =	sld [smem:$0x3FB6]  }
0x2f: {  	lr =	sadd.s32 s0, s3;
	s0 =	sld [smem:$0x3FAD]  }
0x30: {  	s3 =	sld [smem:$0x3FB0]  }
0x31: {  	[smem:$0x3FB9] =	sst s10  }
0x32: {  	s10 =	sld [smem:$0x3FB7];
	_ =	sdelay $0x3  }
0x33: {  	p0 =	seq.s32 s10, $0x1;
	s10 =	sld [smem:$0x3FB9];
	_ =	sdelay $0x3  }
0x34: {  	[smem:$0x3FB9] =	sst s10  }
0x35: {  	s10 =	sld [smem:$0x3FB8];
	_ =	sdelay $0x3  }
0x36: {  	p1 =	seq.s32 s10, $0x1;
	s10 =	sld [smem:$0x3FB9];
	_ =	sdelay $0x3  }
0x37: {  	[smem:$0x3FB9] =	sst s10  }
0x38: {  	s10 =	sld [smem:$0x3FBA]  }
0x39: {  	_ = 	snop;
	(pc) =	sbr.ind lr, $3  }
0x3a: {  	_ = 	snop  }
0x3b: {  	_ = 	snop  }
0x3c: {  	p2 =	seq.s32 s10, $0x1;
	s10 =	sld [smem:$0x3FB9]  }
0x3d: {  	_ =	shalt  }
0x3e: {  	_ =	shalt  }
0x3f: {  	_ =	shalt  }
0x40: {  	_ =	shalt  }
0x41: {  	_ =	shalt  }
0x42: {  	_ =	shalt  }
0x43: {  	_ =	shalt  }
0x44: {  	_ =	shalt  }
0x45: {  	_ =	shalt  }
0x46: {  	_ =	shalt  }
0x47: {  	_ =	shalt  }
0x48: {  	_ =	shalt  }
0x49: {  	_ =	shalt  }
0x4a: {  	_ =	shalt  }
0x4b: {  	_ =	shalt  }
0x4c: {  	_ =	shalt  }
0x4d: {  	_ =	shalt  }
0x4e: {  	_ =	shalt  }
0x4f: {  	_ =	shalt  }
0x50: {  	_ =	shalt  }
0x51: {  	_ =	shalt  }
0x52: {  	_ =	shalt  }
0x53: {  	_ =	shalt  }
0x54: {  	_ =	shalt  }
0x55: {  	_ =	shalt  }
0x56: {  	_ =	shalt  }
0x57: {  	_ =	shalt  }
0x58: {  	_ =	shalt  }
0x59: {  	_ =	shalt  }
0x5a: {  	_ =	shalt  }
0x5b: {  	_ =	shalt  }
0x5c: {  	_ =	shalt  }
0x5d: {  	_ =	shalt  }
0x5e: {  	_ =	shalt  }
0x5f: {  	_ =	shalt  }
0x60: {  	_ =	shalt  }
0x61: {  	_ =	shalt  }
0x62: {  	_ =	shalt  }
0x63: {  	_ =	shalt  }
0x64: {  	_ =	shalt  }
0x65: {  	_ =	shalt  }
0x66: {  	_ =	shalt  }
0x67: {  	_ =	shalt  }
0x68: {  	_ =	shalt  }
0x69: {  	_ =	shalt  }
0x6a: {  	_ =	shalt  }
0x6b: {  	_ =	shalt  }
0x6c: {  	_ =	shalt  }
0x6d: {  	_ =	shalt  }
0x6e: {  	_ =	shalt  }
0x6f: {  	_ =	shalt  }
0x70: {  	_ =	shalt  }
0x71: {  	_ =	shalt  }
0x72: {  	_ =	shalt  }
0x73: {  	_ =	shalt  }
0x74: {  	_ =	shalt  }
0x75: {  	_ =	shalt  }
0x76: {  	_ =	shalt  }
0x77: {  	_ =	shalt  }
0x78: {  	_ =	shalt  }
0x79: {  	_ =	shalt  }
0x7a: {  	_ =	shalt  }
0x7b: {  	_ =	shalt  }
0x7c: {  	_ =	shalt  }
0x7d: {  	_ =	shalt  }
0x7e: {  	_ =	shalt  }
0x7f: {  	_ =	shalt  }
0x80: {  	_ =	shalt  }
0x81: {  	_ =	shalt  }
0x82: {  	_ =	shalt  }
0x83: {  	_ =	shalt  }
0x84: {  	_ =	shalt  }
0x85: {  	_ =	shalt  }
0x86: {  	_ =	shalt  }
0x87: {  	_ =	shalt  }
.Lfunc_end0:
.L_simem_size_0:
called_computation_lowered:
.L_overlay_start_0:
0x88: {  	s2 =	sld [smem:$0x3FD9]  }
0x89: {  	s3 =	sld [smem:$0x3FFE];
	_ =	sdelay $0x1  }
0x8a: {  	s1 =	srdreg.scid  }
0x8b: {  	s0 =	sand.u32 $0x1, s1  }
0x8c: {  	s17 =	sshll.u32 s0, $0xA;
	s2 =	sadd.s32 s3, s2  }
0x8d: {  	s2 =	sadd.s32 s2, s17  }
0x8e: {  	[smem:$0x3FC5] =	sst s2  }
0x8f: {  	_ = 	snop  }
0x90: {  	s2 =	sld [smem:$0x3FC7];
	(tm) =	ssettm $0x1  }
0x91: {  	s18 =	sld [smem:$0x3FFB];
	_ =	sdelay $0x3  }
0x92: {  	_ =	strace s18  }
0x93: {  	s3 =	sld [smem:$0x3FFC];
	_ =	sdelay $0x3  }
0x94: {  	_ =	strace s3  }
0x95: {  	s3 =	sld [smem:$0x3FFD];
	_ =	sdelay $0x3  }
0x96: {  	_ =	strace s3  }
0x97: {  	_ =	strace $0x8FFFFFFF  }
0x98: {  	s19 =	sld [smem:$0x3FDB];
	_ =	sdelay $0x1  }
0x99: {  	s4 =	simm.s32 $_scs_section_size  }
0x9a: {  	s5 =	simm.s32 $_size__tile_overlayer_lowered;
	s6 =	simm.s32 $_tile_overlayer_lowered  }
0x9b: {  	s22 =	simm.s32 $0x1BFF;
	s21 =	sshll.u32 s6, $0x1;
	s3 =	sadd.s32 s4, s19  }
0x9c: {  	s7 =	simm.s32 $0x0;
	s20 =	sshll.u32 s5, $0x1;
	s5 =	sadd.s32 s21, s3  }
0x9d: {  	[timem:s7], [sflag:s22] =	dma.local [hbm:s5], s20  }
0x9e: {  	_ =	swait.ge [sflag:s22], s20  }
0x9f: {  	s4 =	ssub.s32 $0x0, s20;
	[sflag:s22] =	ssyncset.done $0x0  }
0xa0: {  	[sflag:s22] =	ssyncadd.s32 s4;
	_ =	sdelay $0x1  }
0xa1: {  	s23 =	simm.s32 $0x1B8B  }
0xa2: {  	_ =	swait.ge [sflag:s23], $0x1  }
0xa3: {  	[sflag:s23] =	ssyncset.done $0x0  }
0xa4: {  	s25 =	simm.s32 $0x1B8E;
	s24 =	sld [smem:$0x3FFE];
	[sflag:s23] =	ssyncadd.s32 $0xFFFFFFFF  }
0xa5: {  	s26 =	simm.s32 $execute0_lowered;
	[smem:$0x3FD2] =	sst s25  }
0xa6: {  	s5 =	sshll.u32 s26, $0x1;
	_ =	strace $0x80000046;
	[dreg:$0x1] =	wrdreg $0xFFFFFFFF  }
0xa7: {  	s28 =	simm.s32 $_size_execute0_lowered;
	s3 =	sadd.s32 s3, s5;
	[dreg:$0x0] =	wrdreg $0x0  }
0xa8: {  	s5 =	sshll.u32 s28, $0x1;
	[dreg:$0x2] =	wrdreg s3  }
0xa9: {  	[dreg:$0x3] =	wrdreg s5  }
0xaa: {  	[dreg:$0x4] =	wrdreg $0xC0  }
0xab: {  	_ =	task [dreg:s7], $0x5FFFF  }
0xac: {  	[dreg:$0x1] =	wrdreg $0xFFFFFFFF  }
0xad: {  	[dreg:$0x0] =	wrdreg $0x60  }
0xae: {  	[dreg:$0x2] =	wrdreg s24  }
0xaf: {  	[dreg:$0x3] =	wrdreg s2  }
0xb0: {  	[dreg:$0x4] =	wrdreg $0x9  }
0xb1: {  	_ =	task.clear_ibuf [dreg:s7], $0x5FFFF;
	_ =	strace $0x90000046  }
0xb2: {  	s29 =	simm.s32 $0x9;
	_ =	strace $0x80000048  }
0xb3: {  	_ =	swait.ge [sflag:s29], $0x1  }
0xb4: {  	[sflag:s29] =	ssyncadd.s32 $0xFFFFFFFF  }
0xb5: {  	_ =	strace $0x90000048  }
0xb6: {  	_ =	sfence  }
0xb7: {  	s30 =	sld [smem:$0x0];
	_ =	sdelay $0x2  }
0xb8: {  	s31 =	sshll.u32 s1, $0xD;
	s1 =	sshrl.u32 s1, $0x2  }
0xb9: {  	s3 =	sand.u32 $0x4000, s31;
	s1 =	sadd.s32 s1, s30  }
0xba: {  	s0 =	sor.u32 s3, s0;
	s1 =	sshll.u32 s1, $0x11  }
0xbb: {  	s0 =	sor.u32 s1, s0  }
0xbc: {  	s0 =	sadd.s32 $0x8F2B, s0  }
0xbd: {  	[sflag:s0] =	ssyncadd.remote.s32 $0x1  }
0xbe: {  	_ =	sfence.sel $0xFFFF  }
0xbf: {  	[dreg:$0x0] =	wrdreg $0xFFFFFFFF;
	(pc) =	sbr.abs _section_cstart, $3  }
0xc0: {  	[dreg:$0x1] =	wrdreg $0xFFFFFFFF  }
0xc1: {  	_ =	task.clear_ibuf [dreg:s7], $0x2FFFF;
	_ =	strace $0x9FFFFFFF  }
0xc2: {  	(tm) =	ssettm $0x7FFFFFFF  }
0xc3: {  	_ =	shalt  }
tec
execute0_lowered:
.L_overlay_start_1:
0x0: {  	(tag) =	ssettag $0x1  }
0x1: {  	s3 =	rddreg [dreg:$0x0]  }
0x2: {  	s5 =	rddreg [dreg:$0x1];
	s0 =	stileid.u32  }
0x3: {  	s4 =	srdreg.scid;
	s1 =	simm.s32 $0x0;
	s6 =	smul.u32 $0xE00, s0  }
0x4: {  	s4 =	sand.u32 $0x1, s4;
	[smem:$0x7FF] =	sst s1;
	s9 =	sshll.u32 s0, $0x9  }
0x5: {  	s7 =	smul.u32 $0x1C00, s4;
	_ =	strace $0x80000047;
	s8 =	ssub.s32 $0x2, s4  }
0x6: {  	s9 =	sadd.s32 s9, s3;
	s24 =	sshll.u32 s4, $0xD;
	s26 =	sshll.u32 s4, $0x3  }
0x7: {  	vm0 =	vcmask $0x300;
	s6 =	sadd.s32 s6, s3;
	s10 =	sshrl.u32 s8, $0x1;
	s29 =	sadd.s32 s5, s26  }
0x8: {  	vm1 =	vcmask $0x704;
	vm2 =	vcmask $0xB08;
	vm3 =	vcmask $0xF0C;
	s9 =	sadd.s32 s24, s9;
	s25 =	sadd.s32 $0x3E00, s6;
	[dreg:$0x6] =	wrdreg s29  }
0x9: {  	vm4 =	vcmask $0x1310;
	vm5 =	vcmask $0x1714;
	vm6 =	vcmask $0x1B18;
	s7 =	sadd.s32 s7, s3;
	s30 =	sadd.s32 $0x11E00, s9;
	[dreg:$0x4] =	wrdreg s25  }
0xa: {  	vm7 =	vcmask $0x1F1C;
	vm8 =	vcmask $0x2320;
	vm9 =	vcmask $0x2724;
	s8 =	ssub.s32 s8, s10;
	s28 =	sadd.s32 $0x600, s7;
	[dreg:$0x7] =	wrdreg s30  }
0xb: {  	vm10 =	vcmask $0x2B28;
	vm11 =	vcmask $0x2F2C;
	vm12 =	vcmask $0x3330;
	s31 =	smax.u32 s8, $0x1;
	[dreg:$0x5] =	wrdreg s28  }
0xc: {  	s2 =	simm.s32 $0x1;
	vm13 =	vcmask $0x3734;
	vm14 =	vcmask $0x3B38;
	vm15 =	vmmov $0xfff;
	s3 =	simm.s32 $0x0;
	[dreg:$0x8] =	wrdreg s31  }
.LBB2_1:
0xd: {  	[dreg:$0x9] =	wrdreg s3  }
0xe: {  	s0 =	rddreg [dreg:$0x4]  }
0xf: {  	[tilespmem:s1], [sflag:$0x1] =	stream.linear.gather [hbm4b:s0+s1], $0x7000, $0x38;
	[tilespmem:$0x16080] =	vst v63  }
0x10: {  	_ =	swait.ge [sflag:s2], $0x7000  }
0x11: {  	[sflag:s2] =	ssyncset.done $0x0  }
0x12: {  	s29 =	simm.s32 $0x7000;
	s28 =	rddreg [dreg:$0x5];
	[sflag:s2] =	ssyncadd.s32 $0xFFFF9000  }
0x13: {  	[tilespmem:s29], [sflag:$0x1] =	stream.linear.gather [hbm4b:s28+s1], $0xE000, $0x38;
	[tilespmem:$0x16080] =	vst v63  }
0x14: {  	_ =	swait.ge [sflag:s2], $0xE000  }
0x15: {  	[sflag:s2] =	ssyncset.done $0x0  }
0x16: {  	s31 =	simm.s32 $0x15000;
	s30 =	rddreg [dreg:$0x6];
	[sflag:s2] =	ssyncadd.s32 $0xFFFF2000  }
0x17: {  	[tilespmem:s31], [sflag:$0x1] =	stream.linear.gather [hbm4b:s30+s1], $0x40, $0x38;
	[tilespmem:$0x16080] =	vst v63  }
0x18: {  	_ =	swait.ge [sflag:s2], $0x40  }
0x19: {  	[sflag:s2] =	ssyncset.done $0x0  }
0x1a: {  	s0 =	simm.s32 $0x0;
	[sflag:s2] =	ssyncadd.s32 $0xFFFFFFC0  }
.LBB2_2:
0x1b: {  	s14 =	sshrl.u32 s0, $0x3;
	s15 =	sshll.u32 s0, $0x7  }
0x1c: {  	s14 =	smul.u32 $0x7000, s14;
	s16 =	sand.u32 $0x3FFFFF80, s15  }
0x1d: {  	s16 =	sadd.s32 $0x15080, s16  }
0x1e: {  	s15 =	sand.u32 $0x380, s15;
	s14 =	sshra.s32 s14, $0x2;
	v0 =	vmov s16  }
0x1f: {  	[dreg:$0xa] =	wrdreg s0;
	s10 =	simm.s32 $0x0;
	s14 =	sor.u32 s15, s14;
	[tilespmem:$0x1FFF0] =	vst v0  }
.LBB2_3:
0x20: {  	s17 =	smul.u32 $0xE000, s10  }
0x21: {  	s0 =	simm.s32 $0x0  }
0x22: {  	s19 =	sand.u32 $0x1C00, s0;
	s18 =	sshra.s32 s17, $0x2  }
0x23: {  	s20 =	sand.u32 $0x70, s0;
	s21 =	sadd.s32 s19, s14;
	s17 =	sadd.s32 $0x7000, s18  }
0x24: {  	s21 =	sadd.s32 s20, s21;
	s19 =	sadd.s32 s19, s17  }
0x25: {  	v0 =	vld [tilespmem:s21+$0x0];
	s19 =	sadd.s32 s20, s19  }
0x26: {  	v1 =	vld [tilespmem:s19+$0x0]  }
0x27: {  	v2 =	vld [tilespmem:s19+$0x80]  }
0x28: {  	v3 =	vld [tilespmem:s19+$0x100]  }
0x29: {  	v4 =	vld [tilespmem:s19+$0x180];
	_ =	sdelay $0x1  }
0x2a: {  	v1 =	vmul.f32 v1, v0  }
0x2b: {  	v2 =	vmul.f32 v2, v0  }
0x2c: {  	v3 =	vmul.f32 v3, v0;
	(xrf1) =	vsort.ascd.msk.f32 $0xffff, v1, v1  }
0x2d: {  	v0 =	vmul.f32 v4, v0;
	(xrf1) =	vsort.ascd.msk.f32 $0xffff, v2, v2  }
0x2e: {  	v4 =	vsub.f32 $0.0e+00, v1;
	(xrf1) =	vsort.ascd.msk.f32 $0xffff, v3, v3  }
0x2f: {  	(xrf1) =	vsort.ascd.msk.f32 $0xffff, v0, v0  }
0x30: {  	(xrf1) =	vsort.ascd.msk.f32 $0xffff, v4, v4  }
0x31: {  	v4 =	vsub.f32 $0.0e+00, v2;
	_ =	sdelay $0x1  }
0x32: {  	(xrf1) =	vsort.ascd.msk.f32 $0xffff, v4, v4;
	_ =	sdelay $0x2  }
0x33: {  	v4 =	vsub.f32 $0.0e+00, v3;
	_ =	sdelay $0x1  }
0x34: {  	(xrf1) =	vsort.ascd.msk.f32 $0xffff, v4, v4  }
0x35: {  	s19 =	simm.s32 $0x80  }
0x36: {  	s30 =	simm.s32 $0x10;
	s31 =	sand.u32 $0x1C00, s19;
	v5 =	vsub.f32 $0.0e+00, v0;
	v4, _, _ =	vpop (xrf1)  }
0x37: {  	s20 =	sand.u32 $0x70, s30;
	s22 =	sadd.s32 s31, s14;
	v7, _, _ =	vpop (xrf1)  }
0x38: {  	s21 =	sadd.s32 s31, s17;
	s22 =	sadd.s32 s20, s22;
	v8, _, _ =	vpop (xrf1)  }
0x39: {  	s20 =	sadd.s32 s20, s21;
	v10 =	vld [tilespmem:s22+$0x0];
	(xrf1) =	vsort.ascd.msk.f32 $0xffff, v5, v5;
	v9, _, _ =	vpop (xrf1)  }
0x3a: {  	v6 =	vld [tilespmem:s20+$0x0];
	v5, _, _ =	vpop (xrf1)  }
0x3b: {  	v12 =	vld [tilespmem:s20+$0x80];
	v11 =	vsub.f32 $0.0e+00, v5  }
0x3c: {  	v5 =	vimm.f32 $-3.000000010e+38  }
0x3d: {  	v15 =	vld [tilespmem:s20+$0x180];
	v4 =	vsub.f32 $0.0e+00, v4;
	v13, _, _ =	vpop (xrf1);
	v11 =	vmax.f32 v5, v11  }
0x3e: {  	v13 =	vsub.f32 $0.0e+00, v13;
	(xrf1) =	vsort.ascd.msk.f32 $0xffff, v11, v11;
	v11 =	vld [tilespmem:s20+$0x100]  }
0x3f: {  	v14 =	vmul.f32 v6, v10;
	v4 =	vmax.f32 v5, v4  }
0x40: {  	v12 =	vmul.f32 v12, v10;
	(xrf1) =	vsort.ascd.msk.f32 $0xffff, v4, v4  }
0x41: {  	(xrf1) =	vsort.ascd.msk.f32 $0xffff, v14, v14  }
0x42: {  	v6 =	vimm.f32 $0.0e+00;
	v4 =	vsub.f32 $0.0e+00, v7;
	v7 =	vmax.f32 v5, v13;
	(xrf1) =	vsort.ascd.msk.f32 $0xffff, v12, v12;
	v13, _, _ =	vpop (xrf1)  }
0x43: {  	(xrf1) =	vsort.ascd.msk.f32 $0xffff, v7, v7;
	v7 =	vmul.f32 v15, v10;
	v11 =	vmul.f32 v11, v10;
	v10 =	vsub.f32 $0.0e+00, v13  }
0x44: {  	v1 =	vadd.f32 v1, v6;
	v4 =	vmax.f32 v5, v4  }
0x45: {  	v2 =	vadd.f32 v2, v6;
	(xrf1) =	vsort.ascd.msk.f32 $0xffff, v4, v4;
	v13 =	vadd.f32 v3, v6  }
0x46: {  	v3 =	vsub.f32 $0.0e+00, v8;
	v8 =	vadd.f32 v0, v6;
	(xrf1) =	vsort.ascd.msk.f32 $0xffff, v11, v11  }
0x47: {  	v4 =	vadd.f32 v14, v1;
	v0 =	vmax.f32 v5, v10;
	(xrf1) =	vsort.ascd.msk.f32 $0xffff, v7, v7;
	v10, _, _ =	vpop (xrf1)  }
0x48: {  	v1 =	vsub.f32 $0.0e+00, v14;
	v3 =	vmax.f32 v5, v3;
	(xrf1) =	vsort.ascd.msk.f32 $0xffff, v0, v0;
	v10 =	vsub.f32 $0.0e+00, v10  }
0x49: {  	v9 =	vsub.f32 $0.0e+00, v9;
	v14 =	vsub.f32 $0.0e+00, v12;
	(xrf1) =	vsort.ascd.msk.f32 $0xffff, v3, v3  }
0x4a: {  	v0 =	vimm.f32 $3.000000010e+38;
	v3 =	vadd.f32 v12, v2;
	(xrf1) =	vsort.ascd.msk.f32 $0xffff, v1, v1;
	v10 =	vmax.f32 v5, v10  }
0x4b: {  	v2 =	vadd.f32 v11, v13;
	v13 =	vsub.f32 $0.0e+00, v0;
	(xrf1) =	vsort.ascd.msk.f32 $0xffff, v14, v14  }
0x4c: {  	v9 =	vmax.f32 v5, v9;
	v1 =	vadd.f32 v7, v8;
	v8 =	vsub.f32 $0.0e+00, v11;
	(xrf1) =	vsort.ascd.msk.f32 $0xffff, v10, v10  }
0x4d: {  	v12 =	vimm.f32 $3.000000010e+38;
	v7 =	vsub.f32 $0.0e+00, v7;
	v11 =	vimm.f32 $3.000000010e+38;
	(xrf1) =	vsort.ascd.msk.f32 $0xffff, v9, v9;
	v10, _, _ =	vpop (xrf1)  }
0x4e: {  	v9 =	vimm.f32 $3.000000010e+38;
	(xrf1) =	vsort.ascd.msk.f32 $0xffff, v8, v8;
	v8 =	vimm.f32 $3.000000010e+38;
	v15 =	vmax.f32 v10, v13  }
0x4f: {  	s20 =	simm.s32 $0x20;
	v14 =	vmin.f32 v10, v13;
	(xrf1) =	vsort.ascd.msk.f32 $0xffff, v7, v7;
	v16, _, _ =	vpop (xrf1);
	v10 =	vimm.f32 $3.000000010e+38;
	v7 =	vimm.f32 $3.000000010e+38  }
.LBB2_4:
0x50: {  	p0 =	sne.s32 s20, $0x300;
	v17, _, _ =	vpop (xrf1);
	v15 =	vsub.f32 $0.0e+00, v15;
	v18 =	vmax.f32 v16, v13;
	v19 =	vmin.f32 v16, v13;
	(xrf1) =	vsort.ascd.msk.f32 $0xffff, v14, v14  }
0x51: {  	v11 =	vsub.f32 $0.0e+00, v11;
	v14, _, _ =	vpop (xrf1);
	v18 =	vsub.f32 $0.0e+00, v18;
	(xrf1) =	vsort.ascd.msk.f32 $0xffff, v19, v19  }
0x52: {  	v12 =	vsub.f32 $0.0e+00, v12;
	(xrf1) =	vsort.ascd.msk.f32 $0xffff, v15, v15;
	v13, _, _ =	vpop (xrf1)  }
0x53: {  	v15 =	vmax.f32 v13, v11;
	v11 =	vmin.f32 v13, v11;
	(xrf1) =	vsort.ascd.msk.f32 $0xffff, v18, v18;
	v13, _, _ =	vpop (xrf1)  }
0x54: {  	v16, _, _ =	vpop (xrf1);
	v15 =	vsub.f32 $0.0e+00, v15;
	v18 =	vmax.f32 v13, v12;
	v19 =	vmin.f32 v13, v12;
	(xrf1) =	vsort.ascd.msk.f32 $0xffff, v11, v11  }
0x55: {  	v9 =	vsub.f32 $0.0e+00, v9;
	v13, _, _ =	vpop (xrf1);
	v18 =	vsub.f32 $0.0e+00, v18;
	(xrf1) =	vsort.ascd.msk.f32 $0xffff, v19, v19  }
0x56: {  	s19 =	sadd.s32 $0x80, s19;
	v10 =	vsub.f32 $0.0e+00, v10;
	(xrf1) =	vsort.ascd.msk.f32 $0xffff, v15, v15;
	v12, _, _ =	vpop (xrf1)  }
0x57: {  	s21 =	sand.u32 $0x1C00, s19;
	v15 =	vmax.f32 v12, v9;
	v19 =	vmin.f32 v12, v9;
	(xrf1) =	vsort.ascd.msk.f32 $0xffff, v18, v18;
	v11, _, _ =	vpop (xrf1)  }
0x58: {  	s22 =	sand.u32 $0x70, s20;
	s23 =	sadd.s32 s21, s14;
	v12, _, _ =	vpop (xrf1);
	v20 =	vsub.f32 $0.0e+00, v15;
	v18 =	vmax.f32 v11, v10;
	v10 =	vmin.f32 v11, v10;
	(xrf1) =	vsort.ascd.msk.f32 $0xffff, v19, v19  }
0x59: {  	v8 =	vsub.f32 $0.0e+00, v8;
	s21 =	sadd.s32 s21, s17;
	s23 =	sadd.s32 s22, s23;
	v9, _, _ =	vpop (xrf1);
	v21 =	vsub.f32 $0.0e+00, v18;
	(xrf1) =	vsort.ascd.msk.f32 $0xffff, v10, v10  }
0x5a: {  	v7 =	vsub.f32 $0.0e+00, v7;
	s21 =	sadd.s32 s22, s21;
	v10 =	vld [tilespmem:s23+$0x0];
	(xrf1) =	vsort.ascd.msk.f32 $0xffff, v20, v20;
	v15, _, _ =	vpop (xrf1)  }
0x5b: {  	v18 =	vld [tilespmem:s21+$0x0];
	v19 =	vmax.f32 v15, v8;
	v8 =	vmin.f32 v15, v8;
	(xrf1) =	vsort.ascd.msk.f32 $0xffff, v21, v21;
	v11, _, _ =	vpop (xrf1)  }
0x5c: {  	v15 =	vld [tilespmem:s21+$0x80];
	v20, _, _ =	vpop (xrf1);
	v19 =	vsub.f32 $0.0e+00, v19;
	v21 =	vmax.f32 v11, v7;
	v7 =	vmin.f32 v11, v7;
	(xrf1) =	vsort.ascd.msk.f32 $0xffff, v8, v8  }
0x5d: {  	v8 =	vsub.f32 $0.0e+00, v12;
	v22, _, _ =	vpop (xrf1);
	v11 =	vsub.f32 $0.0e+00, v21;
	(xrf1) =	vsort.ascd.msk.f32 $0xffff, v7, v7  }
0x5e: {  	v7 =	vsub.f32 $0.0e+00, v17;
	v12, _, _ =	vpop (xrf1);
	(xrf1) =	vsort.ascd.msk.f32 $0xffff, v19, v19  }
0x5f: {  	v17 =	vld [tilespmem:s21+$0x100];
	v8 =	vmax.f32 v12, v8;
	v12, _, _ =	vpop (xrf1);
	(xrf1) =	vsort.ascd.msk.f32 $0xffff, v11, v11  }
0x60: {  	v18 =	vmul.f32 v18, v10;
	v19 =	vld [tilespmem:s21+$0x180];
	v7 =	vmax.f32 v12, v7;
	(xrf1) =	vsort.ascd.msk.f32 $0xffff, v8, v8;
	v21, _, _ =	vpop (xrf1)  }
0x61: {  	v9 =	vsub.f32 $0.0e+00, v9;
	v8 =	vmul.f32 v15, v10;
	(xrf1) =	vsort.ascd.msk.f32 $0xffff, v7, v7;
	v15, _, _ =	vpop (xrf1)  }
0x62: {  	v7 =	vsub.f32 $0.0e+00, v14;
	v4 =	vadd.f32 v18, v4;
	(xrf1) =	vsort.ascd.msk.f32 $0xffff, v18, v18;
	v11, _, _ =	vpop (xrf1)  }
0x63: {  	v3 =	vadd.f32 v8, v3;
	(xrf1) =	vsort.ascd.msk.f32 $0xffff, v8, v8;
	v9 =	vmax.f32 v11, v9;
	v11, _, _ =	vpop (xrf1)  }
0x64: {  	v14 =	vmul.f32 v17, v10;
	v7 =	vmax.f32 v11, v7;
	(xrf1) =	vsort.ascd.msk.f32 $0xffff, v9, v9;
	v11, _, _ =	vpop (xrf1)  }
0x65: {  	v20 =	vsub.f32 $0.0e+00, v20;
	v17 =	vmul.f32 v19, v10;
	(xrf1) =	vsort.ascd.msk.f32 $0xffff, v7, v7;
	v12, _, _ =	vpop (xrf1)  }
0x66: {  	v7 =	vsub.f32 $0.0e+00, v16;
	v2 =	vadd.f32 v14, v2;
	(xrf1) =	vsort.ascd.msk.f32 $0xffff, v14, v14;
	v10, _, _ =	vpop (xrf1)  }
0x67: {  	v1 =	vadd.f32 v17, v1;
	(xrf1) =	vsort.ascd.msk.f32 $0xffff, v17, v17;
	v19 =	vmax.f32 v10, v20;
	v10, _, _ =	vpop (xrf1)  }
0x68: {  	v16 =	vsub.f32 $0.0e+00, v18;
	v7 =	vmax.f32 v10, v7;
	(xrf1) =	vsort.ascd.msk.f32 $0xffff, v19, v19;
	v9, _, _ =	vpop (xrf1)  }
0x69: {  	v18 =	vsub.f32 $0.0e+00, v22;
	v19 =	vsub.f32 $0.0e+00, v8;
	(xrf1) =	vsort.ascd.msk.f32 $0xffff, v7, v7;
	v10, _, _ =	vpop (xrf1)  }
0x6a: {  	v20 =	vsub.f32 $0.0e+00, v13;
	(xrf1) =	vsort.ascd.msk.f32 $0xffff, v16, v16;
	v13, _, _ =	vpop (xrf1)  }
.Ltmp0:
0x6b: {  	(xrf1) =	vsort.ascd.msk.f32 $0xffff, v19, v19;
	v16 =	vmax.f32 v13, v18;
	v13, _, _ =	vpop (xrf1);
	(pc) =	sbr.rel @p0 .LBB2_4-.Ltmp0, $4  }
0x6c: {  	v18 =	vsub.f32 $0.0e+00, v14;
	v13 =	vmax.f32 v13, v20;
	(xrf1) =	vsort.ascd.msk.f32 $0xffff, v16, v16;
	v8, _, _ =	vpop (xrf1)  }
0x6d: {  	v19 =	vsub.f32 $0.0e+00, v17;
	v17 =	vsub.f32 $0.0e+00, v21;
	(xrf1) =	vsort.ascd.msk.f32 $0xffff, v13, v13;
	v7, _, _ =	vpop (xrf1)  }
0x6e: {  	v13 =	vsub.f32 $0.0e+00, v15;
	(xrf1) =	vsort.ascd.msk.f32 $0xffff, v18, v18;
	v14, _, _ =	vpop (xrf1)  }
0x6f: {  	s20 =	sadd.s32 $0x10, s20;
	(xrf1) =	vsort.ascd.msk.f32 $0xffff, v19, v19;
	v15 =	vmax.f32 v14, v17;
	v14 =	vmin.f32 v14, v17;
	v16, _, _ =	vpop (xrf1)  }
0x70: {  	v18 =	vmax.f32 v16, v13;
	v13 =	vmin.f32 v16, v13  }
0x71: {  	v17, _, _ =	vpop (xrf1);
	v15 =	vsub.f32 $0.0e+00, v15  }
0x72: {  	(xrf1) =	vsort.ascd.msk.f32 $0xffff, v14, v14;
	v11 =	vsub.f32 $0.0e+00, v11;
	v14, _, _ =	vpop (xrf1);
	v16 =	vsub.f32 $0.0e+00, v18  }
0x73: {  	v12 =	vsub.f32 $0.0e+00, v12;
	(xrf1) =	vsort.ascd.msk.f32 $0xffff, v13, v13;
	v13, _, _ =	vpop (xrf1)  }
0x74: {  	(xrf1) =	vsort.ascd.msk.f32 $0xffff, v15, v15;
	v15 =	vmax.f32 v13, v11;
	v11 =	vmin.f32 v13, v11;
	v13, _, _ =	vpop (xrf1)  }
0x75: {  	v18 =	vmax.f32 v13, v12;
	v12 =	vmin.f32 v13, v12  }
0x76: {  	v9 =	vsub.f32 $0.0e+00, v9;
	(xrf1) =	vsort.ascd.msk.f32 $0xffff, v16, v16;
	v16, _, _ =	vpop (xrf1)  }
0x77: {  	v15 =	vsub.f32 $0.0e+00, v15;
	(xrf1) =	vsort.ascd.msk.f32 $0xffff, v11, v11;
	v13 =	vsub.f32 $0.0e+00, v18;
	v11, _, _ =	vpop (xrf1)  }
0x78: {  	v10 =	vsub.f32 $0.0e+00, v10;
	(xrf1) =	vsort.ascd.msk.f32 $0xffff, v12, v12;
	v12, _, _ =	vpop (xrf1)  }
0x79: {  	(xrf1) =	vsort.ascd.msk.f32 $0xffff, v15, v15;
	v15 =	vmax.f32 v12, v9;
	v9 =	vmin.f32 v12, v9;
	v12, _, _ =	vpop (xrf1)  }
0x7a: {  	v18 =	vmax.f32 v12, v10;
	v10 =	vmin.f32 v12, v10  }
0x7b: {  	v8 =	vsub.f32 $0.0e+00, v8;
	(xrf1) =	vsort.ascd.msk.f32 $0xffff, v13, v13;
	v13, _, _ =	vpop (xrf1)  }
0x7c: {  	v15 =	vsub.f32 $0.0e+00, v15;
	(xrf1) =	vsort.ascd.msk.f32 $0xffff, v9, v9;
	v12 =	vsub.f32 $0.0e+00, v18;
	v9, _, _ =	vpop (xrf1)  }
0x7d: {  	(xrf1) =	vsort.ascd.msk.f32 $0xffff, v10, v10;
	v10, _, _ =	vpop (xrf1)  }
0x7e: {  	(xrf1) =	vsort.ascd.msk.f32 $0xffff, v15, v15;
	v15 =	vmax.f32 v10, v8  }
0x7f: {  	v7 =	vsub.f32 $0.0e+00, v7;
	v8 =	vmin.f32 v10, v8;
	v10, _, _ =	vpop (xrf1);
	v15 =	vsub.f32 $0.0e+00, v15  }
0x80: {  	(xrf1) =	vsort.ascd.msk.f32 $0xffff, v12, v12;
	v12, _, _ =	vpop (xrf1)  }
0x81: {  	v18 =	vmax.f32 v10, v7;
	v7 =	vmin.f32 v10, v7;
	(xrf1) =	vsort.ascd.msk.f32 $0xffff, v8, v8;
	v8 =	vsub.f32 $0.0e+00, v13;
	v10, _, _ =	vpop (xrf1)  }
0x82: {  	(xrf1) =	vsort.ascd.msk.f32 $0xffff, v7, v7;
	v7 =	vsub.f32 $0.0e+00, v17;
	v17, _, _ =	vpop (xrf1)  }
0x83: {  	v13 =	vsub.f32 $0.0e+00, v18;
	(xrf1) =	vsort.ascd.msk.f32 $0xffff, v15, v15;
	v8 =	vmax.f32 v17, v8;
	v15, _, _ =	vpop (xrf1)  }
0x84: {  	v7 =	vmax.f32 v15, v7  }
0x85: {  	(xrf1) =	vsort.ascd.msk.f32 $0xffff, v13, v13  }
0x86: {  	(xrf1) =	vsort.ascd.msk.f32 $0xffff, v8, v8;
	v8, _, _ =	vpop (xrf1)  }
0x87: {  	v9 =	vsub.f32 $0.0e+00, v9;
	(xrf1) =	vsort.ascd.msk.f32 $0xffff, v7, v7;
	v7, _, _ =	vpop (xrf1)  }
0x88: {  	v13 =	vsub.f32 $0.0e+00, v14;
	v14, _, _ =	vpop (xrf1)  }
0x89: {  	v9 =	vmax.f32 v14, v9;
	v14, _, _ =	vpop (xrf1)  }
0x8a: {  	v13 =	vmax.f32 v14, v13;
	_ =	sdelay $0x1  }
0x8b: {  	(xrf1) =	vsort.ascd.msk.f32 $0xffff, v9, v9;
	v9, _, _ =	vpop (xrf1)  }
0x8c: {  	v12 =	vsub.f32 $0.0e+00, v12;
	(xrf1) =	vsort.ascd.msk.f32 $0xffff, v13, v13;
	v13, _, _ =	vpop (xrf1)  }
0x8d: {  	v14 =	vsub.f32 $0.0e+00, v16;
	v15, _, _ =	vpop (xrf1)  }
0x8e: {  	v12 =	vmax.f32 v15, v12;
	v15, _, _ =	vpop (xrf1)  }
0x8f: {  	v14 =	vmax.f32 v15, v14;
	_ =	sdelay $0x1  }
0x90: {  	(xrf1) =	vsort.ascd.msk.f32 $0xffff, v12, v12;
	v12, _, _ =	vpop (xrf1)  }
0x91: {  	v10 =	vsub.f32 $0.0e+00, v10;
	(xrf1) =	vsort.ascd.msk.f32 $0xffff, v14, v14;
	v14, _, _ =	vpop (xrf1)  }
0x92: {  	v11 =	vsub.f32 $0.0e+00, v11;
	v15, _, _ =	vpop (xrf1)  }
0x93: {  	v10 =	vmax.f32 v15, v10;
	v15, _, _ =	vpop (xrf1)  }
0x94: {  	v11 =	vmax.f32 v15, v11;
	_ =	sdelay $0x1  }
0x95: {  	(xrf1) =	vsort.ascd.msk.f32 $0xffff, v10, v10;
	v10, _, _ =	vpop (xrf1)  }
0x96: {  	v8 =	vsub.f32 $0.0e+00, v8;
	(xrf1) =	vsort.ascd.msk.f32 $0xffff, v11, v11;
	v11, _, _ =	vpop (xrf1)  }
0x97: {  	v7 =	vsub.f32 $0.0e+00, v7;
	v15, _, _ =	vpop (xrf1)  }
0x98: {  	v16 =	vmax.f32 v15, v8;
	v8 =	vmin.f32 v15, v8;
	v15, _, _ =	vpop (xrf1)  }
0x99: {  	v17 =	vmax.f32 v15, v7  }
0x9a: {  	(xrf1) =	vsort.ascd.msk.f32 $0xffff, v8, v8;
	v8 =	vsub.f32 $0.0e+00, v17  }
0x9b: {  	v16 =	vsub.f32 $0.0e+00, v16;
	v7 =	vmin.f32 v15, v7  }
0x9c: {  	v9 =	vsub.f32 $0.0e+00, v9;
	(xrf1) =	vsort.ascd.msk.f32 $0xffff, v7, v7  }
0x9d: {  	v7 =	vsub.f32 $0.0e+00, v13;
	v13, _, _ =	vpop (xrf1);
	(xrf1) =	vsort.ascd.msk.f32 $0xffff, v16, v16  }
0x9e: {  	v15 =	vmax.f32 v13, v9;
	(xrf1) =	vsort.ascd.msk.f32 $0xffff, v8, v8;
	v8, _, _ =	vpop (xrf1)  }
0x9f: {  	v9 =	vmin.f32 v13, v9;
	v13 =	vsub.f32 $0.0e+00, v15;
	v15 =	vmax.f32 v8, v7  }
0xa0: {  	v7 =	vmin.f32 v8, v7;
	v8 =	vsub.f32 $0.0e+00, v15  }
0xa1: {  	(xrf1) =	vsort.ascd.msk.f32 $0xffff, v9, v9  }
0xa2: {  	v9 =	vsub.f32 $0.0e+00, v12;
	(xrf1) =	vsort.ascd.msk.f32 $0xffff, v7, v7  }
0xa3: {  	v12, _, _ =	vpop (xrf1);
	v7 =	vsub.f32 $0.0e+00, v14;
	(xrf1) =	vsort.ascd.msk.f32 $0xffff, v13, v13  }
0xa4: {  	v13 =	vmax.f32 v12, v9;
	(xrf1) =	vsort.ascd.msk.f32 $0xffff, v8, v8;
	v8, _, _ =	vpop (xrf1)  }
0xa5: {  	s19 =	simm.s32 $0x0;
	v9 =	vmin.f32 v12, v9;
	v12 =	vsub.f32 $0.0e+00, v13;
	v13 =	vmax.f32 v8, v7  }
0xa6: {  	s20 =	sand.u32 $0x1C00, s19;
	(xrf1) =	vsort.ascd.msk.f32 $0xffff, v9, v9;
	v9 =	vsub.f32 $0.0e+00, v13  }
0xa7: {  	s19 =	sand.u32 $0x70, s19;
	s21 =	sadd.s32 s20, s14;
	v7 =	vmin.f32 v8, v7  }
0xa8: {  	s20 =	sadd.s32 s20, s17;
	s21 =	sadd.s32 s19, s21;
	(xrf1) =	vsort.ascd.msk.f32 $0xffff, v7, v7  }
0xa9: {  	s19 =	sadd.s32 s19, s20;
	v11 =	vsub.f32 $0.0e+00, v11;
	v8 =	vld [tilespmem:s21+$0x0];
	(xrf1) =	vsort.ascd.msk.f32 $0xffff, v12, v12;
	v12, _, _ =	vpop (xrf1)  }
0xaa: {  	v10 =	vsub.f32 $0.0e+00, v10;
	v7 =	vld [tilespmem:s19+$0x200];
	(xrf1) =	vsort.ascd.msk.f32 $0xffff, v9, v9;
	v9, _, _ =	vpop (xrf1)  }
0xab: {  	v13 =	vld [tilespmem:s19+$0x280];
	v15 =	vmax.f32 v9, v11;
	v9 =	vmin.f32 v9, v11  }
0xac: {  	v14 =	vmax.f32 v12, v10;
	v10 =	vmin.f32 v12, v10;
	v12 =	vld [tilespmem:s19+$0x300]  }
0xad: {  	(xrf1) =	vsort.ascd.msk.f32 $0xffff, v10, v10;
	v10 =	vld [tilespmem:s19+$0x380]  }
0xae: {  	v14 =	vsub.f32 $0.0e+00, v14;
	(xrf1) =	vsort.ascd.msk.f32 $0xffff, v9, v9;
	v9, _, _ =	vpop (xrf1)  }
0xaf: {  	v11 =	vsub.f32 $0.0e+00, v15;
	[tilespmem:$0x1FF00] =	vst v9;
	v9, _, _ =	vpop (xrf1)  }
0xb0: {  	(xrf1) =	vsort.ascd.msk.f32 $0xffff, v14, v14;
	v23, _, _ =	vpop (xrf1)  }
0xb1: {  	v7 =	vmul.f32 v7, v8;
	(xrf1) =	vsort.ascd.msk.f32 $0xffff, v11, v11;
	v11 =	vmul.f32 v12, v8;
	v12, _, _ =	vpop (xrf1)  }
0xb2: {  	[tilespmem:$0x1FF10] =	vst v9;
	v9 =	vmul.f32 v13, v8;
	v8 =	vmul.f32 v10, v8;
	v10, _, _ =	vpop (xrf1)  }
0xb3: {  	(xrf1) =	vsort.ascd.msk.f32 $0xffff, v7, v7;
	[tilespmem:$0x1FF30] =	vst v10;
	v10 =	vsub.f32 $0.0e+00, v7  }
0xb4: {  	(xrf1) =	vsort.ascd.msk.f32 $0xffff, v9, v9  }
0xb5: {  	[tilespmem:$0x1FF20] =	vst v12;
	(xrf1) =	vsort.ascd.msk.f32 $0xffff, v11, v11;
	v12, _, _ =	vpop (xrf1)  }
0xb6: {  	[tilespmem:$0x1FF40] =	vst v12;
	(xrf1) =	vsort.ascd.msk.f32 $0xffff, v8, v8;
	v12, _, _ =	vpop (xrf1)  }
0xb7: {  	(xrf1) =	vsort.ascd.msk.f32 $0xffff, v10, v10;
	v10, _, _ =	vpop (xrf1)  }
0xb8: {  	[tilespmem:$0x1FF60] =	vst v10;
	v10, _, _ =	vpop (xrf1)  }
0xb9: {  	[tilespmem:$0x1FF70] =	vst v10;
	v10, _, _ =	vpop (xrf1)  }
0xba: {  	[tilespmem:$0x1FF80] =	vst v10;
	v10, _, _ =	vpop (xrf1)  }
0xbb: {  	[tilespmem:$0x1FF90] =	vst v10;
	v10 =	vsub.f32 $0.0e+00, v9;
	_ =	sdelay $0x1  }
0xbc: {  	[tilespmem:$0x1FF50] =	vst v12;
	v12, _, _ =	vpop (xrf1)  }
0xbd: {  	[tilespmem:$0x1FFA0] =	vst v12;
	v12, _, _ =	vpop (xrf1)  }
0xbe: {  	(xrf1) =	vsort.ascd.msk.f32 $0xffff, v10, v10;
	v10, _, _ =	vpop (xrf1)  }
0xbf: {  	[tilespmem:$0x1FFC0] =	vst v10;
	v10, _, _ =	vpop (xrf1)  }
0xc0: {  	[tilespmem:$0x1FFD0] =	vst v10;
	v10 =	vsub.f32 $0.0e+00, v11;
	_ =	sdelay $0x1  }
0xc1: {  	s19 =	simm.s32 $0x80  }
0xc2: {  	s30 =	simm.s32 $0x10;
	s31 =	sand.u32 $0x1C00, s19;
	[tilespmem:$0x1FFB0] =	vst v12;
	v12, _, _ =	vpop (xrf1);
	(xrf1) =	vsort.ascd.msk.f32 $0xffff, v10, v10  }
0xc3: {  	s20 =	sand.u32 $0x70, s30;
	s22 =	sadd.s32 s31, s14;
	v13 =	vsub.f32 $0.0e+00, v8;
	v10, _, _ =	vpop (xrf1)  }
0xc4: {  	s21 =	sadd.s32 s31, s17;
	s22 =	sadd.s32 s20, s22;
	[tilespmem:$0x1FFE0] =	vst v12;
	v12, _, _ =	vpop (xrf1)  }
0xc5: {  	s20 =	sadd.s32 s20, s21;
	v16 =	vld [tilespmem:s22+$0x0];
	(xrf1) =	vsort.ascd.msk.f32 $0xffff, v13, v13;
	v14, _, _ =	vpop (xrf1)  }
0xc6: {  	v17 =	vld [tilespmem:s20+$0x200];
	v15, _, _ =	vpop (xrf1)  }
0xc7: {  	v24 =	vld [tilespmem:s20+$0x280];
	v13, _, _ =	vpop (xrf1)  }
0xc8: {  	v13 =	vsub.f32 $0.0e+00, v13;
	_ =	sdelay $0x1  }
0xc9: {  	v10 =	vsub.f32 $0.0e+00, v10;
	v13 =	vmax.f32 v5, v13  }
0xca: {  	v17 =	vmul.f32 v17, v16;
	v25, _, _ =	vpop (xrf1);
	(xrf1) =	vsort.ascd.msk.f32 $0xffff, v13, v13;
	v13 =	vld [tilespmem:s20+$0x300]  }
0xcb: {  	v26 =	vld [tilespmem:s20+$0x380];
	v27 =	vmul.f32 v24, v16;
	v10 =	vmax.f32 v5, v10;
	v24 =	vsub.f32 $0.0e+00, v25  }
0xcc: {  	(xrf1) =	vsort.ascd.msk.f32 $0xffff, v10, v10  }
0xcd: {  	v10 =	vsub.f32 $0.0e+00, v12;
	(xrf1) =	vsort.ascd.msk.f32 $0xffff, v17, v17  }
0xce: {  	v7 =	vadd.f32 v7, v6;
	v12 =	vmax.f32 v5, v24;
	(xrf1) =	vsort.ascd.msk.f32 $0xffff, v27, v27  }
0xcf: {  	v10 =	vmax.f32 v5, v10;
	v24, _, _ =	vpop (xrf1);
	(xrf1) =	vsort.ascd.msk.f32 $0xffff, v12, v12;
	v13 =	vmul.f32 v13, v16  }
0xd0: {  	v8 =	vadd.f32 v8, v6;
	v25 =	vmul.f32 v26, v16;
	v12 =	vsub.f32 $0.0e+00, v24;
	(xrf1) =	vsort.ascd.msk.f32 $0xffff, v10, v10  }
0xd1: {  	v9 =	vadd.f32 v9, v6;
	v10 =	vsub.f32 $0.0e+00, v14;
	(xrf1) =	vsort.ascd.msk.f32 $0xffff, v13, v13  }
0xd2: {  	v11 =	vadd.f32 v11, v6;
	v12 =	vmax.f32 v5, v12;
	v6, _, _ =	vpop (xrf1);
	(xrf1) =	vsort.ascd.msk.f32 $0xffff, v25, v25  }
0xd3: {  	v14 =	vsub.f32 $0.0e+00, v17;
	v10 =	vmax.f32 v5, v10;
	v6 =	vsub.f32 $0.0e+00, v6;
	(xrf1) =	vsort.ascd.msk.f32 $0xffff, v12, v12  }
0xd4: {  	v24 =	vadd.f32 v17, v7;
	v12 =	vsub.f32 $0.0e+00, v27;
	(xrf1) =	vsort.ascd.msk.f32 $0xffff, v10, v10  }
0xd5: {  	v7 =	vsub.f32 $0.0e+00, v15;
	v16 =	vadd.f32 v27, v9;
	v9 =	vmax.f32 v5, v6;
	(xrf1) =	vsort.ascd.msk.f32 $0xffff, v14, v14  }
0xd6: {  	v6 =	vadd.f32 v13, v11;
	(xrf1) =	vsort.ascd.msk.f32 $0xffff, v12, v12  }
0xd7: {  	v7 =	vmax.f32 v5, v7;
	v10 =	vsub.f32 $0.0e+00, v13;
	v12 =	vsub.f32 $0.0e+00, v0;
	(xrf1) =	vsort.ascd.msk.f32 $0xffff, v9, v9  }
0xd8: {  	v5 =	vadd.f32 v25, v8;
	v8 =	vsub.f32 $0.0e+00, v25;
	v11 =	vimm.f32 $3.000000010e+38;
	v9, _, _ =	vpop (xrf1);
	(xrf1) =	vsort.ascd.msk.f32 $0xffff, v7, v7  }
0xd9: {  	v7 =	vimm.f32 $3.000000010e+38;
	v15 =	vmax.f32 v9, v12;
	(xrf1) =	vsort.ascd.msk.f32 $0xffff, v10, v10;
	v13 =	vmin.f32 v9, v12  }
0xda: {  	s20 =	simm.s32 $0x20;
	v9 =	vimm.f32 $3.000000010e+38;
	v17, _, _ =	vpop (xrf1);
	v10 =	vimm.f32 $3.000000010e+38;
	(xrf1) =	vsort.ascd.msk.f32 $0xffff, v8, v8;
	v8 =	vimm.f32 $3.000000010e+38  }
.LBB2_6:
0xdb: {  	p0 =	sne.s32 s20, $0x300;
	v14, _, _ =	vpop (xrf1);
	v15 =	vsub.f32 $0.0e+00, v15;
	v25 =	vmax.f32 v17, v12;
	v18 =	vmin.f32 v17, v12;
	(xrf1) =	vsort.ascd.msk.f32 $0xffff, v13, v13  }
0xdc: {  	v0 =	vsub.f32 $0.0e+00, v0;
	v13, _, _ =	vpop (xrf1);
	v19 =	vsub.f32 $0.0e+00, v25;
	(xrf1) =	vsort.ascd.msk.f32 $0xffff, v18, v18  }
0xdd: {  	v11 =	vsub.f32 $0.0e+00, v11;
	(xrf1) =	vsort.ascd.msk.f32 $0xffff, v15, v15;
	v12, _, _ =	vpop (xrf1)  }
0xde: {  	v15 =	vmax.f32 v12, v0;
	v0 =	vmin.f32 v12, v0;
	(xrf1) =	vsort.ascd.msk.f32 $0xffff, v19, v19;
	v12, _, _ =	vpop (xrf1)  }
0xdf: {  	v17, _, _ =	vpop (xrf1);
	v15 =	vsub.f32 $0.0e+00, v15;
	v25 =	vmax.f32 v12, v11;
	v18 =	vmin.f32 v12, v11;
	(xrf1) =	vsort.ascd.msk.f32 $0xffff, v0, v0  }
0xe0: {  	v9 =	vsub.f32 $0.0e+00, v9;
	v12, _, _ =	vpop (xrf1);
	v19 =	vsub.f32 $0.0e+00, v25;
	(xrf1) =	vsort.ascd.msk.f32 $0xffff, v18, v18  }
0xe1: {  	s19 =	sadd.s32 $0x80, s19;
	v10 =	vsub.f32 $0.0e+00, v10;
	(xrf1) =	vsort.ascd.msk.f32 $0xffff, v15, v15;
	v11, _, _ =	vpop (xrf1)  }
0xe2: {  	s21 =	sand.u32 $0x1C00, s19;
	v15 =	vmax.f32 v11, v9;
	v18 =	vmin.f32 v11, v9;
	(xrf1) =	vsort.ascd.msk.f32 $0xffff, v19, v19;
	v0, _, _ =	vpop (xrf1)  }
0xe3: {  	s22 =	sand.u32 $0x70, s20;
	s23 =	sadd.s32 s21, s14;
	v11, _, _ =	vpop (xrf1);
	v15 =	vsub.f32 $0.0e+00, v15;
	v25 =	vmax.f32 v0, v10;
	v0 =	vmin.f32 v0, v10;
	(xrf1) =	vsort.ascd.msk.f32 $0xffff, v18, v18  }
0xe4: {  	s21 =	sadd.s32 s21, s17;
	s23 =	sadd.s32 s22, s23;
	v18 =	vsub.f32 $0.0e+00, v8;
	v9, _, _ =	vpop (xrf1);
	v10 =	vsub.f32 $0.0e+00, v25;
	(xrf1) =	vsort.ascd.msk.f32 $0xffff, v0, v0  }
0xe5: {  	s21 =	sadd.s32 s22, s21;
	v0 =	vsub.f32 $0.0e+00, v7;
	v25 =	vld [tilespmem:s23+$0x0];
	(xrf1) =	vsort.ascd.msk.f32 $0xffff, v15, v15;
	v7, _, _ =	vpop (xrf1)  }
0xe6: {  	v15 =	vld [tilespmem:s21+$0x200];
	v26 =	vmax.f32 v7, v18;
	v7 =	vmin.f32 v7, v18;
	(xrf1) =	vsort.ascd.msk.f32 $0xffff, v10, v10;
	v8, _, _ =	vpop (xrf1)  }
0xe7: {  	v10 =	vld [tilespmem:s21+$0x280];
	v27, _, _ =	vpop (xrf1);
	v26 =	vsub.f32 $0.0e+00, v26;
	v28 =	vmax.f32 v8, v0;
	v0 =	vmin.f32 v8, v0;
	(xrf1) =	vsort.ascd.msk.f32 $0xffff, v7, v7  }
0xe8: {  	v19 =	vsub.f32 $0.0e+00, v11;
	v8, _, _ =	vpop (xrf1);
	v11 =	vsub.f32 $0.0e+00, v28;
	(xrf1) =	vsort.ascd.msk.f32 $0xffff, v0, v0  }
0xe9: {  	v0 =	vsub.f32 $0.0e+00, v14;
	v14, _, _ =	vpop (xrf1);
	(xrf1) =	vsort.ascd.msk.f32 $0xffff, v26, v26  }
0xea: {  	v26 =	vld [tilespmem:s21+$0x300];
	v18 =	vmax.f32 v14, v19;
	v14, _, _ =	vpop (xrf1);
	(xrf1) =	vsort.ascd.msk.f32 $0xffff, v11, v11  }
0xeb: {  	v15 =	vmul.f32 v15, v25;
	v11 =	vld [tilespmem:s21+$0x380];
	v0 =	vmax.f32 v14, v0;
	(xrf1) =	vsort.ascd.msk.f32 $0xffff, v18, v18;
	v7, _, _ =	vpop (xrf1)  }
0xec: {  	v9 =	vsub.f32 $0.0e+00, v9;
	v10 =	vmul.f32 v10, v25;
	(xrf1) =	vsort.ascd.msk.f32 $0xffff, v0, v0;
	v14, _, _ =	vpop (xrf1)  }
0xed: {  	v18 =	vsub.f32 $0.0e+00, v13;
	v24 =	vadd.f32 v15, v24;
	(xrf1) =	vsort.ascd.msk.f32 $0xffff, v15, v15;
	v13, _, _ =	vpop (xrf1)  }
0xee: {  	v16 =	vadd.f32 v10, v16;
	(xrf1) =	vsort.ascd.msk.f32 $0xffff, v10, v10;
	v9 =	vmax.f32 v13, v9;
	v13, _, _ =	vpop (xrf1)  }
0xef: {  	v26 =	vmul.f32 v26, v25;
	v13 =	vmax.f32 v13, v18;
	(xrf1) =	vsort.ascd.msk.f32 $0xffff, v9, v9;
	v0, _, _ =	vpop (xrf1)  }
0xf0: {  	v20 =	vsub.f32 $0.0e+00, v27;
	v25 =	vmul.f32 v11, v25;
	(xrf1) =	vsort.ascd.msk.f32 $0xffff, v13, v13;
	v11, _, _ =	vpop (xrf1)  }
0xf1: {  	v13 =	vsub.f32 $0.0e+00, v17;
	v6 =	vadd.f32 v26, v6;
	(xrf1) =	vsort.ascd.msk.f32 $0xffff, v26, v26;
	v17, _, _ =	vpop (xrf1)  }
0xf2: {  	v5 =	vadd.f32 v25, v5;
	(xrf1) =	vsort.ascd.msk.f32 $0xffff, v25, v25;
	v18 =	vmax.f32 v17, v20;
	v17, _, _ =	vpop (xrf1)  }
0xf3: {  	v15 =	vsub.f32 $0.0e+00, v15;
	v19 =	vmax.f32 v17, v13;
	(xrf1) =	vsort.ascd.msk.f32 $0xffff, v18, v18;
	v9, _, _ =	vpop (xrf1)  }
0xf4: {  	v17 =	vsub.f32 $0.0e+00, v10;
	v18 =	vsub.f32 $0.0e+00, v8;
	(xrf1) =	vsort.ascd.msk.f32 $0xffff, v19, v19;
	v10, _, _ =	vpop (xrf1)  }
0xf5: {  	v12 =	vsub.f32 $0.0e+00, v12;
	(xrf1) =	vsort.ascd.msk.f32 $0xffff, v15, v15;
	v13, _, _ =	vpop (xrf1)  }
.Ltmp1:
0xf6: {  	(xrf1) =	vsort.ascd.msk.f32 $0xffff, v17, v17;
	v17 =	vmax.f32 v13, v18;
	v13, _, _ =	vpop (xrf1);
	(pc) =	sbr.rel @p0 .LBB2_6-.Ltmp1, $4  }
0xf7: {  	v15 =	vsub.f32 $0.0e+00, v26;
	v12 =	vmax.f32 v13, v12;
	(xrf1) =	vsort.ascd.msk.f32 $0xffff, v17, v17;
	v8, _, _ =	vpop (xrf1)  }
0xf8: {  	v18 =	vsub.f32 $0.0e+00, v7;
	v13 =	vsub.f32 $0.0e+00, v25;
	(xrf1) =	vsort.ascd.msk.f32 $0xffff, v12, v12;
	v7, _, _ =	vpop (xrf1)  }
0xf9: {  	v12 =	vsub.f32 $0.0e+00, v14;
	(xrf1) =	vsort.ascd.msk.f32 $0xffff, v15, v15;
	v14, _, _ =	vpop (xrf1)  }
0xfa: {  	s20 =	sadd.s32 $0x10, s20;
	(xrf1) =	vsort.ascd.msk.f32 $0xffff, v13, v13;
	v15 =	vmax.f32 v14, v18;
	v13 =	vmin.f32 v14, v18;
	v17, _, _ =	vpop (xrf1)  }
0xfb: {  	v25 =	vmax.f32 v17, v12;
	v12 =	vmin.f32 v17, v12  }
0xfc: {  	v14, _, _ =	vpop (xrf1);
	v15 =	vsub.f32 $0.0e+00, v15  }
0xfd: {  	(xrf1) =	vsort.ascd.msk.f32 $0xffff, v13, v13;
	v0 =	vsub.f32 $0.0e+00, v0;
	v13, _, _ =	vpop (xrf1);
	v17 =	vsub.f32 $0.0e+00, v25  }
0xfe: {  	v11 =	vsub.f32 $0.0e+00, v11;
	(xrf1) =	vsort.ascd.msk.f32 $0xffff, v12, v12;
	v12, _, _ =	vpop (xrf1)  }
0xff: {  	(xrf1) =	vsort.ascd.msk.f32 $0xffff, v15, v15;
	v15 =	vmax.f32 v12, v0;
	v0 =	vmin.f32 v12, v0;
	v12, _, _ =	vpop (xrf1)  }
0x100: {  	v25 =	vmax.f32 v12, v11;
	v11 =	vmin.f32 v12, v11  }
0x101: {  	v9 =	vsub.f32 $0.0e+00, v9;
	(xrf1) =	vsort.ascd.msk.f32 $0xffff, v17, v17;
	v17, _, _ =	vpop (xrf1)  }
0x102: {  	v15 =	vsub.f32 $0.0e+00, v15;
	(xrf1) =	vsort.ascd.msk.f32 $0xffff, v0, v0;
	v12 =	vsub.f32 $0.0e+00, v25;
	v0, _, _ =	vpop (xrf1)  }
0x103: {  	v10 =	vsub.f32 $0.0e+00, v10;
	(xrf1) =	vsort.ascd.msk.f32 $0xffff, v11, v11;
	v11, _, _ =	vpop (xrf1)  }
0x104: {  	(xrf1) =	vsort.ascd.msk.f32 $0xffff, v15, v15;
	v15 =	vmax.f32 v11, v9;
	v9 =	vmin.f32 v11, v9;
	v11, _, _ =	vpop (xrf1)  }
0x105: {  	v25 =	vmax.f32 v11, v10;
	v10 =	vmin.f32 v11, v10  }
0x106: {  	(xrf1) =	vsort.ascd.msk.f32 $0xffff, v12, v12;
	v12, _, _ =	vpop (xrf1);
	v11 =	vsub.f32 $0.0e+00, v25  }
0x107: {  	v8 =	vsub.f32 $0.0e+00, v8;
	v15 =	vsub.f32 $0.0e+00, v15;
	(xrf1) =	vsort.ascd.msk.f32 $0xffff, v9, v9;
	v9, _, _ =	vpop (xrf1)  }
0x108: {  	(xrf1) =	vsort.ascd.msk.f32 $0xffff, v10, v10;
	v10, _, _ =	vpop (xrf1)  }
0x109: {  	v7 =	vsub.f32 $0.0e+00, v7;
	(xrf1) =	vsort.ascd.msk.f32 $0xffff, v15, v15;
	v15 =	vmax.f32 v10, v8;
	v8 =	vmin.f32 v10, v8;
	v10, _, _ =	vpop (xrf1)  }
0x10a: {  	(xrf1) =	vsort.ascd.msk.f32 $0xffff, v11, v11;
	v11, _, _ =	vpop (xrf1)  }
0x10b: {  	v25 =	vmax.f32 v10, v7;
	v7 =	vmin.f32 v10, v7;
	(xrf1) =	vsort.ascd.msk.f32 $0xffff, v8, v8;
	v8 =	vsub.f32 $0.0e+00, v12;
	v10, _, _ =	vpop (xrf1)  }
0x10c: {  	v15 =	vsub.f32 $0.0e+00, v15;
	(xrf1) =	vsort.ascd.msk.f32 $0xffff, v7, v7;
	v7 =	vsub.f32 $0.0e+00, v14;
	v14, _, _ =	vpop (xrf1)  }
0x10d: {  	v12 =	vsub.f32 $0.0e+00, v25;
	v8 =	vmax.f32 v14, v8;
	v14, _, _ =	vpop (xrf1)  }
0x10e: {  	(xrf1) =	vsort.ascd.msk.f32 $0xffff, v15, v15;
	v7 =	vmax.f32 v14, v7  }
0x10f: {  	(xrf1) =	vsort.ascd.msk.f32 $0xffff, v12, v12  }
0x110: {  	(xrf1) =	vsort.ascd.msk.f32 $0xffff, v8, v8;
	v8, _, _ =	vpop (xrf1)  }
0x111: {  	v9 =	vsub.f32 $0.0e+00, v9;
	(xrf1) =	vsort.ascd.msk.f32 $0xffff, v7, v7;
	v7, _, _ =	vpop (xrf1)  }
0x112: {  	v12 =	vsub.f32 $0.0e+00, v13;
	v13, _, _ =	vpop (xrf1)  }
0x113: {  	v9 =	vmax.f32 v13, v9;
	v13, _, _ =	vpop (xrf1)  }
0x114: {  	v12 =	vmax.f32 v13, v12;
	_ =	sdelay $0x1  }
0x115: {  	(xrf1) =	vsort.ascd.msk.f32 $0xffff, v9, v9;
	v9, _, _ =	vpop (xrf1)  }
0x116: {  	v11 =	vsub.f32 $0.0e+00, v11;
	(xrf1) =	vsort.ascd.msk.f32 $0xffff, v12, v12;
	v12, _, _ =	vpop (xrf1)  }
0x117: {  	v13 =	vsub.f32 $0.0e+00, v17;
	v14, _, _ =	vpop (xrf1)  }
0x118: {  	v11 =	vmax.f32 v14, v11;
	v14, _, _ =	vpop (xrf1)  }
0x119: {  	v13 =	vmax.f32 v14, v13;
	_ =	sdelay $0x1  }
0x11a: {  	(xrf1) =	vsort.ascd.msk.f32 $0xffff, v11, v11;
	v11, _, _ =	vpop (xrf1)  }
0x11b: {  	v10 =	vsub.f32 $0.0e+00, v10;
	(xrf1) =	vsort.ascd.msk.f32 $0xffff, v13, v13;
	v13, _, _ =	vpop (xrf1)  }
0x11c: {  	v0 =	vsub.f32 $0.0e+00, v0;
	v14, _, _ =	vpop (xrf1)  }
0x11d: {  	v10 =	vmax.f32 v14, v10;
	v14, _, _ =	vpop (xrf1)  }
0x11e: {  	v0 =	vmax.f32 v14, v0;
	_ =	sdelay $0x1  }
0x11f: {  	(xrf1) =	vsort.ascd.msk.f32 $0xffff, v10, v10;
	v10, _, _ =	vpop (xrf1)  }
0x120: {  	v8 =	vsub.f32 $0.0e+00, v8;
	(xrf1) =	vsort.ascd.msk.f32 $0xffff, v0, v0;
	v0, _, _ =	vpop (xrf1)  }
0x121: {  	v7 =	vsub.f32 $0.0e+00, v7;
	v14, _, _ =	vpop (xrf1)  }
0x122: {  	v15 =	vmax.f32 v14, v8;
	v8 =	vmin.f32 v14, v8;
	v14, _, _ =	vpop (xrf1)  }
0x123: {  	v17 =	vmax.f32 v14, v7  }
0x124: {  	(xrf1) =	vsort.ascd.msk.f32 $0xffff, v8, v8;
	v8 =	vsub.f32 $0.0e+00, v17  }
0x125: {  	v15 =	vsub.f32 $0.0e+00, v15;
	v7 =	vmin.f32 v14, v7  }
0x126: {  	v9 =	vsub.f32 $0.0e+00, v9;
	(xrf1) =	vsort.ascd.msk.f32 $0xffff, v7, v7  }
0x127: {  	v7 =	vsub.f32 $0.0e+00, v12;
	v12, _, _ =	vpop (xrf1);
	(xrf1) =	vsort.ascd.msk.f32 $0xffff, v15, v15  }
0x128: {  	v14 =	vmax.f32 v12, v9;
	(xrf1) =	vsort.ascd.msk.f32 $0xffff, v8, v8;
	v8, _, _ =	vpop (xrf1)  }
0x129: {  	v9 =	vmin.f32 v12, v9;
	v12 =	vsub.f32 $0.0e+00, v14;
	v14 =	vmax.f32 v8, v7  }
0x12a: {  	v7 =	vmin.f32 v8, v7;
	v8 =	vsub.f32 $0.0e+00, v14  }
0x12b: {  	(xrf1) =	vsort.ascd.msk.f32 $0xffff, v9, v9  }
0x12c: {  	v9 =	vsub.f32 $0.0e+00, v11;
	(xrf1) =	vsort.ascd.msk.f32 $0xffff, v7, v7  }
0x12d: {  	s19 =	simm.s32 $0x0;
	v11, _, _ =	vpop (xrf1);
	v7 =	vsub.f32 $0.0e+00, v13;
	(xrf1) =	vsort.ascd.msk.f32 $0xffff, v12, v12  }
0x12e: {  	s20 =	sand.u32 $0x1C00, s19;
	v12 =	vmax.f32 v11, v9;
	(xrf1) =	vsort.ascd.msk.f32 $0xffff, v8, v8;
	v8, _, _ =	vpop (xrf1)  }
0x12f: {  	s21 =	sand.u32 $0x70, s19;
	s25 =	sadd.s32 s20, s14;
	v9 =	vmin.f32 v11, v9;
	v11 =	vsub.f32 $0.0e+00, v12;
	v12 =	vmax.f32 v8, v7  }
0x130: {  	s18 =	sadd.s32 $0x8C00, s18;
	s26 =	sadd.s32 s20, s17;
	s19 =	sadd.s32 s21, s25;
	(xrf1) =	vsort.ascd.msk.f32 $0xffff, v9, v9;
	v9 =	vsub.f32 $0.0e+00, v12  }
0x131: {  	[dreg:$0x3] =	wrdreg s18;
	s18 =	sadd.s32 s21, s26;
	v7 =	vmin.f32 v8, v7;
	v8 =	vld [tilespmem:s19+$0x0]  }
0x132: {  	s22 =	rddreg [dreg:$0x3];
	v10 =	vsub.f32 $0.0e+00, v10;
	(xrf1) =	vsort.ascd.msk.f32 $0xffff, v7, v7;
	v7 =	vld [tilespmem:s18+$0x1C80]  }
0x133: {  	s20 =	sadd.s32 s20, s22;
	v0 =	vsub.f32 $0.0e+00, v0;
	v12 =	vld [tilespmem:s18+$0x1D00];
	(xrf1) =	vsort.ascd.msk.f32 $0xffff, v11, v11;
	v11, _, _ =	vpop (xrf1)  }
0x134: {  	s20 =	sadd.s32 s21, s20;
	v13 =	vmax.f32 v11, v10;
	v10 =	vmin.f32 v11, v10;
	(xrf1) =	vsort.ascd.msk.f32 $0xffff, v9, v9;
	v11 =	vld [tilespmem:s18+$0x1D80];
	v9, _, _ =	vpop (xrf1)  }
0x135: {  	v13 =	vsub.f32 $0.0e+00, v13;
	(xrf1) =	vsort.ascd.msk.f32 $0xffff, v10, v10;
	v14 =	vmax.f32 v9, v0;
	v0 =	vmin.f32 v9, v0;
	v9 =	vld [tilespmem:s20+$0x0]  }
0x136: {  	v10 =	vsub.f32 $0.0e+00, v14;
	(xrf1) =	vsort.ascd.msk.f32 $0xffff, v0, v0  }
0x137: {  	v41, _, _ =	vpop (xrf1);
	v0 =	vmul.f32 v7, v8;
	(xrf1) =	vsort.ascd.msk.f32 $0xffff, v13, v13  }
0x138: {  	v39, _, _ =	vpop (xrf1);
	v7 =	vmul.f32 v12, v8;
	(xrf1) =	vsort.ascd.msk.f32 $0xffff, v10, v10  }
0x139: {  	v44, _, _ =	vpop (xrf1);
	v10 =	vmul.f32 v11, v8;
	(xrf1) =	vsort.ascd.msk.f32 $0xffff, v0, v0  }
0x13a: {  	v43, _, _ =	vpop (xrf1);
	(xrf1) =	vsort.ascd.msk.f32 $0xffff, v7, v7;
	v8 =	vmul.f32 v9, v8  }
0x13b: {  	v38, _, _ =	vpop (xrf1);
	v9 =	vsub.f32 $0.0e+00, v0;
	(xrf1) =	vsort.ascd.msk.f32 $0xffff, v10, v10  }
0x13c: {  	v11 =	vsub.f32 $0.0e+00, v7;
	v37, _, _ =	vpop (xrf1);
	(xrf1) =	vsort.ascd.msk.f32 $0xffff, v8, v8  }
0x13d: {  	v42, _, _ =	vpop (xrf1);
	(xrf1) =	vsort.ascd.msk.f32 $0xffff, v9, v9;
	v9 =	vsub.f32 $0.0e+00, v8  }
0x13e: {  	v40, _, _ =	vpop (xrf1);
	(xrf1) =	vsort.ascd.msk.f32 $0xffff, v11, v11  }
0x13f: {  	v34, _, _ =	vpop (xrf1);
	(xrf1) =	vsort.ascd.msk.f32 $0xffff, v9, v9  }
0x140: {  	v32, _, _ =	vpop (xrf1)  }
0x141: {  	v36, _, _ =	vpop (xrf1)  }
0x142: {  	v33, _, _ =	vpop (xrf1)  }
0x143: {  	v30, _, _ =	vpop (xrf1)  }
0x144: {  	v28, _, _ =	vpop (xrf1)  }
0x145: {  	v31, _, _ =	vpop (xrf1)  }
0x146: {  	v11 =	vsub.f32 $0.0e+00, v10;
	v29, _, _ =	vpop (xrf1)  }
0x147: {  	s21 =	simm.s32 $0x80;
	v9, _, _ =	vpop (xrf1)  }
0x148: {  	s28 =	simm.s32 $0x10;
	s29 =	sand.u32 $0x1C00, s21;
	v12, _, _ =	vpop (xrf1)  }
0x149: {  	s23 =	sadd.s32 s29, s14;
	s20 =	sand.u32 $0x70, s28;
	v13, _, _ =	vpop (xrf1)  }
0x14a: {  	s24 =	sadd.s32 s29, s17;
	s23 =	sadd.s32 s20, s23;
	(xrf1) =	vsort.ascd.msk.f32 $0xffff, v11, v11;
	v11, _, _ =	vpop (xrf1)  }
0x14b: {  	s30 =	sadd.s32 s20, s24;
	v15 =	vld [tilespmem:s23+$0x0];
	v14, _, _ =	vpop (xrf1)  }
0x14c: {  	v25 =	vld [tilespmem:s30+$0x1C80];
	v17, _, _ =	vpop (xrf1)  }
0x14d: {  	s31 =	rddreg [dreg:$0x3];
	v26 =	vld [tilespmem:s30+$0x1D00];
	v27, _, _ =	vpop (xrf1)  }
0x14e: {  	s22 =	sadd.s32 s29, s31;
	v27 =	vsub.f32 $0.0e+00, v27  }
0x14f: {  	v45 =	vimm.f32 $-3.000000010e+38;
	v46 =	vimm.f32 $0.0e+00;
	s22 =	sadd.s32 s20, s22;
	v35 =	vld [tilespmem:s30+$0x1D80];
	v11 =	vsub.f32 $0.0e+00, v11  }
0x150: {  	v47 =	vld [tilespmem:s22+$0x0];
	v0 =	vadd.f32 v0, v46;
	v7 =	vadd.f32 v7, v46;
	v27 =	vmax.f32 v45, v27  }
0x151: {  	v48 =	vmul.f32 v25, v15;
	v9 =	vsub.f32 $0.0e+00, v9;
	v11 =	vmax.f32 v45, v11;
	(xrf1) =	vsort.ascd.msk.f32 $0xffff, v27, v27  }
0x152: {  	v49 =	vmul.f32 v26, v15;
	v8 =	vadd.f32 v8, v46;
	v14 =	vsub.f32 $0.0e+00, v14;
	(xrf1) =	vsort.ascd.msk.f32 $0xffff, v11, v11  }
0x153: {  	v10 =	vadd.f32 v10, v46;
	v9 =	vmax.f32 v45, v9;
	(xrf1) =	vsort.ascd.msk.f32 $0xffff, v48, v48  }
0x154: {  	v27 =	vadd.f32 v48, v0;
	v11 =	vmax.f32 v45, v14;
	(xrf1) =	vsort.ascd.msk.f32 $0xffff, v49, v49  }
0x155: {  	v0 =	vmul.f32 v47, v15;
	v14 =	vmul.f32 v35, v15;
	(xrf1) =	vsort.ascd.msk.f32 $0xffff, v11, v11  }
0x156: {  	v26 =	vadd.f32 v49, v7;
	v11 =	vsub.f32 $0.0e+00, v17;
	(xrf1) =	vsort.ascd.msk.f32 $0xffff, v9, v9  }
0x157: {  	v7 =	vsub.f32 $0.0e+00, v12;
	v35 =	vadd.f32 v0, v8;
	(xrf1) =	vsort.ascd.msk.f32 $0xffff, v14, v14  }
0x158: {  	v8 =	vsub.f32 $0.0e+00, v49;
	v25 =	vadd.f32 v14, v10;
	v9, _, _ =	vpop (xrf1);
	v10 =	vmax.f32 v45, v11;
	(xrf1) =	vsort.ascd.msk.f32 $0xffff, v0, v0  }
0x159: {  	v12 =	vmax.f32 v45, v7;
	v15 =	vsub.f32 $0.0e+00, v0;
	v11 =	vsub.f32 $0.0e+00, v48;
	(xrf1) =	vsort.ascd.msk.f32 $0xffff, v10, v10  }
0x15a: {  	v7 =	vimm.f32 $3.000000010e+38;
	v47 =	vsub.f32 $0.0e+00, v14;
	v9 =	vsub.f32 $0.0e+00, v9;
	(xrf1) =	vsort.ascd.msk.f32 $0xffff, v12, v12  }
0x15b: {  	v17 =	vsub.f32 $0.0e+00, v7;
	v10 =	vsub.f32 $0.0e+00, v13;
	(xrf1) =	vsort.ascd.msk.f32 $0xffff, v11, v11  }
0x15c: {  	v13 =	vimm.f32 $3.000000010e+38;
	v9 =	vmax.f32 v45, v9;
	v12 =	vimm.f32 $3.000000010e+38;
	(xrf1) =	vsort.ascd.msk.f32 $0xffff, v8, v8  }
0x15d: {  	v0 =	vmax.f32 v45, v10;
	v11 =	vimm.f32 $3.000000010e+38;
	v10 =	vimm.f32 $3.000000010e+38;
	(xrf1) =	vsort.ascd.msk.f32 $0xffff, v9, v9  }
0x15e: {  	s22 =	simm.s32 $0x20;
	v8 =	vimm.f32 $3.000000010e+38;
	v9 =	vimm.f32 $3.000000010e+38;
	(xrf1) =	vsort.ascd.msk.f32 $0xffff, v0, v0;
	v0 =	vimm.f32 $3.000000010e+38  }
.LBB2_8:
0x15f: {  	_ = 	snop  }
0x160: {  	v13 =	vsub.f32 $0.0e+00, v13;
	v14, _, _ =	vpop (xrf1);
	(xrf1) =	vsort.ascd.msk.f32 $0xffff, v15, v15  }
0x161: {  	v15 =	vmax.f32 v14, v17;
	v18 =	vmin.f32 v14, v17;
	v17, _, _ =	vpop (xrf1);
	(xrf1) =	vsort.ascd.msk.f32 $0xffff, v47, v47  }
0x162: {  	v55, _, _ =	vpop (xrf1);
	v15 =	vsub.f32 $0.0e+00, v15;
	v48 =	vmax.f32 v17, v13;
	v19 =	vmin.f32 v17, v13;
	(xrf1) =	vsort.ascd.msk.f32 $0xffff, v18, v18  }
0x163: {  	v11 =	vsub.f32 $0.0e+00, v11;
	v14, _, _ =	vpop (xrf1);
	v18 =	vsub.f32 $0.0e+00, v48;
	(xrf1) =	vsort.ascd.msk.f32 $0xffff, v19, v19  }
0x164: {  	v12 =	vsub.f32 $0.0e+00, v12;
	v13, _, _ =	vpop (xrf1);
	(xrf1) =	vsort.ascd.msk.f32 $0xffff, v15, v15  }
0x165: {  	v15 =	vmax.f32 v13, v11;
	v19 =	vmin.f32 v13, v11;
	v13, _, _ =	vpop (xrf1);
	(xrf1) =	vsort.ascd.msk.f32 $0xffff, v18, v18  }
0x166: {  	v17, _, _ =	vpop (xrf1);
	v15 =	vsub.f32 $0.0e+00, v15;
	v56 =	vmax.f32 v13, v12;
	v18 =	vmin.f32 v13, v12;
	(xrf1) =	vsort.ascd.msk.f32 $0xffff, v19, v19  }
0x167: {  	v9 =	vsub.f32 $0.0e+00, v9;
	v11, _, _ =	vpop (xrf1);
	v19 =	vsub.f32 $0.0e+00, v56;
	(xrf1) =	vsort.ascd.msk.f32 $0xffff, v18, v18  }
0x168: {  	s21 =	sadd.s32 $0x80, s21;
	v10 =	vsub.f32 $0.0e+00, v10;
	v12, _, _ =	vpop (xrf1);
	(xrf1) =	vsort.ascd.msk.f32 $0xffff, v15, v15  }
0x169: {  	s23 =	sand.u32 $0x1C00, s21;
	v15 =	vmax.f32 v12, v9;
	v18 =	vmin.f32 v12, v9;
	v12, _, _ =	vpop (xrf1);
	(xrf1) =	vsort.ascd.msk.f32 $0xffff, v19, v19  }
0x16a: {  	s24 =	sand.u32 $0x70, s22;
	s26 =	sadd.s32 s23, s17;
	v13, _, _ =	vpop (xrf1);
	v19 =	vsub.f32 $0.0e+00, v15;
	v57 =	vmax.f32 v12, v10;
	v10 =	vmin.f32 v12, v10;
	(xrf1) =	vsort.ascd.msk.f32 $0xffff, v18, v18  }
0x16b: {  	v0 =	vsub.f32 $0.0e+00, v0;
	s25 =	sadd.s32 s23, s14;
	s30 =	sadd.s32 s24, s26;
	v9, _, _ =	vpop (xrf1);
	v18 =	vsub.f32 $0.0e+00, v57;
	(xrf1) =	vsort.ascd.msk.f32 $0xffff, v10, v10  }
0x16c: {  	v8 =	vsub.f32 $0.0e+00, v8;
	s25 =	sadd.s32 s24, s25;
	v58 =	vld [tilespmem:s30+$0x1C80];
	v15, _, _ =	vpop (xrf1);
	(xrf1) =	vsort.ascd.msk.f32 $0xffff, v19, v19  }
0x16d: {  	v10 =	vld [tilespmem:s25+$0x0];
	v49 =	vmax.f32 v15, v0;
	v0 =	vmin.f32 v15, v0;
	v12, _, _ =	vpop (xrf1);
	(xrf1) =	vsort.ascd.msk.f32 $0xffff, v18, v18  }
0x16e: {  	v15 =	vld [tilespmem:s30+$0x1D00];
	v49 =	vsub.f32 $0.0e+00, v49;
	v51 =	vmax.f32 v12, v8;
	v8 =	vmin.f32 v12, v8;
	v50, _, _ =	vpop (xrf1);
	(xrf1) =	vsort.ascd.msk.f32 $0xffff, v0, v0  }
0x16f: {  	s31 =	rddreg [dreg:$0x3];
	v12 =	vsub.f32 $0.0e+00, v51;
	v0 =	vsub.f32 $0.0e+00, v50;
	v59, _, _ =	vpop (xrf1);
	(xrf1) =	vsort.ascd.msk.f32 $0xffff, v8, v8  }
0x170: {  	s23 =	sadd.s32 s23, s31;
	v8 =	vsub.f32 $0.0e+00, v11;
	v11, _, _ =	vpop (xrf1);
	(xrf1) =	vsort.ascd.msk.f32 $0xffff, v49, v49  }
0x171: {  	s23 =	sadd.s32 s24, s23;
	v60 =	vld [tilespmem:s30+$0x1D80];
	v0 =	vmax.f32 v11, v0;
	v11, _, _ =	vpop (xrf1);
	(xrf1) =	vsort.ascd.msk.f32 $0xffff, v12, v12  }
0x172: {  	v48 =	vmul.f32 v58, v10;
	v12 =	vld [tilespmem:s23+$0x0];
	v8 =	vmax.f32 v11, v8;
	(xrf1) =	vsort.ascd.msk.f32 $0xffff, v0, v0;
	v61, _, _ =	vpop (xrf1)  }
0x173: {  	v19 =	vsub.f32 $0.0e+00, v13;
	v0 =	vmul.f32 v15, v10;
	(xrf1) =	vsort.ascd.msk.f32 $0xffff, v8, v8;
	v13, _, _ =	vpop (xrf1)  }
0x174: {  	v8 =	vsub.f32 $0.0e+00, v55;
	(xrf1) =	vsort.ascd.msk.f32 $0xffff, v48, v48;
	v15, _, _ =	vpop (xrf1)  }
0x175: {  	(xrf1) =	vsort.ascd.msk.f32 $0xffff, v0, v0;
	v18 =	vmax.f32 v15, v19;
	v15, _, _ =	vpop (xrf1)  }
0x176: {  	v62 =	vmul.f32 v60, v10;
	v8 =	vmax.f32 v15, v8;
	(xrf1) =	vsort.ascd.msk.f32 $0xffff, v18, v18;
	v11, _, _ =	vpop (xrf1)  }
0x177: {  	v20 =	vsub.f32 $0.0e+00, v9;
	v15 =	vmul.f32 v12, v10;
	(xrf1) =	vsort.ascd.msk.f32 $0xffff, v8, v8;
	v12, _, _ =	vpop (xrf1)  }
0x178: {  	v8 =	vsub.f32 $0.0e+00, v14;
	(xrf1) =	vsort.ascd.msk.f32 $0xffff, v62, v62;
	v10, _, _ =	vpop (xrf1)  }
0x179: {  	(xrf1) =	vsort.ascd.msk.f32 $0xffff, v15, v15;
	v18 =	vmax.f32 v10, v20;
	v10, _, _ =	vpop (xrf1)  }
0x17a: {  	p0 =	sne.s32 s22, $0x300;
	v63 =	vsub.f32 $0.0e+00, v59;
	v19 =	vsub.f32 $0.0e+00, v48;
	v8 =	vmax.f32 v10, v8;
	(xrf1) =	vsort.ascd.msk.f32 $0xffff, v18, v18;
	v9, _, _ =	vpop (xrf1)  }
.Ltmp2:
0x17b: {  	v27 =	vadd.f32 v48, v27;
	v18 =	vsub.f32 $0.0e+00, v0;
	(xrf1) =	vsort.ascd.msk.f32 $0xffff, v8, v8;
	v10, _, _ =	vpop (xrf1);
	(pc) =	sbr.rel @p0 .LBB2_8-.Ltmp2, $4  }
0x17c: {  	v25 =	vadd.f32 v62, v25;
	(xrf1) =	vsort.ascd.msk.f32 $0xffff, v19, v19;
	v19 =	vsub.f32 $0.0e+00, v17;
	v14, _, _ =	vpop (xrf1)  }
0x17d: {  	v26 =	vadd.f32 v0, v26;
	(xrf1) =	vsort.ascd.msk.f32 $0xffff, v18, v18;
	v17 =	vmax.f32 v14, v63;
	v14, _, _ =	vpop (xrf1)  }
0x17e: {  	v47 =	vsub.f32 $0.0e+00, v62;
	v35 =	vadd.f32 v15, v35;
	v14 =	vmax.f32 v14, v19;
	(xrf1) =	vsort.ascd.msk.f32 $0xffff, v17, v17;
	v0, _, _ =	vpop (xrf1)  }
0x17f: {  	s22 =	sadd.s32 $0x10, s22;
	v15 =	vsub.f32 $0.0e+00, v15;
	v17 =	vsub.f32 $0.0e+00, v61;
	(xrf1) =	vsort.ascd.msk.f32 $0xffff, v14, v14;
	v8, _, _ =	vpop (xrf1)  }
0x180: {  	v13 =	vsub.f32 $0.0e+00, v13;
	v14, _, _ =	vpop (xrf1)  }
0x181: {  	(xrf1) =	vsort.ascd.msk.f32 $0xffff, v15, v15;
	v15 =	vmax.f32 v14, v17;
	v14 =	vmin.f32 v14, v17;
	v17, _, _ =	vpop (xrf1)  }
0x182: {  	v48 =	vmax.f32 v17, v13;
	v13 =	vmin.f32 v17, v13  }
0x183: {  	v11 =	vsub.f32 $0.0e+00, v11;
	(xrf1) =	vsort.ascd.msk.f32 $0xffff, v47, v47;
	v59, _, _ =	vpop (xrf1)  }
0x184: {  	v15 =	vsub.f32 $0.0e+00, v15;
	(xrf1) =	vsort.ascd.msk.f32 $0xffff, v14, v14;
	v17 =	vsub.f32 $0.0e+00, v48;
	v14, _, _ =	vpop (xrf1)  }
0x185: {  	v12 =	vsub.f32 $0.0e+00, v12;
	(xrf1) =	vsort.ascd.msk.f32 $0xffff, v13, v13;
	v13, _, _ =	vpop (xrf1)  }
0x186: {  	(xrf1) =	vsort.ascd.msk.f32 $0xffff, v15, v15;
	v15 =	vmax.f32 v13, v11;
	v11 =	vmin.f32 v13, v11;
	v13, _, _ =	vpop (xrf1)  }
0x187: {  	v60 =	vmax.f32 v13, v12;
	v12 =	vmin.f32 v13, v12  }
0x188: {  	v9 =	vsub.f32 $0.0e+00, v9;
	(xrf1) =	vsort.ascd.msk.f32 $0xffff, v17, v17;
	v17, _, _ =	vpop (xrf1)  }
0x189: {  	v15 =	vsub.f32 $0.0e+00, v15;
	(xrf1) =	vsort.ascd.msk.f32 $0xffff, v11, v11;
	v13 =	vsub.f32 $0.0e+00, v60;
	v11, _, _ =	vpop (xrf1)  }
0x18a: {  	v10 =	vsub.f32 $0.0e+00, v10;
	(xrf1) =	vsort.ascd.msk.f32 $0xffff, v12, v12;
	v12, _, _ =	vpop (xrf1)  }
0x18b: {  	(xrf1) =	vsort.ascd.msk.f32 $0xffff, v15, v15;
	v15 =	vmax.f32 v12, v9;
	v9 =	vmin.f32 v12, v9;
	v12, _, _ =	vpop (xrf1)  }
0x18c: {  	v61 =	vmax.f32 v12, v10;
	v10 =	vmin.f32 v12, v10  }
0x18d: {  	(xrf1) =	vsort.ascd.msk.f32 $0xffff, v13, v13;
	v13, _, _ =	vpop (xrf1);
	v12 =	vsub.f32 $0.0e+00, v61  }
0x18e: {  	v0 =	vsub.f32 $0.0e+00, v0;
	v15 =	vsub.f32 $0.0e+00, v15;
	(xrf1) =	vsort.ascd.msk.f32 $0xffff, v9, v9;
	v9, _, _ =	vpop (xrf1)  }
0x18f: {  	(xrf1) =	vsort.ascd.msk.f32 $0xffff, v10, v10;
	v10, _, _ =	vpop (xrf1)  }
0x190: {  	v8 =	vsub.f32 $0.0e+00, v8;
	(xrf1) =	vsort.ascd.msk.f32 $0xffff, v15, v15;
	v15 =	vmax.f32 v10, v0;
	v0 =	vmin.f32 v10, v0;
	v10, _, _ =	vpop (xrf1)  }
0x191: {  	(xrf1) =	vsort.ascd.msk.f32 $0xffff, v12, v12;
	v12, _, _ =	vpop (xrf1)  }
0x192: {  	v62 =	vmax.f32 v10, v8;
	v8 =	vmin.f32 v10, v8;
	(xrf1) =	vsort.ascd.msk.f32 $0xffff, v0, v0;
	v0 =	vsub.f32 $0.0e+00, v12;
	v10, _, _ =	vpop (xrf1)  }
0x193: {  	v15 =	vsub.f32 $0.0e+00, v15;
	(xrf1) =	vsort.ascd.msk.f32 $0xffff, v8, v8;
	v8 =	vsub.f32 $0.0e+00, v11;
	v11, _, _ =	vpop (xrf1)  }
0x194: {  	v12 =	vsub.f32 $0.0e+00, v62;
	v0 =	vmax.f32 v11, v0;
	v11, _, _ =	vpop (xrf1)  }
0x195: {  	(xrf1) =	vsort.ascd.msk.f32 $0xffff, v15, v15;
	v8 =	vmax.f32 v11, v8  }
0x196: {  	(xrf1) =	vsort.ascd.msk.f32 $0xffff, v12, v12  }
0x197: {  	(xrf1) =	vsort.ascd.msk.f32 $0xffff, v0, v0;
	v0, _, _ =	vpop (xrf1)  }
0x198: {  	v11 =	vsub.f32 $0.0e+00, v13;
	(xrf1) =	vsort.ascd.msk.f32 $0xffff, v8, v8;
	v8, _, _ =	vpop (xrf1)  }
0x199: {  	v12 =	vsub.f32 $0.0e+00, v59;
	v13, _, _ =	vpop (xrf1)  }
0x19a: {  	v11 =	vmax.f32 v13, v11;
	v13, _, _ =	vpop (xrf1)  }
0x19b: {  	v12 =	vmax.f32 v13, v12;
	_ =	sdelay $0x1  }
0x19c: {  	(xrf1) =	vsort.ascd.msk.f32 $0xffff, v11, v11;
	v11, _, _ =	vpop (xrf1)  }
0x19d: {  	v9 =	vsub.f32 $0.0e+00, v9;
	(xrf1) =	vsort.ascd.msk.f32 $0xffff, v12, v12;
	v12, _, _ =	vpop (xrf1)  }
0x19e: {  	v13 =	vsub.f32 $0.0e+00, v14;
	v14, _, _ =	vpop (xrf1)  }
0x19f: {  	v9 =	vmax.f32 v14, v9;
	v14, _, _ =	vpop (xrf1)  }
0x1a0: {  	v13 =	vmax.f32 v14, v13;
	_ =	sdelay $0x1  }
0x1a1: {  	(xrf1) =	vsort.ascd.msk.f32 $0xffff, v9, v9;
	v9, _, _ =	vpop (xrf1)  }
0x1a2: {  	v10 =	vsub.f32 $0.0e+00, v10;
	(xrf1) =	vsort.ascd.msk.f32 $0xffff, v13, v13;
	v13, _, _ =	vpop (xrf1)  }
0x1a3: {  	v14 =	vsub.f32 $0.0e+00, v17;
	v15, _, _ =	vpop (xrf1)  }
0x1a4: {  	v10 =	vmax.f32 v15, v10;
	v15, _, _ =	vpop (xrf1)  }
0x1a5: {  	v14 =	vmax.f32 v15, v14;
	_ =	sdelay $0x1  }
0x1a6: {  	(xrf1) =	vsort.ascd.msk.f32 $0xffff, v10, v10;
	v10, _, _ =	vpop (xrf1)  }
0x1a7: {  	v0 =	vsub.f32 $0.0e+00, v0;
	(xrf1) =	vsort.ascd.msk.f32 $0xffff, v14, v14;
	v14, _, _ =	vpop (xrf1)  }
0x1a8: {  	v8 =	vsub.f32 $0.0e+00, v8;
	v15, _, _ =	vpop (xrf1)  }
0x1a9: {  	v17 =	vmax.f32 v15, v0;
	v0 =	vmin.f32 v15, v0;
	v15, _, _ =	vpop (xrf1)  }
0x1aa: {  	v63 =	vmax.f32 v15, v8  }
0x1ab: {  	(xrf1) =	vsort.ascd.msk.f32 $0xffff, v0, v0;
	v0 =	vsub.f32 $0.0e+00, v63  }
0x1ac: {  	v17 =	vsub.f32 $0.0e+00, v17;
	v8 =	vmin.f32 v15, v8  }
0x1ad: {  	v11 =	vsub.f32 $0.0e+00, v11;
	(xrf1) =	vsort.ascd.msk.f32 $0xffff, v8, v8  }
0x1ae: {  	v8 =	vsub.f32 $0.0e+00, v12;
	v12, _, _ =	vpop (xrf1);
	(xrf1) =	vsort.ascd.msk.f32 $0xffff, v17, v17  }
0x1af: {  	v15 =	vmax.f32 v12, v11;
	(xrf1) =	vsort.ascd.msk.f32 $0xffff, v0, v0;
	v0, _, _ =	vpop (xrf1)  }
0x1b0: {  	v11 =	vmin.f32 v12, v11;
	v12 =	vsub.f32 $0.0e+00, v15;
	v15 =	vmax.f32 v0, v8  }
0x1b1: {  	v0 =	vmin.f32 v0, v8;
	v8 =	vsub.f32 $0.0e+00, v15  }
0x1b2: {  	(xrf1) =	vsort.ascd.msk.f32 $0xffff, v11, v11  }
0x1b3: {  	v9 =	vsub.f32 $0.0e+00, v9;
	(xrf1) =	vsort.ascd.msk.f32 $0xffff, v0, v0  }
0x1b4: {  	v11, _, _ =	vpop (xrf1);
	v0 =	vsub.f32 $0.0e+00, v13;
	(xrf1) =	vsort.ascd.msk.f32 $0xffff, v12, v12  }
0x1b5: {  	v12 =	vmax.f32 v11, v9;
	(xrf1) =	vsort.ascd.msk.f32 $0xffff, v8, v8;
	v8, _, _ =	vpop (xrf1)  }
0x1b6: {  	v9 =	vmin.f32 v11, v9;
	v11 =	vsub.f32 $0.0e+00, v12;
	v12 =	vmax.f32 v8, v0  }
0x1b7: {  	(xrf1) =	vsort.ascd.msk.f32 $0xffff, v9, v9;
	v9 =	vsub.f32 $0.0e+00, v12  }
0x1b8: {  	v0 =	vmin.f32 v8, v0;
	v8 =	vld [tilespmem:s19+$0x0]  }
0x1b9: {  	v10 =	vsub.f32 $0.0e+00, v10;
	(xrf1) =	vsort.ascd.msk.f32 $0xffff, v0, v0;
	v0 =	vld [tilespmem:s18+$0x1E00]  }
0x1ba: {  	v13 =	vld [tilespmem:s18+$0x1E80];
	v12 =	vsub.f32 $0.0e+00, v14;
	(xrf1) =	vsort.ascd.msk.f32 $0xffff, v11, v11;
	v11, _, _ =	vpop (xrf1)  }
0x1bb: {  	v14 =	vmax.f32 v11, v10;
	v10 =	vmin.f32 v11, v10;
	(xrf1) =	vsort.ascd.msk.f32 $0xffff, v9, v9;
	v11 =	vld [tilespmem:s18+$0x1F00];
	v9, _, _ =	vpop (xrf1)  }
0x1bc: {  	v14 =	vsub.f32 $0.0e+00, v14;
	(xrf1) =	vsort.ascd.msk.f32 $0xffff, v10, v10;
	v10 =	vld [tilespmem:s18+$0x1F80];
	v15 =	vmax.f32 v9, v12;
	v9 =	vmin.f32 v9, v12  }
0x1bd: {  	v12 =	vsub.f32 $0.0e+00, v15;
	(xrf1) =	vsort.ascd.msk.f32 $0xffff, v9, v9  }
0x1be: {  	v62, _, _ =	vpop (xrf1);
	v9 =	vmul.f32 v0, v8;
	(xrf1) =	vsort.ascd.msk.f32 $0xffff, v14, v14  }
0x1bf: {  	v60, _, _ =	vpop (xrf1);
	(xrf1) =	vsort.ascd.msk.f32 $0xffff, v12, v12;
	v12 =	vmul.f32 v13, v8  }
0x1c0: {  	v0, _, _ =	vpop (xrf1);
	v11 =	vmul.f32 v11, v8;
	(xrf1) =	vsort.ascd.msk.f32 $0xffff, v9, v9  }
0x1c1: {  	v63, _, _ =	vpop (xrf1);
	v8 =	vmul.f32 v10, v8;
	(xrf1) =	vsort.ascd.msk.f32 $0xffff, v12, v12  }
0x1c2: {  	v59, _, _ =	vpop (xrf1);
	v10 =	vsub.f32 $0.0e+00, v9;
	(xrf1) =	vsort.ascd.msk.f32 $0xffff, v11, v11  }
0x1c3: {  	v57, _, _ =	vpop (xrf1);
	(xrf1) =	vsort.ascd.msk.f32 $0xffff, v8, v8  }
0x1c4: {  	v61, _, _ =	vpop (xrf1);
	(xrf1) =	vsort.ascd.msk.f32 $0xffff, v10, v10  }
0x1c5: {  	v58, _, _ =	vpop (xrf1)  }
0x1c6: {  	v55, _, _ =	vpop (xrf1);
	v10 =	vsub.f32 $0.0e+00, v12  }
0x1c7: {  	v52, _, _ =	vpop (xrf1)  }
0x1c8: {  	v56, _, _ =	vpop (xrf1);
	(xrf1) =	vsort.ascd.msk.f32 $0xffff, v10, v10  }
0x1c9: {  	v54, _, _ =	vpop (xrf1)  }
0x1ca: {  	v10 =	vsub.f32 $0.0e+00, v11;
	v50, _, _ =	vpop (xrf1)  }
0x1cb: {  	v48, _, _ =	vpop (xrf1)  }
0x1cc: {  	v51, _, _ =	vpop (xrf1)  }
0x1cd: {  	s18 =	simm.s32 $0x80;
	v49, _, _ =	vpop (xrf1);
	(xrf1) =	vsort.ascd.msk.f32 $0xffff, v10, v10  }
0x1ce: {  	s31 =	sand.u32 $0x1C00, s18;
	v14 =	vsub.f32 $0.0e+00, v8;
	v10, _, _ =	vpop (xrf1)  }
0x1cf: {  	s21 =	sadd.s32 s31, s14;
	v13, _, _ =	vpop (xrf1)  }
0x1d0: {  	s19 =	sadd.s32 s31, s17;
	s21 =	sadd.s32 s20, s21;
	(xrf1) =	vsort.ascd.msk.f32 $0xffff, v14, v14;
	v15, _, _ =	vpop (xrf1)  }
0x1d1: {  	s19 =	sadd.s32 s20, s19;
	v47 =	vld [tilespmem:s21+$0x0];
	v17, _, _ =	vpop (xrf1)  }
0x1d2: {  	v53 =	vld [tilespmem:s19+$0x1E00];
	v14, _, _ =	vpop (xrf1)  }
0x1d3: {  	v18 =	vld [tilespmem:s19+$0x1E80];
	v14 =	vsub.f32 $0.0e+00, v14;
	_ =	sdelay $0x1  }
0x1d4: {  	v10 =	vsub.f32 $0.0e+00, v10;
	v14 =	vmax.f32 v45, v14  }
0x1d5: {  	v19, _, _ =	vpop (xrf1);
	(xrf1) =	vsort.ascd.msk.f32 $0xffff, v14, v14;
	v14 =	vld [tilespmem:s19+$0x1F00]  }
0x1d6: {  	v20 =	vld [tilespmem:s19+$0x1F80];
	v53 =	vmul.f32 v53, v47;
	v10 =	vmax.f32 v45, v10;
	v19 =	vsub.f32 $0.0e+00, v19  }
0x1d7: {  	v18 =	vmul.f32 v18, v47;
	(xrf1) =	vsort.ascd.msk.f32 $0xffff, v10, v10  }
0x1d8: {  	v10 =	vsub.f32 $0.0e+00, v13;
	(xrf1) =	vsort.ascd.msk.f32 $0xffff, v53, v53  }
0x1d9: {  	v13 =	vmax.f32 v45, v19;
	(xrf1) =	vsort.ascd.msk.f32 $0xffff, v18, v18  }
0x1da: {  	v10 =	vmax.f32 v45, v10;
	(xrf1) =	vsort.ascd.msk.f32 $0xffff, v13, v13;
	v19, _, _ =	vpop (xrf1);
	v14 =	vmul.f32 v14, v47  }
0x1db: {  	v9 =	vadd.f32 v9, v46;
	v20 =	vmul.f32 v20, v47;
	(xrf1) =	vsort.ascd.msk.f32 $0xffff, v10, v10;
	v13 =	vsub.f32 $0.0e+00, v19  }
0x1dc: {  	v10 =	vadd.f32 v12, v46;
	v12 =	vsub.f32 $0.0e+00, v15;
	(xrf1) =	vsort.ascd.msk.f32 $0xffff, v14, v14  }
0x1dd: {  	v11 =	vadd.f32 v11, v46;
	v15, _, _ =	vpop (xrf1);
	(xrf1) =	vsort.ascd.msk.f32 $0xffff, v20, v20;
	v13 =	vmax.f32 v45, v13  }
0x1de: {  	v19 =	vsub.f32 $0.0e+00, v53;
	v12 =	vmax.f32 v45, v12;
	v15 =	vsub.f32 $0.0e+00, v15;
	(xrf1) =	vsort.ascd.msk.f32 $0xffff, v13, v13  }
0x1df: {  	v53 =	vadd.f32 v53, v9;
	v13 =	vsub.f32 $0.0e+00, v18;
	(xrf1) =	vsort.ascd.msk.f32 $0xffff, v12, v12  }
0x1e0: {  	v9 =	vsub.f32 $0.0e+00, v17;
	v47 =	vadd.f32 v18, v10;
	v10 =	vmax.f32 v45, v15;
	(xrf1) =	vsort.ascd.msk.f32 $0xffff, v19, v19  }
0x1e1: {  	v8 =	vadd.f32 v8, v46;
	v46 =	vadd.f32 v14, v11;
	(xrf1) =	vsort.ascd.msk.f32 $0xffff, v13, v13  }
0x1e2: {  	v11 =	vsub.f32 $0.0e+00, v14;
	v9 =	vmax.f32 v45, v9;
	v13 =	vsub.f32 $0.0e+00, v7;
	(xrf1) =	vsort.ascd.msk.f32 $0xffff, v10, v10  }
0x1e3: {  	v45 =	vadd.f32 v20, v8;
	v8 =	vsub.f32 $0.0e+00, v20;
	v12 =	vimm.f32 $3.000000010e+38;
	v10, _, _ =	vpop (xrf1);
	(xrf1) =	vsort.ascd.msk.f32 $0xffff, v9, v9  }
0x1e4: {  	v9 =	vimm.f32 $3.000000010e+38;
	v15 =	vmax.f32 v10, v13;
	(xrf1) =	vsort.ascd.msk.f32 $0xffff, v11, v11;
	v17 =	vmin.f32 v10, v13  }
0x1e5: {  	[dreg:$0xb] =	wrdreg s10;
	s19 =	simm.s32 $0x20;
	v10 =	vimm.f32 $3.000000010e+38;
	v14, _, _ =	vpop (xrf1);
	v11 =	vimm.f32 $3.000000010e+38;
	(xrf1) =	vsort.ascd.msk.f32 $0xffff, v8, v8;
	v8 =	vimm.f32 $3.000000010e+38  }
.LBB2_10:
0x1e6: {  	p0 =	sne.s32 s19, $0x300;
	v18, _, _ =	vpop (xrf1);
	v15 =	vsub.f32 $0.0e+00, v15;
	v19 =	vmax.f32 v14, v13;
	v20 =	vmin.f32 v14, v13;
	(xrf1) =	vsort.ascd.msk.f32 $0xffff, v17, v17  }
0x1e7: {  	v7 =	vsub.f32 $0.0e+00, v7;
	v14, _, _ =	vpop (xrf1);
	v19 =	vsub.f32 $0.0e+00, v19;
	(xrf1) =	vsort.ascd.msk.f32 $0xffff, v20, v20  }
0x1e8: {  	v12 =	vsub.f32 $0.0e+00, v12;
	(xrf1) =	vsort.ascd.msk.f32 $0xffff, v15, v15;
	v13, _, _ =	vpop (xrf1)  }
0x1e9: {  	v15 =	vmax.f32 v13, v7;
	v7 =	vmin.f32 v13, v7;
	(xrf1) =	vsort.ascd.msk.f32 $0xffff, v19, v19;
	v13, _, _ =	vpop (xrf1)  }
0x1ea: {  	v17, _, _ =	vpop (xrf1);
	v15 =	vsub.f32 $0.0e+00, v15;
	v19 =	vmax.f32 v13, v12;
	v20 =	vmin.f32 v13, v12;
	(xrf1) =	vsort.ascd.msk.f32 $0xffff, v7, v7  }
0x1eb: {  	v10 =	vsub.f32 $0.0e+00, v10;
	v13, _, _ =	vpop (xrf1);
	v19 =	vsub.f32 $0.0e+00, v19;
	(xrf1) =	vsort.ascd.msk.f32 $0xffff, v20, v20  }
0x1ec: {  	s18 =	sadd.s32 $0x80, s18;
	v11 =	vsub.f32 $0.0e+00, v11;
	(xrf1) =	vsort.ascd.msk.f32 $0xffff, v15, v15;
	v12, _, _ =	vpop (xrf1)  }
0x1ed: {  	s20 =	sand.u32 $0x1C00, s18;
	v15 =	vmax.f32 v12, v10;
	v20 =	vmin.f32 v12, v10;
	(xrf1) =	vsort.ascd.msk.f32 $0xffff, v19, v19;
	v7, _, _ =	vpop (xrf1)  }
0x1ee: {  	s21 =	sand.u32 $0x70, s19;
	s22 =	sadd.s32 s20, s14;
	v12, _, _ =	vpop (xrf1);
	v15 =	vsub.f32 $0.0e+00, v15;
	v19 =	vmax.f32 v7, v11;
	v7 =	vmin.f32 v7, v11;
	(xrf1) =	vsort.ascd.msk.f32 $0xffff, v20, v20  }
0x1ef: {  	v22 =	vsub.f32 $0.0e+00, v9;
	s20 =	sadd.s32 s20, s17;
	s22 =	sadd.s32 s21, s22;
	v10, _, _ =	vpop (xrf1);
	v11 =	vsub.f32 $0.0e+00, v19;
	(xrf1) =	vsort.ascd.msk.f32 $0xffff, v7, v7  }
0x1f0: {  	v7 =	vsub.f32 $0.0e+00, v8;
	v8, _, _ =	vpop (xrf1)  }
0x1f1: {  	s20 =	sadd.s32 s21, s20;
	v19 =	vld [tilespmem:s22+$0x0];
	(xrf1) =	vsort.ascd.msk.f32 $0xffff, v15, v15;
	v20 =	vmax.f32 v8, v22  }
0x1f2: {  	v15 =	vld [tilespmem:s20+$0x1E00];
	v8 =	vmin.f32 v8, v22;
	(xrf1) =	vsort.ascd.msk.f32 $0xffff, v11, v11;
	v9, _, _ =	vpop (xrf1);
	v20 =	vsub.f32 $0.0e+00, v20  }
0x1f3: {  	v11 =	vld [tilespmem:s20+$0x1E80];
	v21, _, _ =	vpop (xrf1);
	v22 =	vmax.f32 v9, v7;
	v7 =	vmin.f32 v9, v7;
	(xrf1) =	vsort.ascd.msk.f32 $0xffff, v8, v8;
	v8 =	vsub.f32 $0.0e+00, v12  }
0x1f4: {  	v9, _, _ =	vpop (xrf1);
	v12 =	vsub.f32 $0.0e+00, v22;
	(xrf1) =	vsort.ascd.msk.f32 $0xffff, v7, v7  }
0x1f5: {  	v7 =	vsub.f32 $0.0e+00, v18;
	v18, _, _ =	vpop (xrf1);
	(xrf1) =	vsort.ascd.msk.f32 $0xffff, v20, v20  }
0x1f6: {  	v20 =	vld [tilespmem:s20+$0x1F00];
	v22 =	vmax.f32 v18, v8;
	v18, _, _ =	vpop (xrf1);
	(xrf1) =	vsort.ascd.msk.f32 $0xffff, v12, v12  }
0x1f7: {  	v15 =	vmul.f32 v15, v19;
	v12 =	vld [tilespmem:s20+$0x1F80];
	v7 =	vmax.f32 v18, v7;
	(xrf1) =	vsort.ascd.msk.f32 $0xffff, v22, v22;
	v8, _, _ =	vpop (xrf1)  }
0x1f8: {  	v10 =	vsub.f32 $0.0e+00, v10;
	v11 =	vmul.f32 v11, v19;
	(xrf1) =	vsort.ascd.msk.f32 $0xffff, v7, v7;
	v18, _, _ =	vpop (xrf1)  }
0x1f9: {  	v22 =	vsub.f32 $0.0e+00, v14;
	v53 =	vadd.f32 v15, v53;
	(xrf1) =	vsort.ascd.msk.f32 $0xffff, v15, v15;
	v14, _, _ =	vpop (xrf1)  }
0x1fa: {  	v47 =	vadd.f32 v11, v47;
	(xrf1) =	vsort.ascd.msk.f32 $0xffff, v11, v11;
	v10 =	vmax.f32 v14, v10;
	v14, _, _ =	vpop (xrf1)  }
0x1fb: {  	v20 =	vmul.f32 v20, v19;
	v14 =	vmax.f32 v14, v22;
	(xrf1) =	vsort.ascd.msk.f32 $0xffff, v10, v10;
	v7, _, _ =	vpop (xrf1);
	v10 =	vsub.f32 $0.0e+00, v21  }
0x1fc: {  	v19 =	vmul.f32 v12, v19;
	(xrf1) =	vsort.ascd.msk.f32 $0xffff, v14, v14;
	v12, _, _ =	vpop (xrf1)  }
0x1fd: {  	v14 =	vsub.f32 $0.0e+00, v17;
	v46 =	vadd.f32 v20, v46;
	(xrf1) =	vsort.ascd.msk.f32 $0xffff, v20, v20;
	v17, _, _ =	vpop (xrf1)  }
0x1fe: {  	v45 =	vadd.f32 v19, v45;
	(xrf1) =	vsort.ascd.msk.f32 $0xffff, v19, v19;
	v21 =	vmax.f32 v17, v10;
	v17, _, _ =	vpop (xrf1)  }
0x1ff: {  	v15 =	vsub.f32 $0.0e+00, v15;
	v22 =	vmax.f32 v17, v14;
	(xrf1) =	vsort.ascd.msk.f32 $0xffff, v21, v21;
	v10, _, _ =	vpop (xrf1)  }
0x200: {  	v17 =	vsub.f32 $0.0e+00, v11;
	v21 =	vsub.f32 $0.0e+00, v9;
	(xrf1) =	vsort.ascd.msk.f32 $0xffff, v22, v22;
	v11, _, _ =	vpop (xrf1)  }
0x201: {  	v13 =	vsub.f32 $0.0e+00, v13;
	(xrf1) =	vsort.ascd.msk.f32 $0xffff, v15, v15;
	v14, _, _ =	vpop (xrf1)  }
.Ltmp3:
0x202: {  	(xrf1) =	vsort.ascd.msk.f32 $0xffff, v17, v17;
	v17 =	vmax.f32 v14, v21;
	v14, _, _ =	vpop (xrf1);
	(pc) =	sbr.rel @p0 .LBB2_10-.Ltmp3, $4  }
0x203: {  	v15 =	vsub.f32 $0.0e+00, v20;
	v13 =	vmax.f32 v14, v13;
	(xrf1) =	vsort.ascd.msk.f32 $0xffff, v17, v17;
	v9, _, _ =	vpop (xrf1)  }
0x204: {  	v19 =	vsub.f32 $0.0e+00, v19;
	v17 =	vsub.f32 $0.0e+00, v8;
	(xrf1) =	vsort.ascd.msk.f32 $0xffff, v13, v13;
	v8, _, _ =	vpop (xrf1)  }
0x205: {  	v13 =	vsub.f32 $0.0e+00, v18;
	(xrf1) =	vsort.ascd.msk.f32 $0xffff, v15, v15;
	v18, _, _ =	vpop (xrf1)  }
0x206: {  	s19 =	sadd.s32 $0x10, s19;
	(xrf1) =	vsort.ascd.msk.f32 $0xffff, v19, v19;
	v15 =	vmax.f32 v18, v17;
	v17 =	vmin.f32 v18, v17;
	v14, _, _ =	vpop (xrf1)  }
0x207: {  	v18 =	vmax.f32 v14, v13  }
0x208: {  	v19 =	vmin.f32 v14, v13;
	(xrf1) =	vsort.ascd.msk.f32 $0xffff, v17, v17;
	v20 =	vsub.f32 $0.0e+00, v15;
	v15, _, _ =	vpop (xrf1);
	v13 =	vsub.f32 $0.0e+00, v18  }
0x209: {  	v7 =	vsub.f32 $0.0e+00, v7;
	(xrf1) =	vsort.ascd.msk.f32 $0xffff, v19, v19;
	v17, _, _ =	vpop (xrf1)  }
0x20a: {  	v12 =	vsub.f32 $0.0e+00, v12;
	(xrf1) =	vsort.ascd.msk.f32 $0xffff, v20, v20;
	v21, _, _ =	vpop (xrf1)  }
0x20b: {  	v22 =	vmax.f32 v21, v7;
	v7 =	vmin.f32 v21, v7;
	(xrf1) =	vsort.ascd.msk.f32 $0xffff, v13, v13;
	v19, _, _ =	vpop (xrf1)  }
0x20c: {  	v10 =	vsub.f32 $0.0e+00, v10;
	v20 =	vmax.f32 v19, v12;
	v12 =	vmin.f32 v19, v12;
	(xrf1) =	vsort.ascd.msk.f32 $0xffff, v7, v7;
	v13, _, _ =	vpop (xrf1)  }
0x20d: {  	v21 =	vsub.f32 $0.0e+00, v22;
	(xrf1) =	vsort.ascd.msk.f32 $0xffff, v12, v12;
	v12 =	vsub.f32 $0.0e+00, v20;
	v14, _, _ =	vpop (xrf1)  }
0x20e: {  	v22, _, _ =	vpop (xrf1)  }
0x20f: {  	(xrf1) =	vsort.ascd.msk.f32 $0xffff, v21, v21;
	v21 =	vmax.f32 v22, v10;
	v10 =	vmin.f32 v22, v10;
	v22, _, _ =	vpop (xrf1)  }
0x210: {  	v7 =	vsub.f32 $0.0e+00, v11;
	v11, _, _ =	vpop (xrf1)  }
0x211: {  	v9 =	vsub.f32 $0.0e+00, v9;
	(xrf1) =	vsort.ascd.msk.f32 $0xffff, v12, v12;
	v20 =	vsub.f32 $0.0e+00, v21;
	v12, _, _ =	vpop (xrf1)  }
0x212: {  	v19 =	vmax.f32 v22, v7;
	v7 =	vmin.f32 v22, v7;
	(xrf1) =	vsort.ascd.msk.f32 $0xffff, v10, v10;
	v21, _, _ =	vpop (xrf1)  }
0x213: {  	(xrf1) =	vsort.ascd.msk.f32 $0xffff, v7, v7;
	v7 =	vsub.f32 $0.0e+00, v19;
	v22 =	vmax.f32 v21, v9;
	v9 =	vmin.f32 v21, v9  }
0x214: {  	(xrf1) =	vsort.ascd.msk.f32 $0xffff, v20, v20  }
0x215: {  	(xrf1) =	vsort.ascd.msk.f32 $0xffff, v7, v7;
	v20, _, _ =	vpop (xrf1)  }
0x216: {  	v8 =	vsub.f32 $0.0e+00, v8;
	(xrf1) =	vsort.ascd.msk.f32 $0xffff, v9, v9;
	v9, _, _ =	vpop (xrf1)  }
0x217: {  	v18 =	vsub.f32 $0.0e+00, v11;
	v11, _, _ =	vpop (xrf1)  }
0x218: {  	v22 =	vsub.f32 $0.0e+00, v22;
	v21 =	vmax.f32 v20, v8;
	v7 =	vmin.f32 v20, v8;
	v20, _, _ =	vpop (xrf1)  }
0x219: {  	(xrf1) =	vsort.ascd.msk.f32 $0xffff, v7, v7;
	v10 =	vsub.f32 $0.0e+00, v21;
	v7 =	vmax.f32 v20, v18  }
0x21a: {  	v19 =	vsub.f32 $0.0e+00, v15;
	(xrf1) =	vsort.ascd.msk.f32 $0xffff, v22, v22  }
0x21b: {  	(xrf1) =	vsort.ascd.msk.f32 $0xffff, v10, v10;
	v21, _, _ =	vpop (xrf1)  }
0x21c: {  	(xrf1) =	vsort.ascd.msk.f32 $0xffff, v7, v7;
	v7, _, _ =	vpop (xrf1)  }
0x21d: {  	v22 =	vsub.f32 $0.0e+00, v12;
	v10, _, _ =	vpop (xrf1)  }
0x21e: {  	v18 =	vsub.f32 $0.0e+00, v17;
	v8 =	vmax.f32 v21, v19;
	v19, _, _ =	vpop (xrf1)  }
0x21f: {  	(xrf1) =	vsort.ascd.msk.f32 $0xffff, v8, v8;
	v8 =	vmax.f32 v19, v22;
	v20, _, _ =	vpop (xrf1)  }
0x220: {  	v12 =	vmax.f32 v20, v18;
	_ =	sdelay $0x1  }
0x221: {  	(xrf1) =	vsort.ascd.msk.f32 $0xffff, v8, v8;
	v8, _, _ =	vpop (xrf1)  }
0x222: {  	v9 =	vsub.f32 $0.0e+00, v9;
	(xrf1) =	vsort.ascd.msk.f32 $0xffff, v12, v12;
	v12, _, _ =	vpop (xrf1)  }
0x223: {  	v13 =	vsub.f32 $0.0e+00, v13;
	v21, _, _ =	vpop (xrf1)  }
0x224: {  	v9 =	vmax.f32 v21, v9;
	v22, _, _ =	vpop (xrf1)  }
0x225: {  	v13 =	vmax.f32 v22, v13;
	_ =	sdelay $0x1  }
0x226: {  	(xrf1) =	vsort.ascd.msk.f32 $0xffff, v9, v9;
	v9, _, _ =	vpop (xrf1)  }
0x227: {  	v11 =	vsub.f32 $0.0e+00, v11;
	(xrf1) =	vsort.ascd.msk.f32 $0xffff, v13, v13;
	v13, _, _ =	vpop (xrf1)  }
0x228: {  	v14 =	vsub.f32 $0.0e+00, v14;
	v18, _, _ =	vpop (xrf1)  }
0x229: {  	v11 =	vmax.f32 v18, v11;
	v19, _, _ =	vpop (xrf1)  }
0x22a: {  	v14 =	vmax.f32 v19, v14  }
0x22b: {  	(xrf1) =	vsort.ascd.msk.f32 $0xffff, v11, v11  }
0x22c: {  	v11, _, _ =	vpop (xrf1)  }
0x22d: {  	v7 =	vsub.f32 $0.0e+00, v7;
	(xrf1) =	vsort.ascd.msk.f32 $0xffff, v14, v14;
	v14, _, _ =	vpop (xrf1)  }
0x22e: {  	v10 =	vsub.f32 $0.0e+00, v10;
	v20, _, _ =	vpop (xrf1)  }
0x22f: {  	v17 =	vmax.f32 v20, v7;
	v7 =	vmin.f32 v20, v7;
	v21, _, _ =	vpop (xrf1)  }
0x230: {  	v22 =	vmax.f32 v21, v10;
	v10 =	vmin.f32 v21, v10;
	v21 =	vsub.f32 $0.0e+00, v17  }
0x231: {  	(xrf1) =	vsort.ascd.msk.f32 $0xffff, v7, v7  }
0x232: {  	v8 =	vsub.f32 $0.0e+00, v8;
	(xrf1) =	vsort.ascd.msk.f32 $0xffff, v10, v10;
	v22 =	vsub.f32 $0.0e+00, v22  }
0x233: {  	v18 =	vsub.f32 $0.0e+00, v12;
	v19, _, _ =	vpop (xrf1);
	(xrf1) =	vsort.ascd.msk.f32 $0xffff, v21, v21  }
0x234: {  	v20 =	vmax.f32 v19, v8;
	v8 =	vmin.f32 v19, v8;
	(xrf1) =	vsort.ascd.msk.f32 $0xffff, v22, v22;
	v21, _, _ =	vpop (xrf1)  }
0x235: {  	v15 =	vsub.f32 $0.0e+00, v20;
	(xrf1) =	vsort.ascd.msk.f32 $0xffff, v8, v8;
	v22 =	vmax.f32 v21, v18;
	v7 =	vmin.f32 v21, v18  }
0x236: {  	v9 =	vsub.f32 $0.0e+00, v9;
	(xrf1) =	vsort.ascd.msk.f32 $0xffff, v7, v7;
	v17 =	vsub.f32 $0.0e+00, v22  }
0x237: {  	v18 =	vsub.f32 $0.0e+00, v13;
	v19, _, _ =	vpop (xrf1);
	(xrf1) =	vsort.ascd.msk.f32 $0xffff, v15, v15  }
0x238: {  	v20 =	vmax.f32 v19, v9;
	v21, _, _ =	vpop (xrf1);
	(xrf1) =	vsort.ascd.msk.f32 $0xffff, v17, v17;
	v17 =	vsub.f32 $0.0e+00, v11  }
0x239: {  	(xrf2) =	vadd.scan.msk.f32 $0xffff, v23;
	v9 =	vmin.f32 v19, v9;
	v22 =	vmax.f32 v21, v18;
	v7 =	vmin.f32 v21, v18;
	v19, _, _ =	vpop (xrf1)  }
0x23a: {  	v13 =	vsub.f32 $0.0e+00, v20;
	v18 =	vsub.f32 $0.0e+00, v14;
	(xrf1) =	vsort.ascd.msk.f32 $0xffff, v9, v9;
	v11 =	vmax.f32 v19, v17  }
0x23b: {  	v15 =	vsub.f32 $0.0e+00, v22;
	(xrf1) =	vsort.ascd.msk.f32 $0xffff, v7, v7;
	v22 =	vsub.f32 $0.0e+00, v11;
	v11 =	vld [tilespmem:$0x1FF00]  }
0x23c: {  	v14 =	vld [tilespmem:$0x1FF20];
	v9 =	vmin.f32 v19, v17;
	v20, _, _ =	vpop (xrf1);
	(xrf1) =	vsort.ascd.msk.f32 $0xffff, v13, v13  }
0x23d: {  	v21 =	vmax.f32 v20, v18;
	v7 =	vmin.f32 v20, v18;
	v18 =	vld [tilespmem:$0x1FF10];
	(xrf1) =	vsort.ascd.msk.f32 $0xffff, v15, v15  }
0x23e: {  	(xrf1) =	vsort.ascd.msk.f32 $0xffff, v9, v9  }
0x23f: {  	v19 =	vld [tilespmem:$0x1FF50];
	(xrf1) =	vsort.ascd.msk.f32 $0xffff, v7, v7  }
0x240: {  	v20 =	vld [tilespmem:$0x1FF30];
	(xrf1) =	vsort.ascd.msk.f32 $0xffff, v22, v22;
	v7 =	vsel vm15, $0x0, v11  }
0x241: {  	v22 =	vld [tilespmem:$0x1FF60];
	(xrf2) =	vadd.scan.msk.f32 $0xffff, v7  }
0x242: {  	v7 =	vsel vm15, $0x0, v18;
	(xrf2) =	vadd.scan.msk.f32 $0xffff, v14;
	v14 =	vld [tilespmem:$0x1FF40]  }
0x243: {  	(xrf2) =	vadd.scan.msk.f32 $0xffff, v7  }
0x244: {  	(xrf2) =	vadd.scan.msk.f32 $0xffff, v4  }
0x245: {  	v4 =	vsel vm15, $0x0, v20;
	(xrf2) =	vadd.scan.msk.f32 $0xffff, v19  }
0x246: {  	(xrf2) =	vadd.scan.msk.f32 $0xffff, v4  }
0x247: {  	(xrf2) =	vadd.scan.msk.f32 $0xffff, v22;
	v20 =	vsel vm15, $0x0, v14  }
0x248: {  	(xrf2) =	vadd.scan.msk.f32 $0xffff, v20;
	v20 =	vld [tilespmem:$0x1FF90];
	_ =	sdelay $0x3  }
0x249: {  	(xrf2) =	vadd.scan.msk.f32 $0xffff, v3  }
0x24a: {  	(xrf2) =	vadd.scan.msk.f32 $0xffff, v20;
	v20 =	vld [tilespmem:$0x1FF70];
	_ =	sdelay $0x4  }
0x24b: {  	v20 =	vsel vm15, $0x0, v20;
	_ =	sdelay $0x1  }
0x24c: {  	v22, _, _ =	vpop (xrf2)  }
0x24d: {  	(v2sf) =	vpush v22, $0xF;
	(xrf2) =	vadd.scan.msk.f32 $0xffff, v20;
	v20, _, _ =	vpop (xrf2)  }
0x24e: {  	(v2sf) =	vpush v20, $0xF;
	v20 =	vld [tilespmem:$0x1FFA0];
	_ =	sdelay $0x4  }
0x24f: {  	(xrf2) =	vadd.scan.msk.f32 $0xffff, v20;
	v20 =	vld [tilespmem:$0x1FF80];
	_ =	sdelay $0x1  }
0x250: {  	v10 =	vsub.f32 $0.0e+00, v21;
	v15, _, _ =	vpop (xrf1)  }
0x251: {  	v12, _, _ =	vpop (xrf1)  }
0x252: {  	v17, _, _ =	vpop (xrf1)  }
0x253: {  	v13, _, _ =	vpop (xrf1);
	v20 =	vsel vm15, $0x0, v20  }
0x254: {  	(xrf1) =	vsort.ascd.msk.f32 $0xffff, v10, v10;
	v10, _, _ =	vpop (xrf1)  }
0x255: {  	v22, _, _ =	vpop (xrf2)  }
0x256: {  	(v2sf) =	vpush v22, $0xF;
	(xrf2) =	vadd.scan.msk.f32 $0xffff, v20;
	v20, _, _ =	vpop (xrf2)  }
0x257: {  	v8, _, _ =	vpop (xrf1);
	(v2sf) =	vpush v20, $0xF;
	v20 =	vld [tilespmem:$0x1FFD0]  }
0x258: {  	v11, _, _ =	vpop (xrf1)  }
0x259: {  	v9, _, _ =	vpop (xrf1)  }
0x25a: {  	v22, _, _ =	vpop (xrf2)  }
0x25b: {  	v21, _, _ =	vpop (xrf1);
	(xrf2) =	vadd.scan.msk.f32 $0xffff, v2;
	(v2sf) =	vpush v22, $0xF;
	v22 =	vld [tilespmem:$0x1FFB0]  }
0x25c: {  	(xrf2) =	vadd.scan.msk.f32 $0xffff, v20;
	v20, _, _ =	vpop (xrf2)  }
0x25d: {  	(v2sf) =	vpush v20, $0xF;
	v20, _, _ =	vpop (xrf2)  }
0x25e: {  	v18, _, _ =	vpop (xrf1);
	(v2sf) =	vpush v20, $0xF;
	v20 =	vld [tilespmem:$0x1FFC0]  }
0x25f: {  	v23, _, _ =	vpop (xrf1)  }
0x260: {  	v19, _, _ =	vpop (xrf1);
	v2 =	vsel vm15, $0x0, v22;
	v22 =	vld [tilespmem:$0x1FFE0]  }
0x261: {  	v7, _, _ =	vpop (xrf1)  }
0x262: {  	v4, _, _ =	vpop (xrf1)  }
0x263: {  	v14, _, _ =	vpop (xrf1);
	v20 =	vsel vm15, $0x0, v20  }
0x264: {  	v3, _, _ =	vpop (xrf1);
	(xrf2) =	vadd.scan.msk.f32 $0xffff, v2  }
0x265: {  	v2, _, _ =	vpop (xrf2);
	(xrf2) =	vadd.scan.msk.f32 $0xffff, v22  }
0x266: {  	(v2sf) =	vpush v2, $0xF;
	(xrf2) =	vadd.scan.msk.f32 $0xffff, v20;
	v20, _, _ =	vpop (xrf2)  }
0x267: {  	(xrf2) =	vadd.scan.msk.f32 $0xffff, v1;
	(v2sf) =	vpush v20, $0xF;
	v22, _, _ =	vpop (xrf2)  }
0x268: {  	(xrf2) =	vadd.scan.msk.f32 $0xffff, v44;
	(v2sf) =	vpush v22, $0xF;
	v20, _, _ =	vpop (xrf2);
	v22 =	vsel vm15, $0x0, v41  }
0x269: {  	(v2sf) =	vpush v20, $0xF;
	(xrf2) =	vadd.scan.msk.f32 $0xffff, v22;
	v41, _, _ =	vpop (xrf2)  }
0x26a: {  	v20 =	vsel vm15, $0x0, v39;
	(v2sf) =	vpush v41, $0xF;
	(xrf2) =	vadd.scan.msk.f32 $0xffff, v43;
	v44, _, _ =	vpop (xrf2)  }
0x26b: {  	(v2sf) =	vpush v44, $0xF;
	(xrf2) =	vadd.scan.msk.f32 $0xffff, v20;
	v22, _, _ =	vpop (xrf2)  }
0x26c: {  	(v2sf) =	vpush v22, $0xF;
	(xrf2) =	vadd.scan.msk.f32 $0xffff, v24;
	v39, _, _ =	vpop (xrf2)  }
0x26d: {  	s17 =	spop (v2sf);
	(v2sf) =	vpush v39, $0xF;
	(xrf2) =	vadd.scan.msk.f32 $0xffff, v42;
	v41, _, _ =	vpop (xrf2);
	v42 =	vsel vm15, $0x0, v38  }
0x26e: {  	s18 =	spop (v2sf);
	(v2sf) =	vpush v41, $0xF;
	(xrf2) =	vadd.scan.msk.f32 $0xffff, v42;
	v43, _, _ =	vpop (xrf2)  }
0x26f: {  	s17 =	ssub.f32 $0.0e+00, s17;
	s19 =	spop (v2sf);
	v20 =	vsel vm15, $0x0, v37;
	(v2sf) =	vpush v43, $0xF;
	(xrf2) =	vadd.scan.msk.f32 $0xffff, v40;
	v44, _, _ =	vpop (xrf2)  }
0x270: {  	s19 =	ssub.f32 $0.0e+00, s19;
	(v2sf) =	vpush v44, $0xF;
	(xrf2) =	vadd.scan.msk.f32 $0xffff, v20;
	v22, _, _ =	vpop (xrf2)  }
0x271: {  	s17 =	sadd.f32 s17, s18;
	s20 =	spop (v2sf);
	(v2sf) =	vpush v22, $0xF;
	(xrf2) =	vadd.scan.msk.f32 $0xffff, v16;
	v24, _, _ =	vpop (xrf2)  }
0x272: {  	s21 =	spop (v2sf);
	s19 =	sadd.f32 s19, s20;
	v38 =	vsel vm15, $0x0, v34;
	(v2sf) =	vpush v24, $0xF;
	(xrf2) =	vadd.scan.msk.f32 $0xffff, v36;
	v37, _, _ =	vpop (xrf2)  }
0x273: {  	s17 =	ssub.f32 s21, s17;
	s30 =	spop (v2sf);
	(v2sf) =	vpush v37, $0xF;
	(xrf2) =	vadd.scan.msk.f32 $0xffff, v38;
	v39, _, _ =	vpop (xrf2)  }
0x274: {  	s31 =	spop (v2sf);
	v41 =	vsel vm15, $0x0, v32;
	(v2sf) =	vpush v39, $0xF;
	(xrf2) =	vadd.scan.msk.f32 $0xffff, v33;
	v40, _, _ =	vpop (xrf2)  }
0x275: {  	s17 =	sadd.f32 s19, s17;
	s0 =	spop (v2sf);
	(v2sf) =	vpush v40, $0xF;
	(xrf2) =	vadd.scan.msk.f32 $0xffff, v41;
	v42, _, _ =	vpop (xrf2)  }
0x276: {  	s18 =	ssub.f32 $0.0e+00, s30;
	(v2sf) =	vpush v42, $0xF;
	s22 =	spop (v2sf);
	(xrf2) =	vadd.scan.msk.f32 $0xffff, v6;
	v43, _, _ =	vpop (xrf2)  }
0x277: {  	s21 =	ssub.f32 $0.0e+00, s0;
	v6 =	vsel vm15, $0x0, v30;
	(v2sf) =	vpush v43, $0xF;
	s1 =	spop (v2sf);
	(xrf2) =	vadd.scan.msk.f32 $0xffff, v31;
	v44, _, _ =	vpop (xrf2)  }
0x278: {  	s18 =	sadd.f32 s18, s31;
	(v2sf) =	vpush v44, $0xF;
	s23 =	spop (v2sf);
	(xrf2) =	vadd.scan.msk.f32 $0xffff, v6;
	v16, _, _ =	vpop (xrf2)  }
0x279: {  	v22 =	vsel vm15, $0x0, v28;
	s21 =	sadd.f32 s21, s22;
	(v2sf) =	vpush v16, $0xF;
	s24 =	spop (v2sf);
	(xrf2) =	vadd.scan.msk.f32 $0xffff, v29;
	v20, _, _ =	vpop (xrf2)  }
0x27a: {  	s18 =	ssub.f32 s1, s18;
	(v2sf) =	vpush v20, $0xF;
	s2 =	spop (v2sf);
	(xrf2) =	vadd.scan.msk.f32 $0xffff, v22;
	v24, _, _ =	vpop (xrf2)  }
0x27b: {  	s23 =	ssub.f32 $0.0e+00, s23;
	(v2sf) =	vpush v24, $0xF;
	s3 =	spop (v2sf);
	(xrf2) =	vadd.scan.msk.f32 $0xffff, v5;
	v28, _, _ =	vpop (xrf2)  }
0x27c: {  	v30 =	vsel vm15, $0x0, v62;
	s18 =	sadd.f32 s21, s18;
	(v2sf) =	vpush v28, $0xF;
	s4 =	spop (v2sf);
	(xrf2) =	vadd.scan.msk.f32 $0xffff, v0;
	v29, _, _ =	vpop (xrf2)  }
0x27d: {  	s20 =	ssub.f32 $0.0e+00, s2;
	(v2sf) =	vpush v29, $0xF;
	s25 =	spop (v2sf);
	(xrf2) =	vadd.scan.msk.f32 $0xffff, v30;
	v31, _, _ =	vpop (xrf2)  }
0x27e: {  	v33 =	vsel vm15, $0x0, v60;
	s23 =	sadd.f32 s23, s24;
	(v2sf) =	vpush v31, $0xF;
	s26 =	spop (v2sf);
	(xrf2) =	vadd.scan.msk.f32 $0xffff, v63;
	v32, _, _ =	vpop (xrf2)  }
0x27f: {  	s20 =	sadd.f32 s20, s3;
	(v2sf) =	vpush v32, $0xF;
	s5 =	spop (v2sf);
	(xrf2) =	vadd.scan.msk.f32 $0xffff, v33;
	v34, _, _ =	vpop (xrf2)  }
0x280: {  	s19 =	ssub.f32 s4, s23;
	(v2sf) =	vpush v34, $0xF;
	s6 =	spop (v2sf);
	(xrf2) =	vadd.scan.msk.f32 $0xffff, v35;
	v35, _, _ =	vpop (xrf2)  }
0x281: {  	v37 =	vsel vm15, $0x0, v59;
	s25 =	ssub.f32 $0.0e+00, s25;
	(v2sf) =	vpush v35, $0xF;
	s7 =	spop (v2sf);
	(xrf2) =	vadd.scan.msk.f32 $0xffff, v61;
	v36, _, _ =	vpop (xrf2)  }
0x282: {  	s19 =	sadd.f32 s20, s19;
	(v2sf) =	vpush v36, $0xF;
	s8 =	spop (v2sf);
	(xrf2) =	vadd.scan.msk.f32 $0xffff, v37;
	v38, _, _ =	vpop (xrf2)  }
0x283: {  	v40 =	vsel vm15, $0x0, v57;
	s24 =	ssub.f32 $0.0e+00, s5;
	(v2sf) =	vpush v38, $0xF;
	s9 =	spop (v2sf);
	(xrf2) =	vadd.scan.msk.f32 $0xffff, v58;
	v39, _, _ =	vpop (xrf2)  }
0x284: {  	s25 =	sadd.f32 s25, s26;
	(v2sf) =	vpush v39, $0xF;
	s28 =	spop (v2sf);
	(xrf2) =	vadd.scan.msk.f32 $0xffff, v40;
	v41, _, _ =	vpop (xrf2)  }
0x285: {  	s22 =	sadd.f32 s24, s6;
	(v2sf) =	vpush v41, $0xF;
	s29 =	spop (v2sf);
	(xrf2) =	vadd.scan.msk.f32 $0xffff, v27;
	v42, _, _ =	vpop (xrf2)  }
0x286: {  	v44 =	vsel vm15, $0x0, v55;
	s23 =	ssub.f32 s7, s25;
	(v2sf) =	vpush v42, $0xF;
	s10 =	spop (v2sf);
	(xrf2) =	vadd.scan.msk.f32 $0xffff, v56;
	v43, _, _ =	vpop (xrf2)  }
0x287: {  	s21 =	ssub.f32 $0.0e+00, s8;
	(v2sf) =	vpush v43, $0xF;
	s11 =	spop (v2sf);
	(xrf2) =	vadd.scan.msk.f32 $0xffff, v44;
	v55, _, _ =	vpop (xrf2)  }
0x288: {  	v57 =	vsel vm15, $0x0, v52;
	s28 =	ssub.f32 $0.0e+00, s28;
	(v2sf) =	vpush v55, $0xF;
	s12 =	spop (v2sf);
	(xrf2) =	vadd.scan.msk.f32 $0xffff, v54;
	v56, _, _ =	vpop (xrf2)  }
0x289: {  	s20 =	sadd.f32 s21, s9;
	(v2sf) =	vpush v56, $0xF;
	s30 =	spop (v2sf);
	(xrf2) =	vadd.scan.msk.f32 $0xffff, v57;
	v58, _, _ =	vpop (xrf2)  }
0x28a: {  	s13 =	sadd.f32 s28, s29;
	(v2sf) =	vpush v58, $0xF;
	s31 =	spop (v2sf);
	(xrf2) =	vadd.scan.msk.f32 $0xffff, v26;
	v59, _, _ =	vpop (xrf2)  }
0x28b: {  	v61 =	vsel vm15, $0x0, v50;
	s26 =	ssub.f32 s10, s20;
	(v2sf) =	vpush v59, $0xF;
	s0 =	spop (v2sf);
	(xrf2) =	vadd.scan.msk.f32 $0xffff, v51;
	v60, _, _ =	vpop (xrf2)  }
0x28c: {  	s20 =	sadd.f32 s22, s23;
	(v2sf) =	vpush v60, $0xF;
	s15 =	spop (v2sf);
	(xrf2) =	vadd.scan.msk.f32 $0xffff, v61;
	v62, _, _ =	vpop (xrf2)  }
0x28d: {  	v5 =	vsel vm15, $0x0, v48;
	s24 =	ssub.f32 $0.0e+00, s11;
	(v2sf) =	vpush v62, $0xF;
	s16 =	spop (v2sf);
	(xrf2) =	vadd.scan.msk.f32 $0xffff, v49;
	v63, _, _ =	vpop (xrf2)  }
0x28e: {  	s21 =	sadd.f32 s13, s26;
	(v2sf) =	vpush v63, $0xF;
	s23 =	spop (v2sf);
	(xrf2) =	vadd.scan.msk.f32 $0xffff, v5;
	v6, _, _ =	vpop (xrf2)  }
0x28f: {  	s30 =	ssub.f32 $0.0e+00, s30;
	(v2sf) =	vpush v6, $0xF;
	s2 =	spop (v2sf);
	(xrf2) =	vadd.scan.msk.f32 $0xffff, v25;
	v16, _, _ =	vpop (xrf2)  }
0x290: {  	v22 =	vsel vm15, $0x0, v15;
	s24 =	sadd.f32 s24, s12;
	(v2sf) =	vpush v16, $0xF;
	s3 =	spop (v2sf);
	(xrf2) =	vadd.scan.msk.f32 $0xffff, v17;
	v20, _, _ =	vpop (xrf2)  }
0x291: {  	s30 =	sadd.f32 s30, s31;
	(v2sf) =	vpush v20, $0xF;
	s1 =	spop (v2sf);
	(xrf2) =	vadd.scan.msk.f32 $0xffff, v22;
	v24, _, _ =	vpop (xrf2)  }
0x292: {  	v26 =	vsel vm15, $0x0, v12;
	s0 =	ssub.f32 s0, s24;
	(v2sf) =	vpush v24, $0xF;
	s4 =	spop (v2sf);
	(xrf2) =	vadd.scan.msk.f32 $0xffff, v13;
	v25, _, _ =	vpop (xrf2)  }
0x293: {  	s6 =	ssub.f32 $0.0e+00, s15;
	(v2sf) =	vpush v25, $0xF;
	s5 =	spop (v2sf);
	(xrf2) =	vadd.scan.msk.f32 $0xffff, v26;
	v27, _, _ =	vpop (xrf2)  }
0x294: {  	s22 =	ssub.f32 $0.0e+00, s23;
	(v2sf) =	vpush v27, $0xF;
	s9 =	spop (v2sf);
	(xrf2) =	vadd.scan.msk.f32 $0xffff, v53;
	v28, _, _ =	vpop (xrf2)  }
0x295: {  	v30 =	vsel vm15, $0x0, v10;
	s28 =	sadd.f32 s6, s16;
	(v2sf) =	vpush v28, $0xF;
	s10 =	spop (v2sf);
	(xrf2) =	vadd.scan.msk.f32 $0xffff, v11;
	v29, _, _ =	vpop (xrf2)  }
0x296: {  	s23 =	sadd.f32 s22, s2;
	(v2sf) =	vpush v29, $0xF;
	s11 =	spop (v2sf);
	(xrf2) =	vadd.scan.msk.f32 $0xffff, v30;
	v31, _, _ =	vpop (xrf2)  }
0x297: {  	v33 =	vsel vm15, $0x0, v8;
	s26 =	ssub.f32 s3, s28;
	(v2sf) =	vpush v31, $0xF;
	s7 =	spop (v2sf);
	(xrf2) =	vadd.scan.msk.f32 $0xffff, v9;
	v32, _, _ =	vpop (xrf2)  }
0x298: {  	s22 =	sadd.f32 s30, s0;
	(v2sf) =	vpush v32, $0xF;
	s8 =	spop (v2sf);
	(xrf2) =	vadd.scan.msk.f32 $0xffff, v33;
	v34, _, _ =	vpop (xrf2)  }
0x299: {  	s1 =	ssub.f32 $0.0e+00, s1;
	(v2sf) =	vpush v34, $0xF;
	s3 =	spop (v2sf);
	(xrf2) =	vadd.scan.msk.f32 $0xffff, v47;
	v35, _, _ =	vpop (xrf2)  }
0x29a: {  	v37 =	vsel vm15, $0x0, v21;
	s23 =	sadd.f32 s23, s26;
	(v2sf) =	vpush v35, $0xF;
	s12 =	spop (v2sf);
	(xrf2) =	vadd.scan.msk.f32 $0xffff, v23;
	v36, _, _ =	vpop (xrf2)  }
0x29b: {  	s15 =	ssub.f32 $0.0e+00, s5;
	(v2sf) =	vpush v36, $0xF;
	s13 =	spop (v2sf);
	(xrf2) =	vadd.scan.msk.f32 $0xffff, v37;
	v38, _, _ =	vpop (xrf2)  }
0x29c: {  	v40 =	vsel vm15, $0x0, v18;
	s1 =	sadd.f32 s1, s4;
	(v2sf) =	vpush v38, $0xF;
	s26 =	spop (v2sf);
	(xrf2) =	vadd.scan.msk.f32 $0xffff, v19;
	v39, _, _ =	vpop (xrf2)  }
0x29d: {  	s9 =	sadd.f32 s15, s9;
	(v2sf) =	vpush v39, $0xF;
	s16 =	spop (v2sf);
	(xrf2) =	vadd.scan.msk.f32 $0xffff, v40;
	v41, _, _ =	vpop (xrf2)  }
0x29e: {  	s1 =	ssub.f32 s10, s1;
	(v2sf) =	vpush v41, $0xF;
	s4 =	spop (v2sf);
	(xrf2) =	vadd.scan.msk.f32 $0xffff, v46;
	v42, _, _ =	vpop (xrf2)  }
0x29f: {  	v44 =	vsel vm15, $0x0, v7;
	s11 =	ssub.f32 $0.0e+00, s11;
	(v2sf) =	vpush v42, $0xF;
	s30 =	spop (v2sf);
	(xrf2) =	vadd.scan.msk.f32 $0xffff, v14;
	v43, _, _ =	vpop (xrf2)  }
0x2a0: {  	s24 =	sadd.f32 s9, s1;
	(v2sf) =	vpush v43, $0xF;
	s10 =	spop (v2sf);
	(xrf2) =	vadd.scan.msk.f32 $0xffff, v44;
	v46, _, _ =	vpop (xrf2)  }
0x2a1: {  	s2 =	ssub.f32 $0.0e+00, s8;
	(v2sf) =	vpush v46, $0xF;
	(xrf2) =	vadd.scan.msk.f32 $0xffff, v3;
	v47, _, _ =	vpop (xrf2);
	s5 =	spop (v2sf)  }
0x2a2: {  	v49 =	vsel vm15, $0x0, v4;
	s11 =	sadd.f32 s11, s7;
	s8 =	spop (v2sf);
	(v2sf) =	vpush v47, $0xF;
	v48, _, _ =	vpop (xrf2)  }
0x2a3: {  	s3 =	sadd.f32 s2, s3;
	(xrf2) =	vadd.scan.msk.f32 $0xffff, v49;
	(v2sf) =	vpush v48, $0xF;
	v50, _, _ =	vpop (xrf2);
	s6 =	spop (v2sf)  }
0x2a4: {  	s0 =	ssub.f32 s12, s11;
	(xrf2) =	vadd.scan.msk.f32 $0xffff, v45;
	(v2sf) =	vpush v50, $0xF;
	v51, _, _ =	vpop (xrf2);
	s7 =	spop (v2sf)  }
0x2a5: {  	s12 =	ssub.f32 $0.0e+00, s13;
	s11 =	spop (v2sf);
	(v2sf) =	vpush v51, $0xF;
	v52, _, _ =	vpop (xrf2)  }
0x2a6: {  	s25 =	sadd.f32 s3, s0;
	v53, _, _ =	vpop (xrf2);
	s1 =	spop (v2sf);
	(v2sf) =	vpush v52, $0xF  }
0x2a7: {  	s13 =	ssub.f32 $0.0e+00, s16;
	v54, _, _ =	vpop (xrf2);
	s0 =	spop (v2sf);
	(v2sf) =	vpush v53, $0xF  }
0x2a8: {  	s3 =	sadd.f32 s12, s26;
	v55, _, _ =	vpop (xrf2);
	s9 =	spop (v2sf);
	(v2sf) =	vpush v54, $0xF  }
0x2a9: {  	s4 =	sadd.f32 s13, s4;
	v56, _, _ =	vpop (xrf2);
	s16 =	spop (v2sf);
	(v2sf) =	vpush v55, $0xF  }
0x2aa: {  	s3 =	ssub.f32 s30, s3;
	v57, _, _ =	vpop (xrf2);
	s15 =	spop (v2sf);
	(v2sf) =	vpush v56, $0xF  }
0x2ab: {  	s10 =	ssub.f32 $0.0e+00, s10;
	v58, _, _ =	vpop (xrf2);
	s28 =	spop (v2sf);
	(v2sf) =	vpush v57, $0xF  }
0x2ac: {  	s3 =	sadd.f32 s4, s3;
	s30 =	spop (v2sf);
	(v2sf) =	vpush v58, $0xF  }
0x2ad: {  	s29 =	ssub.f32 $0.0e+00, s8;
	v59, _, _ =	vpop (xrf2);
	s2 =	spop (v2sf)  }
0x2ae: {  	s5 =	sadd.f32 s10, s5;
	(v2sf) =	vpush v59, $0xF;
	v60, _, _ =	vpop (xrf2);
	s8 =	spop (v2sf)  }
0x2af: {  	s6 =	sadd.f32 s29, s6;
	(v2sf) =	vpush v60, $0xF;
	s10 =	spop (v2sf)  }
0x2b0: {  	s5 =	ssub.f32 s7, s5;
	s29 =	spop (v2sf)  }
0x2b1: {  	s11 =	ssub.f32 $0.0e+00, s11;
	s7 =	spop (v2sf)  }
0x2b2: {  	s5 =	sadd.f32 s6, s5;
	s4 =	spop (v2sf)  }
0x2b3: {  	s0 =	ssub.f32 $0.0e+00, s0;
	s6 =	spop (v2sf)  }
0x2b4: {  	s1 =	sadd.f32 s11, s1;
	s12 =	spop (v2sf)  }
0x2b5: {  	s0 =	sadd.f32 s0, s9;
	s13 =	spop (v2sf)  }
0x2b6: {  	s1 =	ssub.f32 s16, s1;
	s11 =	spop (v2sf)  }
0x2b7: {  	s26 =	ssub.f32 $0.0e+00, s15;
	s9 =	spop (v2sf)  }
0x2b8: {  	s0 =	sadd.f32 s0, s1;
	s15 =	spop (v2sf)  }
0x2b9: {  	s26 =	sadd.f32 s26, s28;
	s16 =	spop (v2sf)  }
0x2ba: {  	s30 =	ssub.f32 $0.0e+00, s30;
	s28 =	spop (v2sf)  }
0x2bb: {  	s31 =	ssub.f32 $0.0e+00, s16;
	s16 =	spop (v2sf)  }
0x2bc: {  	s16 =	ssub.f32 $0.0e+00, s16  }
0x2bd: {  	s28 =	sadd.f32 s31, s28;
	s31 =	spop (v2sf)  }
0x2be: {  	s16 =	sadd.f32 s16, s31;
	s31 =	spop (v2sf)  }
0x2bf: {  	s28 =	ssub.f32 s31, s28  }
0x2c0: {  	s2 =	sadd.f32 s30, s2  }
0x2c1: {  	s16 =	sadd.f32 s16, s28  }
0x2c2: {  	s7 =	ssub.f32 $0.0e+00, s7  }
0x2c3: {  	s8 =	ssub.f32 s8, s26;
	v61 =	vmov s16  }
0x2c4: {  	s4 =	sadd.f32 s7, s4;
	v0 =	vsel vm0, s17, v61  }
0x2c5: {  	s26 =	ssub.f32 $0.0e+00, s11;
	v0 =	vsel vm1, s18, v0  }
0x2c6: {  	s28 =	rddreg [dreg:$0xb];
	v0 =	vsel vm2, s19, v0  }
0x2c7: {  	s18 =	ssub.f32 $0.0e+00, s10;
	v0 =	vsel vm3, s20, v0  }
0x2c8: {  	s16 =	sadd.f32 s2, s8;
	v0 =	vsel vm4, s21, v0  }
0x2c9: {  	s2 =	sadd.f32 s18, s29;
	v0 =	vsel vm5, s22, v0  }
0x2ca: {  	s22 =	ssub.f32 $0.0e+00, s12;
	v0 =	vsel vm6, s23, v0  }
0x2cb: {  	s2 =	ssub.f32 s6, s2;
	v0 =	vsel vm7, s24, v0  }
0x2cc: {  	s6 =	sadd.f32 s22, s13;
	v0 =	vsel vm8, s25, v0  }
0x2cd: {  	v63 =	vld [tilespmem:$0x1FFF0];
	s7 =	sadd.f32 s26, s9;
	s29 =	sshll.u32 s28, $0x4;
	v0 =	vsel vm9, s3, v0  }
0x2ce: {  	v62 =	vld [tilespmem:s29+$0x15000];
	s30 =	ssub.f32 s15, s6;
	v0 =	vsel vm10, s5, v0  }
0x2cf: {  	s10 =	sadd.s32 $0x1, s28;
	s2 =	sadd.f32 s4, s2;
	v0 =	vsel vm11, s0, v0  }
0x2d0: {  	p0 =	sne.s32 s10, $0x4;
	s31 =	sadd.f32 s7, s30;
	v0 =	vsel vm12, s16, v0  }
.Ltmp4:
0x2d1: {  	v0 =	vsel vm13, s2, v0;
	(pc) =	sbr.rel @p0 .LBB2_3-.Ltmp4, $3  }
0x2d2: {  	v0 =	vsel vm14, s31, v0  }
0x2d3: {  	v0 =	vadd.f32 v62, v0;
	_ =	sdelay $0x1  }
0x2d4: {  	[tilespmem:v63+s29+$0x0 ss:$0x1] =	vst.idx.msk $0xffff, v0  }
0x2d5: {  	s0 =	rddreg [dreg:$0xa]  }
0x2d6: {  	s0 =	sadd.s32 $0x1, s0  }
0x2d7: {  	p0 =	sne.s32 s0, $0x20  }
.Ltmp5:
0x2d8: {  	_ = 	snop;
	(pc) =	sbr.rel @p0 .LBB2_2-.Ltmp5, $1  }
0x2d9: {  	_ =	sdelay $0x3  }
0x2da: {  	s1 =	simm.s32 $0x0;
	s0 =	rddreg [dreg:$0x7];
	s2 =	simm.s32 $0x15080  }
0x2db: {  	[hbm4b:s0+s1] =	stream.linear.scatter [tilespmem:s2], [sflag:$0x1], $0x1000, $0x38;
	[tilespmem:$0x16080] =	vst v63  }
0x2dc: {  	s2 =	simm.s32 $0x1  }
0x2dd: {  	_ =	swait.ge [sflag:s2], $0x1000  }
0x2de: {  	s3 =	rddreg [dreg:$0x9]  }
0x2df: {  	s31 =	rddreg [dreg:$0x8];
	s3 =	sadd.s32 $0x1, s3  }
0x2e0: {  	p0 =	sne.s32 s3, s31  }
.Ltmp6:
0x2e1: {  	_ = 	snop;
	(pc) =	sbr.rel @p0 .LBB2_1-.Ltmp6, $3  }
0x2e2: {  	_ =	sdelay $0x1  }
0x2e3: {  	[sflag:s2] =	ssyncset.done $0x0  }
0x2e4: {  	[sflag:s2] =	ssyncadd.s32 $0xFFFFF000  }
0x2e5: {  	_ =	sfence.sel $0x180000  }
0x2e6: {  	[bflag:$0x0] =	sbarrier.arrive $0xFFFF  }
0x2e7: {  	_ =	strace $0x90000047  }
0x2e8: {  	s0 =	stileid.u32;
	[bflag:$0x2] =	sbarrier.arrive $0xFFFF  }
0x2e9: {  	p0 =	sne.s32 s0, $0x0;
	s0 =	rddreg [dreg:$0x2]  }
0x2ea: {  	s0 =	sadd.s32 @!p0 $0x100000, s0  }
0x2eb: {  	[sflag:s0] =	ssyncadd.tile.s32 @!p0 $0x1;
	_ =	shalt  }
.Lfunc_end2:
_tile_overlayer_lowered:
.L_overlay_start_2:
0x2ec: {  	(tag) =	ssettag $0x2  }
0x2ed: {  	s0 =	rddreg [dreg:$0x0];
	s2 =	stileid.u32  }
0x2ee: {  	s1 =	rddreg [dreg:$0x1];
	p0 =	sne.s32 s2, $0x0  }
0x2ef: {  	s3 =	rddreg [dreg:$0x2];
	[bflag:$0x3] =	sbarrier.arrive $0xFFFF;
	s2 =	simm.s32 @!p0 $0x1C01  }
0x2f0: {  	[timem:s3], [sflag:s2] =	dma.local @!p0 [hbm:s0], s1  }
0x2f1: {  	s0 =	simm.s32 @!p0 $0x1  }
0x2f2: {  	_ =	swait.ge @!p0 [sflag:s0], s1  }
0x2f3: {  	s1 =	ssub.s32 @!p0 $0x0, s1;
	[sflag:s0] =	ssyncset.done @!p0 $0x0  }
0x2f4: {  	[sflag:s0] =	ssyncadd.s32 @!p0 s1  }
0x2f5: {  	[bflag:$0x3] =	sbarrier.arrive $0xFFFF  }
0x2f6: {  	_ =	shalt  }

</sc_bundles>
